<compile_context>
chip_gen: v7x
topology: tpu7x:2x2x1
jax: 0.10.2.dev20260603
libtpu: 0.0.44.dev20260713+nightly
codegen_flags: <defaults>
</compile_context>

<pallas_src>
import functools
import math

import jax
import jax.numpy as jnp
from jax import lax
from jax.experimental import pallas as pl
from jax.experimental.pallas import tpu as pltpu
from jax.experimental.pallas import tpu_sc as plsc

_NC = 2
_NS = 16
_NW = _NC * _NS
_LANES = 16
_CHUNK = 128
_NBUF = 4
_TPAD = _CHUNK + 1


@functools.lru_cache(maxsize=None)
def _make_lookup(B, V, D, T, scale):
    N = B // T
    assert D % _LANES == 0 and N % _CHUNK == 0 and D % 8 == 0
    b_per_w = B // _NW
    assert b_per_w % (_CHUNK * _NBUF) == 0
    n_chunks = b_per_w // _CHUNK
    n_outer = n_chunks // _NBUF
    jcols = N // _CHUNK
    npiece = D // 8
    mesh = plsc.VectorSubcoreMesh(core_axis_name="c", subcore_axis_name="s")

    @functools.partial(
        pl.kernel,
        mesh=mesh,
        out_type=jax.ShapeDtypeStruct((B * D // _CHUNK, _CHUNK), jnp.float32),
        scratch_types=(
            [pltpu.VMEM((b_per_w,), jnp.int32)]
            + [pltpu.VMEM((_CHUNK, D), jnp.float32) for _ in range(_NBUF)]
            + [pltpu.VMEM((D, _TPAD), jnp.float32) for _ in range(_NBUF)]
            + [pltpu.SemaphoreType.DMA for _ in range(2 * _NBUF)]
        ),
        compiler_params=pltpu.CompilerParams(
            use_tc_tiling_on_sc=False, needs_layout_passes=False
        ),
    )
    def lookup(idx_hbm, table_hbm, out_hbm, idx_v, *rest):
        g_buf = rest[:_NBUF]
        t_buf = rest[_NBUF:2 * _NBUF]
        sem_g = rest[2 * _NBUF:3 * _NBUF]
        sem_o = rest[3 * _NBUF:]

        wid = lax.axis_index("s") * _NC + lax.axis_index("c")
        base = wid * b_per_w
        c0 = wid * n_chunks
        pltpu.sync_copy(idx_hbm.at[pl.ds(base, b_per_w)], idx_v)

        def start_gather(b, c):
            start = pl.multiple_of(c * _CHUNK, _CHUNK)
            pltpu.async_copy(
                table_hbm.at[idx_v.at[pl.ds(start, _CHUNK)]], g_buf[b], sem_g[b]
            )

        for b in range(_NBUF):
            start_gather(b, b)

        lane = lax.iota(jnp.int32, _LANES)
        cvecs = [lane + k * _LANES for k in range(D // _LANES)]
        zero = lane * 0

        def outer(g, carry):
            for b in range(_NBUF):
                c = g * _NBUF + b
                pltpu.make_async_copy(
                    table_hbm.at[pl.ds(0, _CHUNK)], g_buf[b], sem_g[b]
                ).wait()

                @plsc.parallel_loop(0, _CHUNK, step=1, unroll=8)
                def _(r, b=b):
                    rvec = zero + r
                    for k in range(D // _LANES):
                        v = g_buf[b][r, pl.ds(k * _LANES, _LANES)]
                        plsc.store_scatter(t_buf[b], [cvecs[k], rvec], v * scale)

                @pl.when(g > 0)
                def _(b=b):
                    pltpu.make_async_copy(
                        out_hbm.at[pl.ds(0, D)],
                        t_buf[b].at[pl.ds(0, D), pl.ds(0, _CHUNK)],
                        sem_o[b],
                    ).wait()

                cg = c0 + c
                t2 = cg // jcols
                j = cg % jcols
                for i in range(npiece):
                    qrow = ((t2 * npiece + i) * jcols + j) * 8
                    pltpu.async_copy(
                        t_buf[b].at[pl.ds(i * 8, 8), pl.ds(0, _CHUNK)],
                        out_hbm.at[pl.ds(qrow, 8)],
                        sem_o[b],
                    )

                @pl.when(c + _NBUF < n_chunks)
                def _(b=b, c=c):
                    start_gather(b, c + _NBUF)
            return carry

        lax.fori_loop(0, n_outer, outer, 0)

        for b in range(_NBUF):
            pltpu.make_async_copy(
                out_hbm.at[pl.ds(0, D)],
                t_buf[b].at[pl.ds(0, D), pl.ds(0, _CHUNK)],
                sem_o[b],
            ).wait()

    return lookup


def kernel(tokens, table):
    n, t = tokens.shape
    V, D = table.shape
    B = n * t
    idx = tokens.T.reshape(B).astype(jnp.int32)
    q = _make_lookup(B, V, D, t, float(math.sqrt(D)))(idx, table)
    q5 = q.reshape(t, D // 8, n // 128, 8, 128)
    return q5.transpose(2, 4, 0, 1, 3).reshape(n, t, D)

# --- scband reference (transcript-rebuilt; emitter-appended) ---
"""Pipeline reference for scband-token-embedding-34462817583705 (READ-ONLY COPY).

The authoritative reference and input builder live on the scoring server;
editing this copy changes nothing except your own understanding.
"""

import math
import jax, jax.numpy as jnp
import numpy as np

VOCAB = 1000000
EMB = 64

def setup_inputs(seed: int = 0) -> dict:
    key = jax.random.key(seed)
    k_tok, k_w = jax.random.split(key)
    tokens = jax.random.randint(k_tok, (4096, 200), 0, VOCAB, dtype=jnp.int64 if jax.config.jax_enable_x64 else jnp.int32)
    table = jax.random.normal(k_w, (VOCAB, EMB), dtype=jnp.float32)
    return {"tokens": tokens, "table": table}

def reference(tokens, table):
    # Faithful to TokenEmbedding.forward: embedding(tokens) * sqrt(emb_size)
    emb = jnp.take(table, tokens, axis=0)
    return emb * math.sqrt(EMB)

if __name__ == "__main__":
    import jax
    _d = setup_inputs()
    print(jax.jit(kernel)(*tuple(_d.values())))

</pallas_src>

<mosaic_0001>
#map = affine_map<(d0, d1) -> (0)>
#map1 = affine_map<(d0, d1) -> (0, 0)>
module attributes {stable_mosaic.version = 14 : i64} {
  func.func @lookup(%arg0: i32, %arg1: i32, %arg2: memref<819200xi32, #tpu.memory_space<hbm>>, %arg3: memref<1000000x64xf32, #tpu.memory_space<hbm>>, %arg4: memref<409600x128xf32, #tpu.memory_space<hbm>>, %arg5: memref<25600xi32, #tpu.memory_space<vmem>>, %arg6: memref<128x64xf32, #tpu.memory_space<vmem>>, %arg7: memref<128x64xf32, #tpu.memory_space<vmem>>, %arg8: memref<128x64xf32, #tpu.memory_space<vmem>>, %arg9: memref<128x64xf32, #tpu.memory_space<vmem>>, %arg10: memref<64x129xf32, #tpu.memory_space<vmem>>, %arg11: memref<64x129xf32, #tpu.memory_space<vmem>>, %arg12: memref<64x129xf32, #tpu.memory_space<vmem>>, %arg13: memref<64x129xf32, #tpu.memory_space<vmem>>, %arg14: memref<!tpu.dma_semaphore, #tpu.memory_space<semaphore_mem>>, %arg15: memref<!tpu.dma_semaphore, #tpu.memory_space<semaphore_mem>>, %arg16: memref<!tpu.dma_semaphore, #tpu.memory_space<semaphore_mem>>, %arg17: memref<!tpu.dma_semaphore, #tpu.memory_space<semaphore_mem>>, %arg18: memref<!tpu.dma_semaphore, #tpu.memory_space<semaphore_mem>>, %arg19: memref<!tpu.dma_semaphore, #tpu.memory_space<semaphore_mem>>, %arg20: memref<!tpu.dma_semaphore, #tpu.memory_space<semaphore_mem>>, %arg21: memref<!tpu.dma_semaphore, #tpu.memory_space<semaphore_mem>>) attributes {dimension_semantics = [#tpu.dimension_semantics<core_parallel>, #tpu.dimension_semantics<subcore_parallel>], iteration_bounds = array<i64: 2, 16>, scalar_prefetch = 0 : i64, scratch_operands = 17 : i64, tpu.core_type = #tpu.core_type<sc_vector_subcore>, window_params = [{transform_indices = #map}, {transform_indices = #map1}, {transform_indices = #map1}]} {
    %mul3A = arith.constant 2 : i32
    %mul3A_0 = arith.muli %arg1, %mul3A : i32
    %add3A = arith.addi %mul3A_0, %arg0 : i32
    %mul3A_1 = arith.constant 25600 : i32
    %mul3A_2 = arith.muli %add3A, %mul3A_1 : i32
    %mul3A_3 = arith.constant 200 : i32
    %mul3A_4 = arith.muli %add3A, %mul3A_3 : i32
    "tpu.region"() ({
      %run_scoped3A = tpu.sem_alloc : memref<!tpu.dma_semaphore, #tpu.memory_space<semaphore_mem>>
      %dma_start3A_94 = tpu.memref_slice %arg2[%mul3A_2] : memref<819200xi32, #tpu.memory_space<hbm>> -> memref<25600xi32, #tpu.memory_space<hbm>>
      %dma_start3A_95 = tpu.memref_slice %arg2[%mul3A_2] : memref<819200xi32, #tpu.memory_space<hbm>> -> memref<25600xi32, #tpu.memory_space<hbm>>
      tpu.enqueue_dma source(%dma_start3A_95 : memref<25600xi32, #tpu.memory_space<hbm>>) target(%arg5 : memref<25600xi32, #tpu.memory_space<vmem>>) target_semaphore(%run_scoped3A : memref<!tpu.dma_semaphore, #tpu.memory_space<semaphore_mem>>)
      %dma_wait3A_96 = tpu.memref_slice %arg2[%mul3A_2] : memref<819200xi32, #tpu.memory_space<hbm>> -> memref<25600xi32, #tpu.memory_space<hbm>>
      %dma_wait3A_97 = tpu.memref_slice %arg2[%mul3A_2] : memref<819200xi32, #tpu.memory_space<hbm>> -> memref<25600xi32, #tpu.memory_space<hbm>>
      tpu.wait_dma2 semaphore(%run_scoped3A : memref<!tpu.dma_semaphore, #tpu.memory_space<semaphore_mem>>) src(%dma_wait3A_97 : memref<25600xi32, #tpu.memory_space<hbm>>) dst(%arg5 : memref<25600xi32, #tpu.memory_space<vmem>>)
      tpu.yield
    }) : () -> ()
    %multiple_of3A = arith.constant 0 : i32
    %multiple_of3A_5 = tpu.assume_multiple %multiple_of3A, 128 : i32
    %dma_start3A = tpu.memref_slice %arg5[%multiple_of3A_5] : memref<25600xi32, #tpu.memory_space<vmem>> -> memref<128xi32, #tpu.memory_space<vmem>>
    %dma_start3A_6 = arith.constant 0 : i32
    %dma_start3A_7 = arith.constant 0 : i32
    %dma_start3A_8 = tpu.memref_slice %arg3[%dma_start3A_6, %dma_start3A_7] : memref<1000000x64xf32, #tpu.memory_space<hbm>> -> memref<1000000x64xf32, #tpu.memory_space<hbm>>
    tpu.enqueue_indirect_dma source(%dma_start3A_8 : memref<1000000x64xf32, #tpu.memory_space<hbm>>) target(%arg6 : memref<128x64xf32, #tpu.memory_space<vmem>>) offsets(%dma_start3A : memref<128xi32, #tpu.memory_space<vmem>>) semaphore(%arg14 : memref<!tpu.dma_semaphore, #tpu.memory_space<semaphore_mem>>)
    %multiple_of3A_9 = arith.constant 128 : i32
    %multiple_of3A_10 = tpu.assume_multiple %multiple_of3A_9, 128 : i32
    %dma_start3A_11 = tpu.memref_slice %arg5[%multiple_of3A_10] : memref<25600xi32, #tpu.memory_space<vmem>> -> memref<128xi32, #tpu.memory_space<vmem>>
    %dma_start3A_12 = arith.constant 0 : i32
    %dma_start3A_13 = arith.constant 0 : i32
    %dma_start3A_14 = tpu.memref_slice %arg3[%dma_start3A_12, %dma_start3A_13] : memref<1000000x64xf32, #tpu.memory_space<hbm>> -> memref<1000000x64xf32, #tpu.memory_space<hbm>>
    tpu.enqueue_indirect_dma source(%dma_start3A_14 : memref<1000000x64xf32, #tpu.memory_space<hbm>>) target(%arg7 : memref<128x64xf32, #tpu.memory_space<vmem>>) offsets(%dma_start3A_11 : memref<128xi32, #tpu.memory_space<vmem>>) semaphore(%arg15 : memref<!tpu.dma_semaphore, #tpu.memory_space<semaphore_mem>>)
    %multiple_of3A_15 = arith.constant 256 : i32
    %multiple_of3A_16 = tpu.assume_multiple %multiple_of3A_15, 128 : i32
    %dma_start3A_17 = tpu.memref_slice %arg5[%multiple_of3A_16] : memref<25600xi32, #tpu.memory_space<vmem>> -> memref<128xi32, #tpu.memory_space<vmem>>
    %dma_start3A_18 = arith.constant 0 : i32
    %dma_start3A_19 = arith.constant 0 : i32
    %dma_start3A_20 = tpu.memref_slice %arg3[%dma_start3A_18, %dma_start3A_19] : memref<1000000x64xf32, #tpu.memory_space<hbm>> -> memref<1000000x64xf32, #tpu.memory_space<hbm>>
    tpu.enqueue_indirect_dma source(%dma_start3A_20 : memref<1000000x64xf32, #tpu.memory_space<hbm>>) target(%arg8 : memref<128x64xf32, #tpu.memory_space<vmem>>) offsets(%dma_start3A_17 : memref<128xi32, #tpu.memory_space<vmem>>) semaphore(%arg16 : memref<!tpu.dma_semaphore, #tpu.memory_space<semaphore_mem>>)
    %multiple_of3A_21 = arith.constant 384 : i32
    %multiple_of3A_22 = tpu.assume_multiple %multiple_of3A_21, 128 : i32
    %dma_start3A_23 = tpu.memref_slice %arg5[%multiple_of3A_22] : memref<25600xi32, #tpu.memory_space<vmem>> -> memref<128xi32, #tpu.memory_space<vmem>>
    %dma_start3A_24 = arith.constant 0 : i32
    %dma_start3A_25 = arith.constant 0 : i32
    %dma_start3A_26 = tpu.memref_slice %arg3[%dma_start3A_24, %dma_start3A_25] : memref<1000000x64xf32, #tpu.memory_space<hbm>> -> memref<1000000x64xf32, #tpu.memory_space<hbm>>
    tpu.enqueue_indirect_dma source(%dma_start3A_26 : memref<1000000x64xf32, #tpu.memory_space<hbm>>) target(%arg9 : memref<128x64xf32, #tpu.memory_space<vmem>>) offsets(%dma_start3A_23 : memref<128xi32, #tpu.memory_space<vmem>>) semaphore(%arg17 : memref<!tpu.dma_semaphore, #tpu.memory_space<semaphore_mem>>)
    %iota3A = tpu.iota {dimensions = array<i32: 0>} : vector<16xi32>
    %add3A_27 = arith.constant 0 : i32
    %add3A_28 = vector.broadcast %add3A_27 : i32 to vector<16xi32>
    %add3A_29 = arith.addi %iota3A, %add3A_28 : vector<16xi32>
    %add3A_30 = arith.constant 16 : i32
    %add3A_31 = vector.broadcast %add3A_30 : i32 to vector<16xi32>
    %add3A_32 = arith.addi %iota3A, %add3A_31 : vector<16xi32>
    %add3A_33 = arith.constant 32 : i32
    %add3A_34 = vector.broadcast %add3A_33 : i32 to vector<16xi32>
    %add3A_35 = arith.addi %iota3A, %add3A_34 : vector<16xi32>
    %add3A_36 = arith.constant 48 : i32
    %add3A_37 = vector.broadcast %add3A_36 : i32 to vector<16xi32>
    %add3A_38 = arith.addi %iota3A, %add3A_37 : vector<16xi32>
    %mul3A_39 = arith.constant 0 : i32
    %mul3A_40 = vector.broadcast %mul3A_39 : i32 to vector<16xi32>
    %mul3A_41 = arith.muli %iota3A, %mul3A_40 : vector<16xi32>
    %scan3A = arith.constant 0 : i32
    %scan3A_42 = arith.constant 0 : i32
    %scan3A_43 = arith.constant 50 : i32
    %scan3A_44 = arith.addi %scan3A_42, %scan3A_43 : i32
    %scan3A_45 = arith.constant 1 : i32
    scf.for %scan3A_94 = %scan3A_42 to %scan3A_44 step %scan3A_45  : i32 {
      %mul3A_95 = arith.constant 4 : i32
      %mul3A_96 = arith.muli %scan3A_94, %mul3A_95 : i32
      %add3A_97 = arith.constant 0 : i32
      %add3A_98 = arith.addi %mul3A_96, %add3A_97 : i32
      %dma_wait3A_99 = arith.constant 0 : i32
      %dma_wait3A_100 = arith.constant 0 : i32
      %dma_wait3A_101 = tpu.memref_slice %arg3[%dma_wait3A_99, %dma_wait3A_100] : memref<1000000x64xf32, #tpu.memory_space<hbm>> -> memref<128x64xf32, #tpu.memory_space<hbm>>
      %dma_wait3A_102 = arith.constant 0 : i32
      %dma_wait3A_103 = arith.constant 0 : i32
      %dma_wait3A_104 = tpu.memref_slice %arg3[%dma_wait3A_102, %dma_wait3A_103] : memref<1000000x64xf32, #tpu.memory_space<hbm>> -> memref<128x64xf32, #tpu.memory_space<hbm>>
      tpu.wait_dma2 semaphore(%arg14 : memref<!tpu.dma_semaphore, #tpu.memory_space<semaphore_mem>>) src(%dma_wait3A_104 : memref<128x64xf32, #tpu.memory_space<hbm>>) dst(%arg6 : memref<128x64xf32, #tpu.memory_space<vmem>>)
      %parallel_loop3A = arith.constant 0 : i32
      %parallel_loop3A_105 = arith.constant 128 : i32
      %parallel_loop3A_106 = arith.constant 1 : i32
      scf.for %parallel_loop3A_953 = %parallel_loop3A to %parallel_loop3A_105 step %parallel_loop3A_106  : i32 {
        %parallel_loop3A_954 = vector.broadcast %parallel_loop3A_953 : i32 to vector<16xi32>
        %parallel_loop3A_955 = arith.addi %mul3A_41, %parallel_loop3A_954 : vector<16xi32>
        %parallel_loop3A_956 = arith.index_cast %parallel_loop3A_953 : i32 to index
        %parallel_loop3A_957 = arith.constant 0 : index
        %parallel_loop3A_958 = tpu.vector_load %arg6[%parallel_loop3A_956, %parallel_loop3A_957] {strides = array<i32>} : memref<128x64xf32, #tpu.memory_space<vmem>>, vector<16xf32>,
        %parallel_loop3A_959 = arith.constant 8.000000e+00 : f32
        %parallel_loop3A_960 = vector.broadcast %parallel_loop3A_959 : f32 to vector<16xf32>
        %parallel_loop3A_961 = arith.mulf %parallel_loop3A_958, %parallel_loop3A_960 : vector<16xf32>
        tpu.vector_store_idx %arg10[%add3A_29, %parallel_loop3A_955], %parallel_loop3A_961 : memref<64x129xf32, #tpu.memory_space<vmem>>[vector<16xi32>, vector<16xi32>], vector<16xf32>,
        %parallel_loop3A_962 = arith.index_cast %parallel_loop3A_953 : i32 to index
        %parallel_loop3A_963 = arith.constant 16 : index
        %parallel_loop3A_964 = tpu.vector_load %arg6[%parallel_loop3A_962, %parallel_loop3A_963] {strides = array<i32>} : memref<128x64xf32, #tpu.memory_space<vmem>>, vector<16xf32>,
        %parallel_loop3A_965 = arith.constant 8.000000e+00 : f32
        %parallel_loop3A_966 = vector.broadcast %parallel_loop3A_965 : f32 to vector<16xf32>
        %parallel_loop3A_967 = arith.mulf %parallel_loop3A_964, %parallel_loop3A_966 : vector<16xf32>
        tpu.vector_store_idx %arg10[%add3A_32, %parallel_loop3A_955], %parallel_loop3A_967 : memref<64x129xf32, #tpu.memory_space<vmem>>[vector<16xi32>, vector<16xi32>], vector<16xf32>,
        %parallel_loop3A_968 = arith.index_cast %parallel_loop3A_953 : i32 to index
        %parallel_loop3A_969 = arith.constant 32 : index
        %parallel_loop3A_970 = tpu.vector_load %arg6[%parallel_loop3A_968, %parallel_loop3A_969] {strides = array<i32>} : memref<128x64xf32, #tpu.memory_space<vmem>>, vector<16xf32>,
        %parallel_loop3A_971 = arith.constant 8.000000e+00 : f32
        %parallel_loop3A_972 = vector.broadcast %parallel_loop3A_971 : f32 to vector<16xf32>
        %parallel_loop3A_973 = arith.mulf %parallel_loop3A_970, %parallel_loop3A_972 : vector<16xf32>
        tpu.vector_store_idx %arg10[%add3A_35, %parallel_loop3A_955], %parallel_loop3A_973 : memref<64x129xf32, #tpu.memory_space<vmem>>[vector<16xi32>, vector<16xi32>], vector<16xf32>,
        %parallel_loop3A_974 = arith.index_cast %parallel_loop3A_953 : i32 to index
        %parallel_loop3A_975 = arith.constant 48 : index
        %parallel_loop3A_976 = tpu.vector_load %arg6[%parallel_loop3A_974, %parallel_loop3A_975] {strides = array<i32>} : memref<128x64xf32, #tpu.memory_space<vmem>>, vector<16xf32>,
        %parallel_loop3A_977 = arith.constant 8.000000e+00 : f32
        %parallel_loop3A_978 = vector.broadcast %parallel_loop3A_977 : f32 to vector<16xf32>
        %parallel_loop3A_979 = arith.mulf %parallel_loop3A_976, %parallel_loop3A_978 : vector<16xf32>
        tpu.vector_store_idx %arg10[%add3A_38, %parallel_loop3A_955], %parallel_loop3A_979 : memref<64x129xf32, #tpu.memory_space<vmem>>[vector<16xi32>, vector<16xi32>], vector<16xf32>,
      } {sc.loop_unroll_factor = 8 : i64, sc.parallel_access}
      %gt3A = arith.constant 0 : i32
      %gt3A_107 = arith.cmpi sgt, %scan3A_94, %gt3A : i32
      %convert_element_type3A = arith.extui %gt3A_107 : i1 to i32
      %cond3A = arith.constant 0 : i32
      %cond3A_108 = arith.cmpi ne, %convert_element_type3A, %cond3A : i32
      scf.if %cond3A_108 {
        %dma_wait3A_953 = arith.constant 0 : i32
        %dma_wait3A_954 = arith.constant 0 : i32
        %dma_wait3A_955 = tpu.memref_slice %arg10[%dma_wait3A_953, %dma_wait3A_954] : memref<64x129xf32, #tpu.memory_space<vmem>> -> memref<64x128xf32, #tpu.memory_space<vmem>>
        %dma_wait3A_956 = arith.constant 0 : i32
        %dma_wait3A_957 = arith.constant 0 : i32
        %dma_wait3A_958 = tpu.memref_slice %arg4[%dma_wait3A_956, %dma_wait3A_957] : memref<409600x128xf32, #tpu.memory_space<hbm>> -> memref<64x128xf32, #tpu.memory_space<hbm>>
        %dma_wait3A_959 = arith.constant 0 : i32
        %dma_wait3A_960 = arith.constant 0 : i32
        %dma_wait3A_961 = tpu.memref_slice %arg10[%dma_wait3A_959, %dma_wait3A_960] : memref<64x129xf32, #tpu.memory_space<vmem>> -> memref<64x128xf32, #tpu.memory_space<vmem>>
        %dma_wait3A_962 = arith.constant 0 : i32
        %dma_wait3A_963 = arith.constant 0 : i32
        %dma_wait3A_964 = tpu.memref_slice %arg4[%dma_wait3A_962, %dma_wait3A_963] : memref<409600x128xf32, #tpu.memory_space<hbm>> -> memref<64x128xf32, #tpu.memory_space<hbm>>
        tpu.wait_dma2 semaphore(%arg18 : memref<!tpu.dma_semaphore, #tpu.memory_space<semaphore_mem>>) src(%dma_wait3A_964 : memref<64x128xf32, #tpu.memory_space<hbm>>) dst(%dma_wait3A_961 : memref<64x128xf32, #tpu.memory_space<vmem>>)
      } else {
      }
      %add3A_109 = arith.addi %mul3A_4, %add3A_98 : i32
      %jit3A = arith.constant 32 : i32
      %div3A = arith.divsi %add3A_109, %jit3A : i32
      %sign3A = arith.constant 0 : i32
      %sign3A_110 = arith.cmpi sgt, %add3A_109, %sign3A : i32
      %sign3A_111 = arith.extui %sign3A_110 : i1 to i32
      %sign3A_112 = arith.constant 0 : i32
      %sign3A_113 = arith.cmpi slt, %add3A_109, %sign3A_112 : i32
      %sign3A_114 = arith.extui %sign3A_113 : i1 to i32
      %sign3A_115 = arith.subi %sign3A_111, %sign3A_114 : i32
      %sign3A_116 = arith.constant 0 : i32
      %sign3A_117 = arith.cmpi sgt, %jit3A, %sign3A_116 : i32
      %sign3A_118 = arith.extui %sign3A_117 : i1 to i32
      %sign3A_119 = arith.constant 0 : i32
      %sign3A_120 = arith.cmpi slt, %jit3A, %sign3A_119 : i32
      %sign3A_121 = arith.extui %sign3A_120 : i1 to i32
      %sign3A_122 = arith.subi %sign3A_118, %sign3A_121 : i32
      %ne3A = arith.cmpi ne, %sign3A_115, %sign3A_122 : i32
      %rem3A = arith.remsi %add3A_109, %jit3A : i32
      %ne3A_123 = arith.constant 0 : i32
      %ne3A_124 = arith.cmpi ne, %rem3A, %ne3A_123 : i32
      %and3A = arith.andi %ne3A, %ne3A_124 : i1
      %sub3A = arith.constant 1 : i32
      %sub3A_125 = arith.subi %div3A, %sub3A : i32
      %select_n3A = arith.select %and3A, %sub3A_125, %div3A : i32
      %jit3A_126 = arith.constant 32 : i32
      %eq3A = arith.constant 0 : i32
      %eq3A_127 = arith.cmpi eq, %jit3A_126, %eq3A : i32
      %jit3A_128 = arith.constant 1 : i32
      %select_n3A_129 = arith.select %eq3A_127, %jit3A_128, %jit3A_126 : i32
      %rem3A_130 = arith.remsi %add3A_109, %select_n3A_129 : i32
      %ne3A_131 = arith.constant 0 : i32
      %ne3A_132 = arith.cmpi ne, %rem3A_130, %ne3A_131 : i32
      %lt3A = arith.constant 0 : i32
      %lt3A_133 = arith.cmpi slt, %rem3A_130, %lt3A : i32
      %lt3A_134 = arith.constant 0 : i32
      %lt3A_135 = arith.cmpi slt, %select_n3A_129, %lt3A_134 : i32
      %ne3A_136 = arith.xori %lt3A_133, %lt3A_135 : i1
      %and3A_137 = arith.andi %ne3A_136, %ne3A_132 : i1
      %add3A_138 = arith.addi %rem3A_130, %select_n3A_129 : i32
      %select_n3A_139 = arith.select %and3A_137, %add3A_138, %rem3A_130 : i32
      %mul3A_140 = arith.constant 8 : i32
      %mul3A_141 = arith.muli %select_n3A, %mul3A_140 : i32
      %add3A_142 = arith.constant 0 : i32
      %add3A_143 = arith.addi %mul3A_141, %add3A_142 : i32
      %mul3A_144 = arith.constant 32 : i32
      %mul3A_145 = arith.muli %add3A_143, %mul3A_144 : i32
      %add3A_146 = arith.addi %mul3A_145, %select_n3A_139 : i32
      %mul3A_147 = arith.constant 8 : i32
      %mul3A_148 = arith.muli %add3A_146, %mul3A_147 : i32
      %dma_start3A_149 = arith.constant 0 : i32
      %dma_start3A_150 = arith.constant 0 : i32
      %dma_start3A_151 = tpu.memref_slice %arg10[%dma_start3A_149, %dma_start3A_150] : memref<64x129xf32, #tpu.memory_space<vmem>> -> memref<8x128xf32, #tpu.memory_space<vmem>>
      %dma_start3A_152 = arith.constant 0 : i32
      %dma_start3A_153 = tpu.memref_slice %arg4[%mul3A_148, %dma_start3A_152] : memref<409600x128xf32, #tpu.memory_space<hbm>> -> memref<8x128xf32, #tpu.memory_space<hbm>>
      %dma_start3A_154 = arith.constant 0 : i32
      %dma_start3A_155 = tpu.memref_slice %arg4[%mul3A_148, %dma_start3A_154] : memref<409600x128xf32, #tpu.memory_space<hbm>> -> memref<8x128xf32, #tpu.memory_space<hbm>>
      %dma_start3A_156 = arith.constant 0 : i32
      %dma_start3A_157 = arith.constant 0 : i32
      %dma_start3A_158 = tpu.memref_slice %arg10[%dma_start3A_156, %dma_start3A_157] : memref<64x129xf32, #tpu.memory_space<vmem>> -> memref<8x128xf32, #tpu.memory_space<vmem>>
      tpu.enqueue_dma source(%dma_start3A_158 : memref<8x128xf32, #tpu.memory_space<vmem>>) target(%dma_start3A_155 : memref<8x128xf32, #tpu.memory_space<hbm>>) target_semaphore(%arg18 : memref<!tpu.dma_semaphore, #tpu.memory_space<semaphore_mem>>)
      %mul3A_159 = arith.constant 8 : i32
      %mul3A_160 = arith.muli %select_n3A, %mul3A_159 : i32
      %add3A_161 = arith.constant 1 : i32
      %add3A_162 = arith.addi %mul3A_160, %add3A_161 : i32
      %mul3A_163 = arith.constant 32 : i32
      %mul3A_164 = arith.muli %add3A_162, %mul3A_163 : i32
      %add3A_165 = arith.addi %mul3A_164, %select_n3A_139 : i32
      %mul3A_166 = arith.constant 8 : i32
      %mul3A_167 = arith.muli %add3A_165, %mul3A_166 : i32
      %dma_start3A_168 = arith.constant 8 : i32
      %dma_start3A_169 = arith.constant 0 : i32
      %dma_start3A_170 = tpu.memref_slice %arg10[%dma_start3A_168, %dma_start3A_169] : memref<64x129xf32, #tpu.memory_space<vmem>> -> memref<8x128xf32, #tpu.memory_space<vmem>>
      %dma_start3A_171 = arith.constant 0 : i32
      %dma_start3A_172 = tpu.memref_slice %arg4[%mul3A_167, %dma_start3A_171] : memref<409600x128xf32, #tpu.memory_space<hbm>> -> memref<8x128xf32, #tpu.memory_space<hbm>>
      %dma_start3A_173 = arith.constant 0 : i32
      %dma_start3A_174 = tpu.memref_slice %arg4[%mul3A_167, %dma_start3A_173] : memref<409600x128xf32, #tpu.memory_space<hbm>> -> memref<8x128xf32, #tpu.memory_space<hbm>>
      %dma_start3A_175 = arith.constant 8 : i32
      %dma_start3A_176 = arith.constant 0 : i32
      %dma_start3A_177 = tpu.memref_slice %arg10[%dma_start3A_175, %dma_start3A_176] : memref<64x129xf32, #tpu.memory_space<vmem>> -> memref<8x128xf32, #tpu.memory_space<vmem>>
      tpu.enqueue_dma source(%dma_start3A_177 : memref<8x128xf32, #tpu.memory_space<vmem>>) target(%dma_start3A_174 : memref<8x128xf32, #tpu.memory_space<hbm>>) target_semaphore(%arg18 : memref<!tpu.dma_semaphore, #tpu.memory_space<semaphore_mem>>)
      %mul3A_178 = arith.constant 8 : i32
      %mul3A_179 = arith.muli %select_n3A, %mul3A_178 : i32
      %add3A_180 = arith.constant 2 : i32
      %add3A_181 = arith.addi %mul3A_179, %add3A_180 : i32
      %mul3A_182 = arith.constant 32 : i32
      %mul3A_183 = arith.muli %add3A_181, %mul3A_182 : i32
      %add3A_184 = arith.addi %mul3A_183, %select_n3A_139 : i32
      %mul3A_185 = arith.constant 8 : i32
      %mul3A_186 = arith.muli %add3A_184, %mul3A_185 : i32
      %dma_start3A_187 = arith.constant 16 : i32
      %dma_start3A_188 = arith.constant 0 : i32
      %dma_start3A_189 = tpu.memref_slice %arg10[%dma_start3A_187, %dma_start3A_188] : memref<64x129xf32, #tpu.memory_space<vmem>> -> memref<8x128xf32, #tpu.memory_space<vmem>>
      %dma_start3A_190 = arith.constant 0 : i32
      %dma_start3A_191 = tpu.memref_slice %arg4[%mul3A_186, %dma_start3A_190] : memref<409600x128xf32, #tpu.memory_space<hbm>> -> memref<8x128xf32, #tpu.memory_space<hbm>>
      %dma_start3A_192 = arith.constant 0 : i32
      %dma_start3A_193 = tpu.memref_slice %arg4[%mul3A_186, %dma_start3A_192] : memref<409600x128xf32, #tpu.memory_space<hbm>> -> memref<8x128xf32, #tpu.memory_space<hbm>>
      %dma_start3A_194 = arith.constant 16 : i32
      %dma_start3A_195 = arith.constant 0 : i32
      %dma_start3A_196 = tpu.memref_slice %arg10[%dma_start3A_194, %dma_start3A_195] : memref<64x129xf32, #tpu.memory_space<vmem>> -> memref<8x128xf32, #tpu.memory_space<vmem>>
      tpu.enqueue_dma source(%dma_start3A_196 : memref<8x128xf32, #tpu.memory_space<vmem>>) target(%dma_start3A_193 : memref<8x128xf32, #tpu.memory_space<hbm>>) target_semaphore(%arg18 : memref<!tpu.dma_semaphore, #tpu.memory_space<semaphore_mem>>)
      %mul3A_197 = arith.constant 8 : i32
      %mul3A_198 = arith.muli %select_n3A, %mul3A_197 : i32
      %add3A_199 = arith.constant 3 : i32
      %add3A_200 = arith.addi %mul3A_198, %add3A_199 : i32
      %mul3A_201 = arith.constant 32 : i32
      %mul3A_202 = arith.muli %add3A_200, %mul3A_201 : i32
      %add3A_203 = arith.addi %mul3A_202, %select_n3A_139 : i32
      %mul3A_204 = arith.constant 8 : i32
      %mul3A_205 = arith.muli %add3A_203, %mul3A_204 : i32
      %dma_start3A_206 = arith.constant 24 : i32
      %dma_start3A_207 = arith.constant 0 : i32
      %dma_start3A_208 = tpu.memref_slice %arg10[%dma_start3A_206, %dma_start3A_207] : memref<64x129xf32, #tpu.memory_space<vmem>> -> memref<8x128xf32, #tpu.memory_space<vmem>>
      %dma_start3A_209 = arith.constant 0 : i32
      %dma_start3A_210 = tpu.memref_slice %arg4[%mul3A_205, %dma_start3A_209] : memref<409600x128xf32, #tpu.memory_space<hbm>> -> memref<8x128xf32, #tpu.memory_space<hbm>>
      %dma_start3A_211 = arith.constant 0 : i32
      %dma_start3A_212 = tpu.memref_slice %arg4[%mul3A_205, %dma_start3A_211] : memref<409600x128xf32, #tpu.memory_space<hbm>> -> memref<8x128xf32, #tpu.memory_space<hbm>>
      %dma_start3A_213 = arith.constant 24 : i32
      %dma_start3A_214 = arith.constant 0 : i32
      %dma_start3A_215 = tpu.memref_slice %arg10[%dma_start3A_213, %dma_start3A_214] : memref<64x129xf32, #tpu.memory_space<vmem>> -> memref<8x128xf32, #tpu.memory_space<vmem>>
      tpu.enqueue_dma source(%dma_start3A_215 : memref<8x128xf32, #tpu.memory_space<vmem>>) target(%dma_start3A_212 : memref<8x128xf32, #tpu.memory_space<hbm>>) target_semaphore(%arg18 : memref<!tpu.dma_semaphore, #tpu.memory_space<semaphore_mem>>)
      %mul3A_216 = arith.constant 8 : i32
      %mul3A_217 = arith.muli %select_n3A, %mul3A_216 : i32
      %add3A_218 = arith.constant 4 : i32
      %add3A_219 = arith.addi %mul3A_217, %add3A_218 : i32
      %mul3A_220 = arith.constant 32 : i32
      %mul3A_221 = arith.muli %add3A_219, %mul3A_220 : i32
      %add3A_222 = arith.addi %mul3A_221, %select_n3A_139 : i32
      %mul3A_223 = arith.constant 8 : i32
      %mul3A_224 = arith.muli %add3A_222, %mul3A_223 : i32
      %dma_start3A_225 = arith.constant 32 : i32
      %dma_start3A_226 = arith.constant 0 : i32
      %dma_start3A_227 = tpu.memref_slice %arg10[%dma_start3A_225, %dma_start3A_226] : memref<64x129xf32, #tpu.memory_space<vmem>> -> memref<8x128xf32, #tpu.memory_space<vmem>>
      %dma_start3A_228 = arith.constant 0 : i32
      %dma_start3A_229 = tpu.memref_slice %arg4[%mul3A_224, %dma_start3A_228] : memref<409600x128xf32, #tpu.memory_space<hbm>> -> memref<8x128xf32, #tpu.memory_space<hbm>>
      %dma_start3A_230 = arith.constant 0 : i32
      %dma_start3A_231 = tpu.memref_slice %arg4[%mul3A_224, %dma_start3A_230] : memref<409600x128xf32, #tpu.memory_space<hbm>> -> memref<8x128xf32, #tpu.memory_space<hbm>>
      %dma_start3A_232 = arith.constant 32 : i32
      %dma_start3A_233 = arith.constant 0 : i32
      %dma_start3A_234 = tpu.memref_slice %arg10[%dma_start3A_232, %dma_start3A_233] : memref<64x129xf32, #tpu.memory_space<vmem>> -> memref<8x128xf32, #tpu.memory_space<vmem>>
      tpu.enqueue_dma source(%dma_start3A_234 : memref<8x128xf32, #tpu.memory_space<vmem>>) target(%dma_start3A_231 : memref<8x128xf32, #tpu.memory_space<hbm>>) target_semaphore(%arg18 : memref<!tpu.dma_semaphore, #tpu.memory_space<semaphore_mem>>)
      %mul3A_235 = arith.constant 8 : i32
      %mul3A_236 = arith.muli %select_n3A, %mul3A_235 : i32
      %add3A_237 = arith.constant 5 : i32
      %add3A_238 = arith.addi %mul3A_236, %add3A_237 : i32
      %mul3A_239 = arith.constant 32 : i32
      %mul3A_240 = arith.muli %add3A_238, %mul3A_239 : i32
      %add3A_241 = arith.addi %mul3A_240, %select_n3A_139 : i32
      %mul3A_242 = arith.constant 8 : i32
      %mul3A_243 = arith.muli %add3A_241, %mul3A_242 : i32
      %dma_start3A_244 = arith.constant 40 : i32
      %dma_start3A_245 = arith.constant 0 : i32
      %dma_start3A_246 = tpu.memref_slice %arg10[%dma_start3A_244, %dma_start3A_245] : memref<64x129xf32, #tpu.memory_space<vmem>> -> memref<8x128xf32, #tpu.memory_space<vmem>>
      %dma_start3A_247 = arith.constant 0 : i32
      %dma_start3A_248 = tpu.memref_slice %arg4[%mul3A_243, %dma_start3A_247] : memref<409600x128xf32, #tpu.memory_space<hbm>> -> memref<8x128xf32, #tpu.memory_space<hbm>>
      %dma_start3A_249 = arith.constant 0 : i32
      %dma_start3A_250 = tpu.memref_slice %arg4[%mul3A_243, %dma_start3A_249] : memref<409600x128xf32, #tpu.memory_space<hbm>> -> memref<8x128xf32, #tpu.memory_space<hbm>>
      %dma_start3A_251 = arith.constant 40 : i32
      %dma_start3A_252 = arith.constant 0 : i32
      %dma_start3A_253 = tpu.memref_slice %arg10[%dma_start3A_251, %dma_start3A_252] : memref<64x129xf32, #tpu.memory_space<vmem>> -> memref<8x128xf32, #tpu.memory_space<vmem>>
      tpu.enqueue_dma source(%dma_start3A_253 : memref<8x128xf32, #tpu.memory_space<vmem>>) target(%dma_start3A_250 : memref<8x128xf32, #tpu.memory_space<hbm>>) target_semaphore(%arg18 : memref<!tpu.dma_semaphore, #tpu.memory_space<semaphore_mem>>)
      %mul3A_254 = arith.constant 8 : i32
      %mul3A_255 = arith.muli %select_n3A, %mul3A_254 : i32
      %add3A_256 = arith.constant 6 : i32
      %add3A_257 = arith.addi %mul3A_255, %add3A_256 : i32
      %mul3A_258 = arith.constant 32 : i32
      %mul3A_259 = arith.muli %add3A_257, %mul3A_258 : i32
      %add3A_260 = arith.addi %mul3A_259, %select_n3A_139 : i32
      %mul3A_261 = arith.constant 8 : i32
      %mul3A_262 = arith.muli %add3A_260, %mul3A_261 : i32
      %dma_start3A_263 = arith.constant 48 : i32
      %dma_start3A_264 = arith.constant 0 : i32
      %dma_start3A_265 = tpu.memref_slice %arg10[%dma_start3A_263, %dma_start3A_264] : memref<64x129xf32, #tpu.memory_space<vmem>> -> memref<8x128xf32, #tpu.memory_space<vmem>>
      %dma_start3A_266 = arith.constant 0 : i32
      %dma_start3A_267 = tpu.memref_slice %arg4[%mul3A_262, %dma_start3A_266] : memref<409600x128xf32, #tpu.memory_space<hbm>> -> memref<8x128xf32, #tpu.memory_space<hbm>>
      %dma_start3A_268 = arith.constant 0 : i32
      %dma_start3A_269 = tpu.memref_slice %arg4[%mul3A_262, %dma_start3A_268] : memref<409600x128xf32, #tpu.memory_space<hbm>> -> memref<8x128xf32, #tpu.memory_space<hbm>>
      %dma_start3A_270 = arith.constant 48 : i32
      %dma_start3A_271 = arith.constant 0 : i32
      %dma_start3A_272 = tpu.memref_slice %arg10[%dma_start3A_270, %dma_start3A_271] : memref<64x129xf32, #tpu.memory_space<vmem>> -> memref<8x128xf32, #tpu.memory_space<vmem>>
      tpu.enqueue_dma source(%dma_start3A_272 : memref<8x128xf32, #tpu.memory_space<vmem>>) target(%dma_start3A_269 : memref<8x128xf32, #tpu.memory_space<hbm>>) target_semaphore(%arg18 : memref<!tpu.dma_semaphore, #tpu.memory_space<semaphore_mem>>)
      %mul3A_273 = arith.constant 8 : i32
      %mul3A_274 = arith.muli %select_n3A, %mul3A_273 : i32
      %add3A_275 = arith.constant 7 : i32
      %add3A_276 = arith.addi %mul3A_274, %add3A_275 : i32
      %mul3A_277 = arith.constant 32 : i32
      %mul3A_278 = arith.muli %add3A_276, %mul3A_277 : i32
      %add3A_279 = arith.addi %mul3A_278, %select_n3A_139 : i32
      %mul3A_280 = arith.constant 8 : i32
      %mul3A_281 = arith.muli %add3A_279, %mul3A_280 : i32
      %dma_start3A_282 = arith.constant 56 : i32
      %dma_start3A_283 = arith.constant 0 : i32
      %dma_start3A_284 = tpu.memref_slice %arg10[%dma_start3A_282, %dma_start3A_283] : memref<64x129xf32, #tpu.memory_space<vmem>> -> memref<8x128xf32, #tpu.memory_space<vmem>>
      %dma_start3A_285 = arith.constant 0 : i32
      %dma_start3A_286 = tpu.memref_slice %arg4[%mul3A_281, %dma_start3A_285] : memref<409600x128xf32, #tpu.memory_space<hbm>> -> memref<8x128xf32, #tpu.memory_space<hbm>>
      %dma_start3A_287 = arith.constant 0 : i32
      %dma_start3A_288 = tpu.memref_slice %arg4[%mul3A_281, %dma_start3A_287] : memref<409600x128xf32, #tpu.memory_space<hbm>> -> memref<8x128xf32, #tpu.memory_space<hbm>>
      %dma_start3A_289 = arith.constant 56 : i32
      %dma_start3A_290 = arith.constant 0 : i32
      %dma_start3A_291 = tpu.memref_slice %arg10[%dma_start3A_289, %dma_start3A_290] : memref<64x129xf32, #tpu.memory_space<vmem>> -> memref<8x128xf32, #tpu.memory_space<vmem>>
      tpu.enqueue_dma source(%dma_start3A_291 : memref<8x128xf32, #tpu.memory_space<vmem>>) target(%dma_start3A_288 : memref<8x128xf32, #tpu.memory_space<hbm>>) target_semaphore(%arg18 : memref<!tpu.dma_semaphore, #tpu.memory_space<semaphore_mem>>)
      %add3A_292 = arith.constant 4 : i32
      %add3A_293 = arith.addi %add3A_98, %add3A_292 : i32
      %lt3A_294 = arith.constant 200 : i32
      %lt3A_295 = arith.cmpi slt, %add3A_293, %lt3A_294 : i32
      %convert_element_type3A_296 = arith.extui %lt3A_295 : i1 to i32
      %cond3A_297 = arith.constant 0 : i32
      %cond3A_298 = arith.cmpi ne, %convert_element_type3A_296, %cond3A_297 : i32
      scf.if %cond3A_298 {
        %add3A_953 = arith.constant 4 : i32
        %add3A_954 = arith.addi %add3A_98, %add3A_953 : i32
        %mul3A_955 = arith.constant 128 : i32
        %mul3A_956 = arith.muli %add3A_954, %mul3A_955 : i32
        %multiple_of3A_957 = tpu.assume_multiple %mul3A_956, 128 : i32
        %dma_start3A_958 = tpu.memref_slice %arg5[%multiple_of3A_957] : memref<25600xi32, #tpu.memory_space<vmem>> -> memref<128xi32, #tpu.memory_space<vmem>>
        %dma_start3A_959 = arith.constant 0 : i32
        %dma_start3A_960 = arith.constant 0 : i32
        %dma_start3A_961 = tpu.memref_slice %arg3[%dma_start3A_959, %dma_start3A_960] : memref<1000000x64xf32, #tpu.memory_space<hbm>> -> memref<1000000x64xf32, #tpu.memory_space<hbm>>
        tpu.enqueue_indirect_dma source(%dma_start3A_961 : memref<1000000x64xf32, #tpu.memory_space<hbm>>) target(%arg6 : memref<128x64xf32, #tpu.memory_space<vmem>>) offsets(%dma_start3A_958 : memref<128xi32, #tpu.memory_space<vmem>>) semaphore(%arg14 : memref<!tpu.dma_semaphore, #tpu.memory_space<semaphore_mem>>)
      } else {
      }
      %mul3A_299 = arith.constant 4 : i32
      %mul3A_300 = arith.muli %scan3A_94, %mul3A_299 : i32
      %add3A_301 = arith.constant 1 : i32
      %add3A_302 = arith.addi %mul3A_300, %add3A_301 : i32
      %dma_wait3A_303 = arith.constant 0 : i32
      %dma_wait3A_304 = arith.constant 0 : i32
      %dma_wait3A_305 = tpu.memref_slice %arg3[%dma_wait3A_303, %dma_wait3A_304] : memref<1000000x64xf32, #tpu.memory_space<hbm>> -> memref<128x64xf32, #tpu.memory_space<hbm>>
      %dma_wait3A_306 = arith.constant 0 : i32
      %dma_wait3A_307 = arith.constant 0 : i32
      %dma_wait3A_308 = tpu.memref_slice %arg3[%dma_wait3A_306, %dma_wait3A_307] : memref<1000000x64xf32, #tpu.memory_space<hbm>> -> memref<128x64xf32, #tpu.memory_space<hbm>>
      tpu.wait_dma2 semaphore(%arg15 : memref<!tpu.dma_semaphore, #tpu.memory_space<semaphore_mem>>) src(%dma_wait3A_308 : memref<128x64xf32, #tpu.memory_space<hbm>>) dst(%arg7 : memref<128x64xf32, #tpu.memory_space<vmem>>)
      %parallel_loop3A_309 = arith.constant 0 : i32
      %parallel_loop3A_310 = arith.constant 128 : i32
      %parallel_loop3A_311 = arith.constant 1 : i32
      scf.for %parallel_loop3A_953 = %parallel_loop3A_309 to %parallel_loop3A_310 step %parallel_loop3A_311  : i32 {
        %parallel_loop3A_954 = vector.broadcast %parallel_loop3A_953 : i32 to vector<16xi32>
        %parallel_loop3A_955 = arith.addi %mul3A_41, %parallel_loop3A_954 : vector<16xi32>
        %parallel_loop3A_956 = arith.index_cast %parallel_loop3A_953 : i32 to index
        %parallel_loop3A_957 = arith.constant 0 : index
        %parallel_loop3A_958 = tpu.vector_load %arg7[%parallel_loop3A_956, %parallel_loop3A_957] {strides = array<i32>} : memref<128x64xf32, #tpu.memory_space<vmem>>, vector<16xf32>,
        %parallel_loop3A_959 = arith.constant 8.000000e+00 : f32
        %parallel_loop3A_960 = vector.broadcast %parallel_loop3A_959 : f32 to vector<16xf32>
        %parallel_loop3A_961 = arith.mulf %parallel_loop3A_958, %parallel_loop3A_960 : vector<16xf32>
        tpu.vector_store_idx %arg11[%add3A_29, %parallel_loop3A_955], %parallel_loop3A_961 : memref<64x129xf32, #tpu.memory_space<vmem>>[vector<16xi32>, vector<16xi32>], vector<16xf32>,
        %parallel_loop3A_962 = arith.index_cast %parallel_loop3A_953 : i32 to index
        %parallel_loop3A_963 = arith.constant 16 : index
        %parallel_loop3A_964 = tpu.vector_load %arg7[%parallel_loop3A_962, %parallel_loop3A_963] {strides = array<i32>} : memref<128x64xf32, #tpu.memory_space<vmem>>, vector<16xf32>,
        %parallel_loop3A_965 = arith.constant 8.000000e+00 : f32
        %parallel_loop3A_966 = vector.broadcast %parallel_loop3A_965 : f32 to vector<16xf32>
        %parallel_loop3A_967 = arith.mulf %parallel_loop3A_964, %parallel_loop3A_966 : vector<16xf32>
        tpu.vector_store_idx %arg11[%add3A_32, %parallel_loop3A_955], %parallel_loop3A_967 : memref<64x129xf32, #tpu.memory_space<vmem>>[vector<16xi32>, vector<16xi32>], vector<16xf32>,
        %parallel_loop3A_968 = arith.index_cast %parallel_loop3A_953 : i32 to index
        %parallel_loop3A_969 = arith.constant 32 : index
        %parallel_loop3A_970 = tpu.vector_load %arg7[%parallel_loop3A_968, %parallel_loop3A_969] {strides = array<i32>} : memref<128x64xf32, #tpu.memory_space<vmem>>, vector<16xf32>,
        %parallel_loop3A_971 = arith.constant 8.000000e+00 : f32
        %parallel_loop3A_972 = vector.broadcast %parallel_loop3A_971 : f32 to vector<16xf32>
        %parallel_loop3A_973 = arith.mulf %parallel_loop3A_970, %parallel_loop3A_972 : vector<16xf32>
        tpu.vector_store_idx %arg11[%add3A_35, %parallel_loop3A_955], %parallel_loop3A_973 : memref<64x129xf32, #tpu.memory_space<vmem>>[vector<16xi32>, vector<16xi32>], vector<16xf32>,
        %parallel_loop3A_974 = arith.index_cast %parallel_loop3A_953 : i32 to index
        %parallel_loop3A_975 = arith.constant 48 : index
        %parallel_loop3A_976 = tpu.vector_load %arg7[%parallel_loop3A_974, %parallel_loop3A_975] {strides = array<i32>} : memref<128x64xf32, #tpu.memory_space<vmem>>, vector<16xf32>,
        %parallel_loop3A_977 = arith.constant 8.000000e+00 : f32
        %parallel_loop3A_978 = vector.broadcast %parallel_loop3A_977 : f32 to vector<16xf32>
        %parallel_loop3A_979 = arith.mulf %parallel_loop3A_976, %parallel_loop3A_978 : vector<16xf32>
        tpu.vector_store_idx %arg11[%add3A_38, %parallel_loop3A_955], %parallel_loop3A_979 : memref<64x129xf32, #tpu.memory_space<vmem>>[vector<16xi32>, vector<16xi32>], vector<16xf32>,
      } {sc.loop_unroll_factor = 8 : i64, sc.parallel_access}
      %gt3A_312 = arith.constant 0 : i32
      %gt3A_313 = arith.cmpi sgt, %scan3A_94, %gt3A_312 : i32
      %convert_element_type3A_314 = arith.extui %gt3A_313 : i1 to i32
      %cond3A_315 = arith.constant 0 : i32
      %cond3A_316 = arith.cmpi ne, %convert_element_type3A_314, %cond3A_315 : i32
      scf.if %cond3A_316 {
        %dma_wait3A_953 = arith.constant 0 : i32
        %dma_wait3A_954 = arith.constant 0 : i32
        %dma_wait3A_955 = tpu.memref_slice %arg11[%dma_wait3A_953, %dma_wait3A_954] : memref<64x129xf32, #tpu.memory_space<vmem>> -> memref<64x128xf32, #tpu.memory_space<vmem>>
        %dma_wait3A_956 = arith.constant 0 : i32
        %dma_wait3A_957 = arith.constant 0 : i32
        %dma_wait3A_958 = tpu.memref_slice %arg4[%dma_wait3A_956, %dma_wait3A_957] : memref<409600x128xf32, #tpu.memory_space<hbm>> -> memref<64x128xf32, #tpu.memory_space<hbm>>
        %dma_wait3A_959 = arith.constant 0 : i32
        %dma_wait3A_960 = arith.constant 0 : i32
        %dma_wait3A_961 = tpu.memref_slice %arg11[%dma_wait3A_959, %dma_wait3A_960] : memref<64x129xf32, #tpu.memory_space<vmem>> -> memref<64x128xf32, #tpu.memory_space<vmem>>
        %dma_wait3A_962 = arith.constant 0 : i32
        %dma_wait3A_963 = arith.constant 0 : i32
        %dma_wait3A_964 = tpu.memref_slice %arg4[%dma_wait3A_962, %dma_wait3A_963] : memref<409600x128xf32, #tpu.memory_space<hbm>> -> memref<64x128xf32, #tpu.memory_space<hbm>>
        tpu.wait_dma2 semaphore(%arg19 : memref<!tpu.dma_semaphore, #tpu.memory_space<semaphore_mem>>) src(%dma_wait3A_964 : memref<64x128xf32, #tpu.memory_space<hbm>>) dst(%dma_wait3A_961 : memref<64x128xf32, #tpu.memory_space<vmem>>)
      } else {
      }
      %add3A_317 = arith.addi %mul3A_4, %add3A_302 : i32
      %jit3A_318 = arith.constant 32 : i32
      %div3A_319 = arith.divsi %add3A_317, %jit3A_318 : i32
      %sign3A_320 = arith.constant 0 : i32
      %sign3A_321 = arith.cmpi sgt, %add3A_317, %sign3A_320 : i32
      %sign3A_322 = arith.extui %sign3A_321 : i1 to i32
      %sign3A_323 = arith.constant 0 : i32
      %sign3A_324 = arith.cmpi slt, %add3A_317, %sign3A_323 : i32
      %sign3A_325 = arith.extui %sign3A_324 : i1 to i32
      %sign3A_326 = arith.subi %sign3A_322, %sign3A_325 : i32
      %sign3A_327 = arith.constant 0 : i32
      %sign3A_328 = arith.cmpi sgt, %jit3A_318, %sign3A_327 : i32
      %sign3A_329 = arith.extui %sign3A_328 : i1 to i32
      %sign3A_330 = arith.constant 0 : i32
      %sign3A_331 = arith.cmpi slt, %jit3A_318, %sign3A_330 : i32
      %sign3A_332 = arith.extui %sign3A_331 : i1 to i32
      %sign3A_333 = arith.subi %sign3A_329, %sign3A_332 : i32
      %ne3A_334 = arith.cmpi ne, %sign3A_326, %sign3A_333 : i32
      %rem3A_335 = arith.remsi %add3A_317, %jit3A_318 : i32
      %ne3A_336 = arith.constant 0 : i32
      %ne3A_337 = arith.cmpi ne, %rem3A_335, %ne3A_336 : i32
      %and3A_338 = arith.andi %ne3A_334, %ne3A_337 : i1
      %sub3A_339 = arith.constant 1 : i32
      %sub3A_340 = arith.subi %div3A_319, %sub3A_339 : i32
      %select_n3A_341 = arith.select %and3A_338, %sub3A_340, %div3A_319 : i32
      %jit3A_342 = arith.constant 32 : i32
      %eq3A_343 = arith.constant 0 : i32
      %eq3A_344 = arith.cmpi eq, %jit3A_342, %eq3A_343 : i32
      %jit3A_345 = arith.constant 1 : i32
      %select_n3A_346 = arith.select %eq3A_344, %jit3A_345, %jit3A_342 : i32
      %rem3A_347 = arith.remsi %add3A_317, %select_n3A_346 : i32
      %ne3A_348 = arith.constant 0 : i32
      %ne3A_349 = arith.cmpi ne, %rem3A_347, %ne3A_348 : i32
      %lt3A_350 = arith.constant 0 : i32
      %lt3A_351 = arith.cmpi slt, %rem3A_347, %lt3A_350 : i32
      %lt3A_352 = arith.constant 0 : i32
      %lt3A_353 = arith.cmpi slt, %select_n3A_346, %lt3A_352 : i32
      %ne3A_354 = arith.xori %lt3A_351, %lt3A_353 : i1
      %and3A_355 = arith.andi %ne3A_354, %ne3A_349 : i1
      %add3A_356 = arith.addi %rem3A_347, %select_n3A_346 : i32
      %select_n3A_357 = arith.select %and3A_355, %add3A_356, %rem3A_347 : i32
      %mul3A_358 = arith.constant 8 : i32
      %mul3A_359 = arith.muli %select_n3A_341, %mul3A_358 : i32
      %add3A_360 = arith.constant 0 : i32
      %add3A_361 = arith.addi %mul3A_359, %add3A_360 : i32
      %mul3A_362 = arith.constant 32 : i32
      %mul3A_363 = arith.muli %add3A_361, %mul3A_362 : i32
      %add3A_364 = arith.addi %mul3A_363, %select_n3A_357 : i32
      %mul3A_365 = arith.constant 8 : i32
      %mul3A_366 = arith.muli %add3A_364, %mul3A_365 : i32
      %dma_start3A_367 = arith.constant 0 : i32
      %dma_start3A_368 = arith.constant 0 : i32
      %dma_start3A_369 = tpu.memref_slice %arg11[%dma_start3A_367, %dma_start3A_368] : memref<64x129xf32, #tpu.memory_space<vmem>> -> memref<8x128xf32, #tpu.memory_space<vmem>>
      %dma_start3A_370 = arith.constant 0 : i32
      %dma_start3A_371 = tpu.memref_slice %arg4[%mul3A_366, %dma_start3A_370] : memref<409600x128xf32, #tpu.memory_space<hbm>> -> memref<8x128xf32, #tpu.memory_space<hbm>>
      %dma_start3A_372 = arith.constant 0 : i32
      %dma_start3A_373 = tpu.memref_slice %arg4[%mul3A_366, %dma_start3A_372] : memref<409600x128xf32, #tpu.memory_space<hbm>> -> memref<8x128xf32, #tpu.memory_space<hbm>>
      %dma_start3A_374 = arith.constant 0 : i32
      %dma_start3A_375 = arith.constant 0 : i32
      %dma_start3A_376 = tpu.memref_slice %arg11[%dma_start3A_374, %dma_start3A_375] : memref<64x129xf32, #tpu.memory_space<vmem>> -> memref<8x128xf32, #tpu.memory_space<vmem>>
      tpu.enqueue_dma source(%dma_start3A_376 : memref<8x128xf32, #tpu.memory_space<vmem>>) target(%dma_start3A_373 : memref<8x128xf32, #tpu.memory_space<hbm>>) target_semaphore(%arg19 : memref<!tpu.dma_semaphore, #tpu.memory_space<semaphore_mem>>)
      %mul3A_377 = arith.constant 8 : i32
      %mul3A_378 = arith.muli %select_n3A_341, %mul3A_377 : i32
      %add3A_379 = arith.constant 1 : i32
      %add3A_380 = arith.addi %mul3A_378, %add3A_379 : i32
      %mul3A_381 = arith.constant 32 : i32
      %mul3A_382 = arith.muli %add3A_380, %mul3A_381 : i32
      %add3A_383 = arith.addi %mul3A_382, %select_n3A_357 : i32
      %mul3A_384 = arith.constant 8 : i32
      %mul3A_385 = arith.muli %add3A_383, %mul3A_384 : i32
      %dma_start3A_386 = arith.constant 8 : i32
      %dma_start3A_387 = arith.constant 0 : i32
      %dma_start3A_388 = tpu.memref_slice %arg11[%dma_start3A_386, %dma_start3A_387] : memref<64x129xf32, #tpu.memory_space<vmem>> -> memref<8x128xf32, #tpu.memory_space<vmem>>
      %dma_start3A_389 = arith.constant 0 : i32
      %dma_start3A_390 = tpu.memref_slice %arg4[%mul3A_385, %dma_start3A_389] : memref<409600x128xf32, #tpu.memory_space<hbm>> -> memref<8x128xf32, #tpu.memory_space<hbm>>
      %dma_start3A_391 = arith.constant 0 : i32
      %dma_start3A_392 = tpu.memref_slice %arg4[%mul3A_385, %dma_start3A_391] : memref<409600x128xf32, #tpu.memory_space<hbm>> -> memref<8x128xf32, #tpu.memory_space<hbm>>
      %dma_start3A_393 = arith.constant 8 : i32
      %dma_start3A_394 = arith.constant 0 : i32
      %dma_start3A_395 = tpu.memref_slice %arg11[%dma_start3A_393, %dma_start3A_394] : memref<64x129xf32, #tpu.memory_space<vmem>> -> memref<8x128xf32, #tpu.memory_space<vmem>>
      tpu.enqueue_dma source(%dma_start3A_395 : memref<8x128xf32, #tpu.memory_space<vmem>>) target(%dma_start3A_392 : memref<8x128xf32, #tpu.memory_space<hbm>>) target_semaphore(%arg19 : memref<!tpu.dma_semaphore, #tpu.memory_space<semaphore_mem>>)
      %mul3A_396 = arith.constant 8 : i32
      %mul3A_397 = arith.muli %select_n3A_341, %mul3A_396 : i32
      %add3A_398 = arith.constant 2 : i32
      %add3A_399 = arith.addi %mul3A_397, %add3A_398 : i32
      %mul3A_400 = arith.constant 32 : i32
      %mul3A_401 = arith.muli %add3A_399, %mul3A_400 : i32
      %add3A_402 = arith.addi %mul3A_401, %select_n3A_357 : i32
      %mul3A_403 = arith.constant 8 : i32
      %mul3A_404 = arith.muli %add3A_402, %mul3A_403 : i32
      %dma_start3A_405 = arith.constant 16 : i32
      %dma_start3A_406 = arith.constant 0 : i32
      %dma_start3A_407 = tpu.memref_slice %arg11[%dma_start3A_405, %dma_start3A_406] : memref<64x129xf32, #tpu.memory_space<vmem>> -> memref<8x128xf32, #tpu.memory_space<vmem>>
      %dma_start3A_408 = arith.constant 0 : i32
      %dma_start3A_409 = tpu.memref_slice %arg4[%mul3A_404, %dma_start3A_408] : memref<409600x128xf32, #tpu.memory_space<hbm>> -> memref<8x128xf32, #tpu.memory_space<hbm>>
      %dma_start3A_410 = arith.constant 0 : i32
      %dma_start3A_411 = tpu.memref_slice %arg4[%mul3A_404, %dma_start3A_410] : memref<409600x128xf32, #tpu.memory_space<hbm>> -> memref<8x128xf32, #tpu.memory_space<hbm>>
      %dma_start3A_412 = arith.constant 16 : i32
      %dma_start3A_413 = arith.constant 0 : i32
      %dma_start3A_414 = tpu.memref_slice %arg11[%dma_start3A_412, %dma_start3A_413] : memref<64x129xf32, #tpu.memory_space<vmem>> -> memref<8x128xf32, #tpu.memory_space<vmem>>
      tpu.enqueue_dma source(%dma_start3A_414 : memref<8x128xf32, #tpu.memory_space<vmem>>) target(%dma_start3A_411 : memref<8x128xf32, #tpu.memory_space<hbm>>) target_semaphore(%arg19 : memref<!tpu.dma_semaphore, #tpu.memory_space<semaphore_mem>>)
      %mul3A_415 = arith.constant 8 : i32
      %mul3A_416 = arith.muli %select_n3A_341, %mul3A_415 : i32
      %add3A_417 = arith.constant 3 : i32
      %add3A_418 = arith.addi %mul3A_416, %add3A_417 : i32
      %mul3A_419 = arith.constant 32 : i32
      %mul3A_420 = arith.muli %add3A_418, %mul3A_419 : i32
      %add3A_421 = arith.addi %mul3A_420, %select_n3A_357 : i32
      %mul3A_422 = arith.constant 8 : i32
      %mul3A_423 = arith.muli %add3A_421, %mul3A_422 : i32
      %dma_start3A_424 = arith.constant 24 : i32
      %dma_start3A_425 = arith.constant 0 : i32
      %dma_start3A_426 = tpu.memref_slice %arg11[%dma_start3A_424, %dma_start3A_425] : memref<64x129xf32, #tpu.memory_space<vmem>> -> memref<8x128xf32, #tpu.memory_space<vmem>>
      %dma_start3A_427 = arith.constant 0 : i32
      %dma_start3A_428 = tpu.memref_slice %arg4[%mul3A_423, %dma_start3A_427] : memref<409600x128xf32, #tpu.memory_space<hbm>> -> memref<8x128xf32, #tpu.memory_space<hbm>>
      %dma_start3A_429 = arith.constant 0 : i32
      %dma_start3A_430 = tpu.memref_slice %arg4[%mul3A_423, %dma_start3A_429] : memref<409600x128xf32, #tpu.memory_space<hbm>> -> memref<8x128xf32, #tpu.memory_space<hbm>>
      %dma_start3A_431 = arith.constant 24 : i32
      %dma_start3A_432 = arith.constant 0 : i32
      %dma_start3A_433 = tpu.memref_slice %arg11[%dma_start3A_431, %dma_start3A_432] : memref<64x129xf32, #tpu.memory_space<vmem>> -> memref<8x128xf32, #tpu.memory_space<vmem>>
      tpu.enqueue_dma source(%dma_start3A_433 : memref<8x128xf32, #tpu.memory_space<vmem>>) target(%dma_start3A_430 : memref<8x128xf32, #tpu.memory_space<hbm>>) target_semaphore(%arg19 : memref<!tpu.dma_semaphore, #tpu.memory_space<semaphore_mem>>)
      %mul3A_434 = arith.constant 8 : i32
      %mul3A_435 = arith.muli %select_n3A_341, %mul3A_434 : i32
      %add3A_436 = arith.constant 4 : i32
      %add3A_437 = arith.addi %mul3A_435, %add3A_436 : i32
      %mul3A_438 = arith.constant 32 : i32
      %mul3A_439 = arith.muli %add3A_437, %mul3A_438 : i32
      %add3A_440 = arith.addi %mul3A_439, %select_n3A_357 : i32
      %mul3A_441 = arith.constant 8 : i32
      %mul3A_442 = arith.muli %add3A_440, %mul3A_441 : i32
      %dma_start3A_443 = arith.constant 32 : i32
      %dma_start3A_444 = arith.constant 0 : i32
      %dma_start3A_445 = tpu.memref_slice %arg11[%dma_start3A_443, %dma_start3A_444] : memref<64x129xf32, #tpu.memory_space<vmem>> -> memref<8x128xf32, #tpu.memory_space<vmem>>
      %dma_start3A_446 = arith.constant 0 : i32
      %dma_start3A_447 = tpu.memref_slice %arg4[%mul3A_442, %dma_start3A_446] : memref<409600x128xf32, #tpu.memory_space<hbm>> -> memref<8x128xf32, #tpu.memory_space<hbm>>
      %dma_start3A_448 = arith.constant 0 : i32
      %dma_start3A_449 = tpu.memref_slice %arg4[%mul3A_442, %dma_start3A_448] : memref<409600x128xf32, #tpu.memory_space<hbm>> -> memref<8x128xf32, #tpu.memory_space<hbm>>
      %dma_start3A_450 = arith.constant 32 : i32
      %dma_start3A_451 = arith.constant 0 : i32
      %dma_start3A_452 = tpu.memref_slice %arg11[%dma_start3A_450, %dma_start3A_451] : memref<64x129xf32, #tpu.memory_space<vmem>> -> memref<8x128xf32, #tpu.memory_space<vmem>>
      tpu.enqueue_dma source(%dma_start3A_452 : memref<8x128xf32, #tpu.memory_space<vmem>>) target(%dma_start3A_449 : memref<8x128xf32, #tpu.memory_space<hbm>>) target_semaphore(%arg19 : memref<!tpu.dma_semaphore, #tpu.memory_space<semaphore_mem>>)
      %mul3A_453 = arith.constant 8 : i32
      %mul3A_454 = arith.muli %select_n3A_341, %mul3A_453 : i32
      %add3A_455 = arith.constant 5 : i32
      %add3A_456 = arith.addi %mul3A_454, %add3A_455 : i32
      %mul3A_457 = arith.constant 32 : i32
      %mul3A_458 = arith.muli %add3A_456, %mul3A_457 : i32
      %add3A_459 = arith.addi %mul3A_458, %select_n3A_357 : i32
      %mul3A_460 = arith.constant 8 : i32
      %mul3A_461 = arith.muli %add3A_459, %mul3A_460 : i32
      %dma_start3A_462 = arith.constant 40 : i32
      %dma_start3A_463 = arith.constant 0 : i32
      %dma_start3A_464 = tpu.memref_slice %arg11[%dma_start3A_462, %dma_start3A_463] : memref<64x129xf32, #tpu.memory_space<vmem>> -> memref<8x128xf32, #tpu.memory_space<vmem>>
      %dma_start3A_465 = arith.constant 0 : i32
      %dma_start3A_466 = tpu.memref_slice %arg4[%mul3A_461, %dma_start3A_465] : memref<409600x128xf32, #tpu.memory_space<hbm>> -> memref<8x128xf32, #tpu.memory_space<hbm>>
      %dma_start3A_467 = arith.constant 0 : i32
      %dma_start3A_468 = tpu.memref_slice %arg4[%mul3A_461, %dma_start3A_467] : memref<409600x128xf32, #tpu.memory_space<hbm>> -> memref<8x128xf32, #tpu.memory_space<hbm>>
      %dma_start3A_469 = arith.constant 40 : i32
      %dma_start3A_470 = arith.constant 0 : i32
      %dma_start3A_471 = tpu.memref_slice %arg11[%dma_start3A_469, %dma_start3A_470] : memref<64x129xf32, #tpu.memory_space<vmem>> -> memref<8x128xf32, #tpu.memory_space<vmem>>
      tpu.enqueue_dma source(%dma_start3A_471 : memref<8x128xf32, #tpu.memory_space<vmem>>) target(%dma_start3A_468 : memref<8x128xf32, #tpu.memory_space<hbm>>) target_semaphore(%arg19 : memref<!tpu.dma_semaphore, #tpu.memory_space<semaphore_mem>>)
      %mul3A_472 = arith.constant 8 : i32
      %mul3A_473 = arith.muli %select_n3A_341, %mul3A_472 : i32
      %add3A_474 = arith.constant 6 : i32
      %add3A_475 = arith.addi %mul3A_473, %add3A_474 : i32
      %mul3A_476 = arith.constant 32 : i32
      %mul3A_477 = arith.muli %add3A_475, %mul3A_476 : i32
      %add3A_478 = arith.addi %mul3A_477, %select_n3A_357 : i32
      %mul3A_479 = arith.constant 8 : i32
      %mul3A_480 = arith.muli %add3A_478, %mul3A_479 : i32
      %dma_start3A_481 = arith.constant 48 : i32
      %dma_start3A_482 = arith.constant 0 : i32
      %dma_start3A_483 = tpu.memref_slice %arg11[%dma_start3A_481, %dma_start3A_482] : memref<64x129xf32, #tpu.memory_space<vmem>> -> memref<8x128xf32, #tpu.memory_space<vmem>>
      %dma_start3A_484 = arith.constant 0 : i32
      %dma_start3A_485 = tpu.memref_slice %arg4[%mul3A_480, %dma_start3A_484] : memref<409600x128xf32, #tpu.memory_space<hbm>> -> memref<8x128xf32, #tpu.memory_space<hbm>>
      %dma_start3A_486 = arith.constant 0 : i32
      %dma_start3A_487 = tpu.memref_slice %arg4[%mul3A_480, %dma_start3A_486] : memref<409600x128xf32, #tpu.memory_space<hbm>> -> memref<8x128xf32, #tpu.memory_space<hbm>>
      %dma_start3A_488 = arith.constant 48 : i32
      %dma_start3A_489 = arith.constant 0 : i32
      %dma_start3A_490 = tpu.memref_slice %arg11[%dma_start3A_488, %dma_start3A_489] : memref<64x129xf32, #tpu.memory_space<vmem>> -> memref<8x128xf32, #tpu.memory_space<vmem>>
      tpu.enqueue_dma source(%dma_start3A_490 : memref<8x128xf32, #tpu.memory_space<vmem>>) target(%dma_start3A_487 : memref<8x128xf32, #tpu.memory_space<hbm>>) target_semaphore(%arg19 : memref<!tpu.dma_semaphore, #tpu.memory_space<semaphore_mem>>)
      %mul3A_491 = arith.constant 8 : i32
      %mul3A_492 = arith.muli %select_n3A_341, %mul3A_491 : i32
      %add3A_493 = arith.constant 7 : i32
      %add3A_494 = arith.addi %mul3A_492, %add3A_493 : i32
      %mul3A_495 = arith.constant 32 : i32
      %mul3A_496 = arith.muli %add3A_494, %mul3A_495 : i32
      %add3A_497 = arith.addi %mul3A_496, %select_n3A_357 : i32
      %mul3A_498 = arith.constant 8 : i32
      %mul3A_499 = arith.muli %add3A_497, %mul3A_498 : i32
      %dma_start3A_500 = arith.constant 56 : i32
      %dma_start3A_501 = arith.constant 0 : i32
      %dma_start3A_502 = tpu.memref_slice %arg11[%dma_start3A_500, %dma_start3A_501] : memref<64x129xf32, #tpu.memory_space<vmem>> -> memref<8x128xf32, #tpu.memory_space<vmem>>
      %dma_start3A_503 = arith.constant 0 : i32
      %dma_start3A_504 = tpu.memref_slice %arg4[%mul3A_499, %dma_start3A_503] : memref<409600x128xf32, #tpu.memory_space<hbm>> -> memref<8x128xf32, #tpu.memory_space<hbm>>
      %dma_start3A_505 = arith.constant 0 : i32
      %dma_start3A_506 = tpu.memref_slice %arg4[%mul3A_499, %dma_start3A_505] : memref<409600x128xf32, #tpu.memory_space<hbm>> -> memref<8x128xf32, #tpu.memory_space<hbm>>
      %dma_start3A_507 = arith.constant 56 : i32
      %dma_start3A_508 = arith.constant 0 : i32
      %dma_start3A_509 = tpu.memref_slice %arg11[%dma_start3A_507, %dma_start3A_508] : memref<64x129xf32, #tpu.memory_space<vmem>> -> memref<8x128xf32, #tpu.memory_space<vmem>>
      tpu.enqueue_dma source(%dma_start3A_509 : memref<8x128xf32, #tpu.memory_space<vmem>>) target(%dma_start3A_506 : memref<8x128xf32, #tpu.memory_space<hbm>>) target_semaphore(%arg19 : memref<!tpu.dma_semaphore, #tpu.memory_space<semaphore_mem>>)
      %add3A_510 = arith.constant 4 : i32
      %add3A_511 = arith.addi %add3A_302, %add3A_510 : i32
      %lt3A_512 = arith.constant 200 : i32
      %lt3A_513 = arith.cmpi slt, %add3A_511, %lt3A_512 : i32
      %convert_element_type3A_514 = arith.extui %lt3A_513 : i1 to i32
      %cond3A_515 = arith.constant 0 : i32
      %cond3A_516 = arith.cmpi ne, %convert_element_type3A_514, %cond3A_515 : i32
      scf.if %cond3A_516 {
        %add3A_953 = arith.constant 4 : i32
        %add3A_954 = arith.addi %add3A_302, %add3A_953 : i32
        %mul3A_955 = arith.constant 128 : i32
        %mul3A_956 = arith.muli %add3A_954, %mul3A_955 : i32
        %multiple_of3A_957 = tpu.assume_multiple %mul3A_956, 128 : i32
        %dma_start3A_958 = tpu.memref_slice %arg5[%multiple_of3A_957] : memref<25600xi32, #tpu.memory_space<vmem>> -> memref<128xi32, #tpu.memory_space<vmem>>
        %dma_start3A_959 = arith.constant 0 : i32
        %dma_start3A_960 = arith.constant 0 : i32
        %dma_start3A_961 = tpu.memref_slice %arg3[%dma_start3A_959, %dma_start3A_960] : memref<1000000x64xf32, #tpu.memory_space<hbm>> -> memref<1000000x64xf32, #tpu.memory_space<hbm>>
        tpu.enqueue_indirect_dma source(%dma_start3A_961 : memref<1000000x64xf32, #tpu.memory_space<hbm>>) target(%arg7 : memref<128x64xf32, #tpu.memory_space<vmem>>) offsets(%dma_start3A_958 : memref<128xi32, #tpu.memory_space<vmem>>) semaphore(%arg15 : memref<!tpu.dma_semaphore, #tpu.memory_space<semaphore_mem>>)
      } else {
      }
      %mul3A_517 = arith.constant 4 : i32
      %mul3A_518 = arith.muli %scan3A_94, %mul3A_517 : i32
      %add3A_519 = arith.constant 2 : i32
      %add3A_520 = arith.addi %mul3A_518, %add3A_519 : i32
      %dma_wait3A_521 = arith.constant 0 : i32
      %dma_wait3A_522 = arith.constant 0 : i32
      %dma_wait3A_523 = tpu.memref_slice %arg3[%dma_wait3A_521, %dma_wait3A_522] : memref<1000000x64xf32, #tpu.memory_space<hbm>> -> memref<128x64xf32, #tpu.memory_space<hbm>>
      %dma_wait3A_524 = arith.constant 0 : i32
      %dma_wait3A_525 = arith.constant 0 : i32
      %dma_wait3A_526 = tpu.memref_slice %arg3[%dma_wait3A_524, %dma_wait3A_525] : memref<1000000x64xf32, #tpu.memory_space<hbm>> -> memref<128x64xf32, #tpu.memory_space<hbm>>
      tpu.wait_dma2 semaphore(%arg16 : memref<!tpu.dma_semaphore, #tpu.memory_space<semaphore_mem>>) src(%dma_wait3A_526 : memref<128x64xf32, #tpu.memory_space<hbm>>) dst(%arg8 : memref<128x64xf32, #tpu.memory_space<vmem>>)
      %parallel_loop3A_527 = arith.constant 0 : i32
      %parallel_loop3A_528 = arith.constant 128 : i32
      %parallel_loop3A_529 = arith.constant 1 : i32
      scf.for %parallel_loop3A_953 = %parallel_loop3A_527 to %parallel_loop3A_528 step %parallel_loop3A_529  : i32 {
        %parallel_loop3A_954 = vector.broadcast %parallel_loop3A_953 : i32 to vector<16xi32>
        %parallel_loop3A_955 = arith.addi %mul3A_41, %parallel_loop3A_954 : vector<16xi32>
        %parallel_loop3A_956 = arith.index_cast %parallel_loop3A_953 : i32 to index
        %parallel_loop3A_957 = arith.constant 0 : index
        %parallel_loop3A_958 = tpu.vector_load %arg8[%parallel_loop3A_956, %parallel_loop3A_957] {strides = array<i32>} : memref<128x64xf32, #tpu.memory_space<vmem>>, vector<16xf32>,
        %parallel_loop3A_959 = arith.constant 8.000000e+00 : f32
        %parallel_loop3A_960 = vector.broadcast %parallel_loop3A_959 : f32 to vector<16xf32>
        %parallel_loop3A_961 = arith.mulf %parallel_loop3A_958, %parallel_loop3A_960 : vector<16xf32>
        tpu.vector_store_idx %arg12[%add3A_29, %parallel_loop3A_955], %parallel_loop3A_961 : memref<64x129xf32, #tpu.memory_space<vmem>>[vector<16xi32>, vector<16xi32>], vector<16xf32>,
        %parallel_loop3A_962 = arith.index_cast %parallel_loop3A_953 : i32 to index
        %parallel_loop3A_963 = arith.constant 16 : index
        %parallel_loop3A_964 = tpu.vector_load %arg8[%parallel_loop3A_962, %parallel_loop3A_963] {strides = array<i32>} : memref<128x64xf32, #tpu.memory_space<vmem>>, vector<16xf32>,
        %parallel_loop3A_965 = arith.constant 8.000000e+00 : f32
        %parallel_loop3A_966 = vector.broadcast %parallel_loop3A_965 : f32 to vector<16xf32>
        %parallel_loop3A_967 = arith.mulf %parallel_loop3A_964, %parallel_loop3A_966 : vector<16xf32>
        tpu.vector_store_idx %arg12[%add3A_32, %parallel_loop3A_955], %parallel_loop3A_967 : memref<64x129xf32, #tpu.memory_space<vmem>>[vector<16xi32>, vector<16xi32>], vector<16xf32>,
        %parallel_loop3A_968 = arith.index_cast %parallel_loop3A_953 : i32 to index
        %parallel_loop3A_969 = arith.constant 32 : index
        %parallel_loop3A_970 = tpu.vector_load %arg8[%parallel_loop3A_968, %parallel_loop3A_969] {strides = array<i32>} : memref<128x64xf32, #tpu.memory_space<vmem>>, vector<16xf32>,
        %parallel_loop3A_971 = arith.constant 8.000000e+00 : f32
        %parallel_loop3A_972 = vector.broadcast %parallel_loop3A_971 : f32 to vector<16xf32>
        %parallel_loop3A_973 = arith.mulf %parallel_loop3A_970, %parallel_loop3A_972 : vector<16xf32>
        tpu.vector_store_idx %arg12[%add3A_35, %parallel_loop3A_955], %parallel_loop3A_973 : memref<64x129xf32, #tpu.memory_space<vmem>>[vector<16xi32>, vector<16xi32>], vector<16xf32>,
        %parallel_loop3A_974 = arith.index_cast %parallel_loop3A_953 : i32 to index
        %parallel_loop3A_975 = arith.constant 48 : index
        %parallel_loop3A_976 = tpu.vector_load %arg8[%parallel_loop3A_974, %parallel_loop3A_975] {strides = array<i32>} : memref<128x64xf32, #tpu.memory_space<vmem>>, vector<16xf32>,
        %parallel_loop3A_977 = arith.constant 8.000000e+00 : f32
        %parallel_loop3A_978 = vector.broadcast %parallel_loop3A_977 : f32 to vector<16xf32>
        %parallel_loop3A_979 = arith.mulf %parallel_loop3A_976, %parallel_loop3A_978 : vector<16xf32>
        tpu.vector_store_idx %arg12[%add3A_38, %parallel_loop3A_955], %parallel_loop3A_979 : memref<64x129xf32, #tpu.memory_space<vmem>>[vector<16xi32>, vector<16xi32>], vector<16xf32>,
      } {sc.loop_unroll_factor = 8 : i64, sc.parallel_access}
      %gt3A_530 = arith.constant 0 : i32
      %gt3A_531 = arith.cmpi sgt, %scan3A_94, %gt3A_530 : i32
      %convert_element_type3A_532 = arith.extui %gt3A_531 : i1 to i32
      %cond3A_533 = arith.constant 0 : i32
      %cond3A_534 = arith.cmpi ne, %convert_element_type3A_532, %cond3A_533 : i32
      scf.if %cond3A_534 {
        %dma_wait3A_953 = arith.constant 0 : i32
        %dma_wait3A_954 = arith.constant 0 : i32
        %dma_wait3A_955 = tpu.memref_slice %arg12[%dma_wait3A_953, %dma_wait3A_954] : memref<64x129xf32, #tpu.memory_space<vmem>> -> memref<64x128xf32, #tpu.memory_space<vmem>>
        %dma_wait3A_956 = arith.constant 0 : i32
        %dma_wait3A_957 = arith.constant 0 : i32
        %dma_wait3A_958 = tpu.memref_slice %arg4[%dma_wait3A_956, %dma_wait3A_957] : memref<409600x128xf32, #tpu.memory_space<hbm>> -> memref<64x128xf32, #tpu.memory_space<hbm>>
        %dma_wait3A_959 = arith.constant 0 : i32
        %dma_wait3A_960 = arith.constant 0 : i32
        %dma_wait3A_961 = tpu.memref_slice %arg12[%dma_wait3A_959, %dma_wait3A_960] : memref<64x129xf32, #tpu.memory_space<vmem>> -> memref<64x128xf32, #tpu.memory_space<vmem>>
        %dma_wait3A_962 = arith.constant 0 : i32
        %dma_wait3A_963 = arith.constant 0 : i32
        %dma_wait3A_964 = tpu.memref_slice %arg4[%dma_wait3A_962, %dma_wait3A_963] : memref<409600x128xf32, #tpu.memory_space<hbm>> -> memref<64x128xf32, #tpu.memory_space<hbm>>
        tpu.wait_dma2 semaphore(%arg20 : memref<!tpu.dma_semaphore, #tpu.memory_space<semaphore_mem>>) src(%dma_wait3A_964 : memref<64x128xf32, #tpu.memory_space<hbm>>) dst(%dma_wait3A_961 : memref<64x128xf32, #tpu.memory_space<vmem>>)
      } else {
      }
      %add3A_535 = arith.addi %mul3A_4, %add3A_520 : i32
      %jit3A_536 = arith.constant 32 : i32
      %div3A_537 = arith.divsi %add3A_535, %jit3A_536 : i32
      %sign3A_538 = arith.constant 0 : i32
      %sign3A_539 = arith.cmpi sgt, %add3A_535, %sign3A_538 : i32
      %sign3A_540 = arith.extui %sign3A_539 : i1 to i32
      %sign3A_541 = arith.constant 0 : i32
      %sign3A_542 = arith.cmpi slt, %add3A_535, %sign3A_541 : i32
      %sign3A_543 = arith.extui %sign3A_542 : i1 to i32
      %sign3A_544 = arith.subi %sign3A_540, %sign3A_543 : i32
      %sign3A_545 = arith.constant 0 : i32
      %sign3A_546 = arith.cmpi sgt, %jit3A_536, %sign3A_545 : i32
      %sign3A_547 = arith.extui %sign3A_546 : i1 to i32
      %sign3A_548 = arith.constant 0 : i32
      %sign3A_549 = arith.cmpi slt, %jit3A_536, %sign3A_548 : i32
      %sign3A_550 = arith.extui %sign3A_549 : i1 to i32
      %sign3A_551 = arith.subi %sign3A_547, %sign3A_550 : i32
      %ne3A_552 = arith.cmpi ne, %sign3A_544, %sign3A_551 : i32
      %rem3A_553 = arith.remsi %add3A_535, %jit3A_536 : i32
      %ne3A_554 = arith.constant 0 : i32
      %ne3A_555 = arith.cmpi ne, %rem3A_553, %ne3A_554 : i32
      %and3A_556 = arith.andi %ne3A_552, %ne3A_555 : i1
      %sub3A_557 = arith.constant 1 : i32
      %sub3A_558 = arith.subi %div3A_537, %sub3A_557 : i32
      %select_n3A_559 = arith.select %and3A_556, %sub3A_558, %div3A_537 : i32
      %jit3A_560 = arith.constant 32 : i32
      %eq3A_561 = arith.constant 0 : i32
      %eq3A_562 = arith.cmpi eq, %jit3A_560, %eq3A_561 : i32
      %jit3A_563 = arith.constant 1 : i32
      %select_n3A_564 = arith.select %eq3A_562, %jit3A_563, %jit3A_560 : i32
      %rem3A_565 = arith.remsi %add3A_535, %select_n3A_564 : i32
      %ne3A_566 = arith.constant 0 : i32
      %ne3A_567 = arith.cmpi ne, %rem3A_565, %ne3A_566 : i32
      %lt3A_568 = arith.constant 0 : i32
      %lt3A_569 = arith.cmpi slt, %rem3A_565, %lt3A_568 : i32
      %lt3A_570 = arith.constant 0 : i32
      %lt3A_571 = arith.cmpi slt, %select_n3A_564, %lt3A_570 : i32
      %ne3A_572 = arith.xori %lt3A_569, %lt3A_571 : i1
      %and3A_573 = arith.andi %ne3A_572, %ne3A_567 : i1
      %add3A_574 = arith.addi %rem3A_565, %select_n3A_564 : i32
      %select_n3A_575 = arith.select %and3A_573, %add3A_574, %rem3A_565 : i32
      %mul3A_576 = arith.constant 8 : i32
      %mul3A_577 = arith.muli %select_n3A_559, %mul3A_576 : i32
      %add3A_578 = arith.constant 0 : i32
      %add3A_579 = arith.addi %mul3A_577, %add3A_578 : i32
      %mul3A_580 = arith.constant 32 : i32
      %mul3A_581 = arith.muli %add3A_579, %mul3A_580 : i32
      %add3A_582 = arith.addi %mul3A_581, %select_n3A_575 : i32
      %mul3A_583 = arith.constant 8 : i32
      %mul3A_584 = arith.muli %add3A_582, %mul3A_583 : i32
      %dma_start3A_585 = arith.constant 0 : i32
      %dma_start3A_586 = arith.constant 0 : i32
      %dma_start3A_587 = tpu.memref_slice %arg12[%dma_start3A_585, %dma_start3A_586] : memref<64x129xf32, #tpu.memory_space<vmem>> -> memref<8x128xf32, #tpu.memory_space<vmem>>
      %dma_start3A_588 = arith.constant 0 : i32
      %dma_start3A_589 = tpu.memref_slice %arg4[%mul3A_584, %dma_start3A_588] : memref<409600x128xf32, #tpu.memory_space<hbm>> -> memref<8x128xf32, #tpu.memory_space<hbm>>
      %dma_start3A_590 = arith.constant 0 : i32
      %dma_start3A_591 = tpu.memref_slice %arg4[%mul3A_584, %dma_start3A_590] : memref<409600x128xf32, #tpu.memory_space<hbm>> -> memref<8x128xf32, #tpu.memory_space<hbm>>
      %dma_start3A_592 = arith.constant 0 : i32
      %dma_start3A_593 = arith.constant 0 : i32
      %dma_start3A_594 = tpu.memref_slice %arg12[%dma_start3A_592, %dma_start3A_593] : memref<64x129xf32, #tpu.memory_space<vmem>> -> memref<8x128xf32, #tpu.memory_space<vmem>>
      tpu.enqueue_dma source(%dma_start3A_594 : memref<8x128xf32, #tpu.memory_space<vmem>>) target(%dma_start3A_591 : memref<8x128xf32, #tpu.memory_space<hbm>>) target_semaphore(%arg20 : memref<!tpu.dma_semaphore, #tpu.memory_space<semaphore_mem>>)
      %mul3A_595 = arith.constant 8 : i32
      %mul3A_596 = arith.muli %select_n3A_559, %mul3A_595 : i32
      %add3A_597 = arith.constant 1 : i32
      %add3A_598 = arith.addi %mul3A_596, %add3A_597 : i32
      %mul3A_599 = arith.constant 32 : i32
      %mul3A_600 = arith.muli %add3A_598, %mul3A_599 : i32
      %add3A_601 = arith.addi %mul3A_600, %select_n3A_575 : i32
      %mul3A_602 = arith.constant 8 : i32
      %mul3A_603 = arith.muli %add3A_601, %mul3A_602 : i32
      %dma_start3A_604 = arith.constant 8 : i32
      %dma_start3A_605 = arith.constant 0 : i32
      %dma_start3A_606 = tpu.memref_slice %arg12[%dma_start3A_604, %dma_start3A_605] : memref<64x129xf32, #tpu.memory_space<vmem>> -> memref<8x128xf32, #tpu.memory_space<vmem>>
      %dma_start3A_607 = arith.constant 0 : i32
      %dma_start3A_608 = tpu.memref_slice %arg4[%mul3A_603, %dma_start3A_607] : memref<409600x128xf32, #tpu.memory_space<hbm>> -> memref<8x128xf32, #tpu.memory_space<hbm>>
      %dma_start3A_609 = arith.constant 0 : i32
      %dma_start3A_610 = tpu.memref_slice %arg4[%mul3A_603, %dma_start3A_609] : memref<409600x128xf32, #tpu.memory_space<hbm>> -> memref<8x128xf32, #tpu.memory_space<hbm>>
      %dma_start3A_611 = arith.constant 8 : i32
      %dma_start3A_612 = arith.constant 0 : i32
      %dma_start3A_613 = tpu.memref_slice %arg12[%dma_start3A_611, %dma_start3A_612] : memref<64x129xf32, #tpu.memory_space<vmem>> -> memref<8x128xf32, #tpu.memory_space<vmem>>
      tpu.enqueue_dma source(%dma_start3A_613 : memref<8x128xf32, #tpu.memory_space<vmem>>) target(%dma_start3A_610 : memref<8x128xf32, #tpu.memory_space<hbm>>) target_semaphore(%arg20 : memref<!tpu.dma_semaphore, #tpu.memory_space<semaphore_mem>>)
      %mul3A_614 = arith.constant 8 : i32
      %mul3A_615 = arith.muli %select_n3A_559, %mul3A_614 : i32
      %add3A_616 = arith.constant 2 : i32
      %add3A_617 = arith.addi %mul3A_615, %add3A_616 : i32
      %mul3A_618 = arith.constant 32 : i32
      %mul3A_619 = arith.muli %add3A_617, %mul3A_618 : i32
      %add3A_620 = arith.addi %mul3A_619, %select_n3A_575 : i32
      %mul3A_621 = arith.constant 8 : i32
      %mul3A_622 = arith.muli %add3A_620, %mul3A_621 : i32
      %dma_start3A_623 = arith.constant 16 : i32
      %dma_start3A_624 = arith.constant 0 : i32
      %dma_start3A_625 = tpu.memref_slice %arg12[%dma_start3A_623, %dma_start3A_624] : memref<64x129xf32, #tpu.memory_space<vmem>> -> memref<8x128xf32, #tpu.memory_space<vmem>>
      %dma_start3A_626 = arith.constant 0 : i32
      %dma_start3A_627 = tpu.memref_slice %arg4[%mul3A_622, %dma_start3A_626] : memref<409600x128xf32, #tpu.memory_space<hbm>> -> memref<8x128xf32, #tpu.memory_space<hbm>>
      %dma_start3A_628 = arith.constant 0 : i32
      %dma_start3A_629 = tpu.memref_slice %arg4[%mul3A_622, %dma_start3A_628] : memref<409600x128xf32, #tpu.memory_space<hbm>> -> memref<8x128xf32, #tpu.memory_space<hbm>>
      %dma_start3A_630 = arith.constant 16 : i32
      %dma_start3A_631 = arith.constant 0 : i32
      %dma_start3A_632 = tpu.memref_slice %arg12[%dma_start3A_630, %dma_start3A_631] : memref<64x129xf32, #tpu.memory_space<vmem>> -> memref<8x128xf32, #tpu.memory_space<vmem>>
      tpu.enqueue_dma source(%dma_start3A_632 : memref<8x128xf32, #tpu.memory_space<vmem>>) target(%dma_start3A_629 : memref<8x128xf32, #tpu.memory_space<hbm>>) target_semaphore(%arg20 : memref<!tpu.dma_semaphore, #tpu.memory_space<semaphore_mem>>)
      %mul3A_633 = arith.constant 8 : i32
      %mul3A_634 = arith.muli %select_n3A_559, %mul3A_633 : i32
      %add3A_635 = arith.constant 3 : i32
      %add3A_636 = arith.addi %mul3A_634, %add3A_635 : i32
      %mul3A_637 = arith.constant 32 : i32
      %mul3A_638 = arith.muli %add3A_636, %mul3A_637 : i32
      %add3A_639 = arith.addi %mul3A_638, %select_n3A_575 : i32
      %mul3A_640 = arith.constant 8 : i32
      %mul3A_641 = arith.muli %add3A_639, %mul3A_640 : i32
      %dma_start3A_642 = arith.constant 24 : i32
      %dma_start3A_643 = arith.constant 0 : i32
      %dma_start3A_644 = tpu.memref_slice %arg12[%dma_start3A_642, %dma_start3A_643] : memref<64x129xf32, #tpu.memory_space<vmem>> -> memref<8x128xf32, #tpu.memory_space<vmem>>
      %dma_start3A_645 = arith.constant 0 : i32
      %dma_start3A_646 = tpu.memref_slice %arg4[%mul3A_641, %dma_start3A_645] : memref<409600x128xf32, #tpu.memory_space<hbm>> -> memref<8x128xf32, #tpu.memory_space<hbm>>
      %dma_start3A_647 = arith.constant 0 : i32
      %dma_start3A_648 = tpu.memref_slice %arg4[%mul3A_641, %dma_start3A_647] : memref<409600x128xf32, #tpu.memory_space<hbm>> -> memref<8x128xf32, #tpu.memory_space<hbm>>
      %dma_start3A_649 = arith.constant 24 : i32
      %dma_start3A_650 = arith.constant 0 : i32
      %dma_start3A_651 = tpu.memref_slice %arg12[%dma_start3A_649, %dma_start3A_650] : memref<64x129xf32, #tpu.memory_space<vmem>> -> memref<8x128xf32, #tpu.memory_space<vmem>>
      tpu.enqueue_dma source(%dma_start3A_651 : memref<8x128xf32, #tpu.memory_space<vmem>>) target(%dma_start3A_648 : memref<8x128xf32, #tpu.memory_space<hbm>>) target_semaphore(%arg20 : memref<!tpu.dma_semaphore, #tpu.memory_space<semaphore_mem>>)
      %mul3A_652 = arith.constant 8 : i32
      %mul3A_653 = arith.muli %select_n3A_559, %mul3A_652 : i32
      %add3A_654 = arith.constant 4 : i32
      %add3A_655 = arith.addi %mul3A_653, %add3A_654 : i32
      %mul3A_656 = arith.constant 32 : i32
      %mul3A_657 = arith.muli %add3A_655, %mul3A_656 : i32
      %add3A_658 = arith.addi %mul3A_657, %select_n3A_575 : i32
      %mul3A_659 = arith.constant 8 : i32
      %mul3A_660 = arith.muli %add3A_658, %mul3A_659 : i32
      %dma_start3A_661 = arith.constant 32 : i32
      %dma_start3A_662 = arith.constant 0 : i32
      %dma_start3A_663 = tpu.memref_slice %arg12[%dma_start3A_661, %dma_start3A_662] : memref<64x129xf32, #tpu.memory_space<vmem>> -> memref<8x128xf32, #tpu.memory_space<vmem>>
      %dma_start3A_664 = arith.constant 0 : i32
      %dma_start3A_665 = tpu.memref_slice %arg4[%mul3A_660, %dma_start3A_664] : memref<409600x128xf32, #tpu.memory_space<hbm>> -> memref<8x128xf32, #tpu.memory_space<hbm>>
      %dma_start3A_666 = arith.constant 0 : i32
      %dma_start3A_667 = tpu.memref_slice %arg4[%mul3A_660, %dma_start3A_666] : memref<409600x128xf32, #tpu.memory_space<hbm>> -> memref<8x128xf32, #tpu.memory_space<hbm>>
      %dma_start3A_668 = arith.constant 32 : i32
      %dma_start3A_669 = arith.constant 0 : i32
      %dma_start3A_670 = tpu.memref_slice %arg12[%dma_start3A_668, %dma_start3A_669] : memref<64x129xf32, #tpu.memory_space<vmem>> -> memref<8x128xf32, #tpu.memory_space<vmem>>
      tpu.enqueue_dma source(%dma_start3A_670 : memref<8x128xf32, #tpu.memory_space<vmem>>) target(%dma_start3A_667 : memref<8x128xf32, #tpu.memory_space<hbm>>) target_semaphore(%arg20 : memref<!tpu.dma_semaphore, #tpu.memory_space<semaphore_mem>>)
      %mul3A_671 = arith.constant 8 : i32
      %mul3A_672 = arith.muli %select_n3A_559, %mul3A_671 : i32
      %add3A_673 = arith.constant 5 : i32
      %add3A_674 = arith.addi %mul3A_672, %add3A_673 : i32
      %mul3A_675 = arith.constant 32 : i32
      %mul3A_676 = arith.muli %add3A_674, %mul3A_675 : i32
      %add3A_677 = arith.addi %mul3A_676, %select_n3A_575 : i32
      %mul3A_678 = arith.constant 8 : i32
      %mul3A_679 = arith.muli %add3A_677, %mul3A_678 : i32
      %dma_start3A_680 = arith.constant 40 : i32
      %dma_start3A_681 = arith.constant 0 : i32
      %dma_start3A_682 = tpu.memref_slice %arg12[%dma_start3A_680, %dma_start3A_681] : memref<64x129xf32, #tpu.memory_space<vmem>> -> memref<8x128xf32, #tpu.memory_space<vmem>>
      %dma_start3A_683 = arith.constant 0 : i32
      %dma_start3A_684 = tpu.memref_slice %arg4[%mul3A_679, %dma_start3A_683] : memref<409600x128xf32, #tpu.memory_space<hbm>> -> memref<8x128xf32, #tpu.memory_space<hbm>>
      %dma_start3A_685 = arith.constant 0 : i32
      %dma_start3A_686 = tpu.memref_slice %arg4[%mul3A_679, %dma_start3A_685] : memref<409600x128xf32, #tpu.memory_space<hbm>> -> memref<8x128xf32, #tpu.memory_space<hbm>>
      %dma_start3A_687 = arith.constant 40 : i32
      %dma_start3A_688 = arith.constant 0 : i32
      %dma_start3A_689 = tpu.memref_slice %arg12[%dma_start3A_687, %dma_start3A_688] : memref<64x129xf32, #tpu.memory_space<vmem>> -> memref<8x128xf32, #tpu.memory_space<vmem>>
      tpu.enqueue_dma source(%dma_start3A_689 : memref<8x128xf32, #tpu.memory_space<vmem>>) target(%dma_start3A_686 : memref<8x128xf32, #tpu.memory_space<hbm>>) target_semaphore(%arg20 : memref<!tpu.dma_semaphore, #tpu.memory_space<semaphore_mem>>)
      %mul3A_690 = arith.constant 8 : i32
      %mul3A_691 = arith.muli %select_n3A_559, %mul3A_690 : i32
      %add3A_692 = arith.constant 6 : i32
      %add3A_693 = arith.addi %mul3A_691, %add3A_692 : i32
      %mul3A_694 = arith.constant 32 : i32
      %mul3A_695 = arith.muli %add3A_693, %mul3A_694 : i32
      %add3A_696 = arith.addi %mul3A_695, %select_n3A_575 : i32
      %mul3A_697 = arith.constant 8 : i32
      %mul3A_698 = arith.muli %add3A_696, %mul3A_697 : i32
      %dma_start3A_699 = arith.constant 48 : i32
      %dma_start3A_700 = arith.constant 0 : i32
      %dma_start3A_701 = tpu.memref_slice %arg12[%dma_start3A_699, %dma_start3A_700] : memref<64x129xf32, #tpu.memory_space<vmem>> -> memref<8x128xf32, #tpu.memory_space<vmem>>
      %dma_start3A_702 = arith.constant 0 : i32
      %dma_start3A_703 = tpu.memref_slice %arg4[%mul3A_698, %dma_start3A_702] : memref<409600x128xf32, #tpu.memory_space<hbm>> -> memref<8x128xf32, #tpu.memory_space<hbm>>
      %dma_start3A_704 = arith.constant 0 : i32
      %dma_start3A_705 = tpu.memref_slice %arg4[%mul3A_698, %dma_start3A_704] : memref<409600x128xf32, #tpu.memory_space<hbm>> -> memref<8x128xf32, #tpu.memory_space<hbm>>
      %dma_start3A_706 = arith.constant 48 : i32
      %dma_start3A_707 = arith.constant 0 : i32
      %dma_start3A_708 = tpu.memref_slice %arg12[%dma_start3A_706, %dma_start3A_707] : memref<64x129xf32, #tpu.memory_space<vmem>> -> memref<8x128xf32, #tpu.memory_space<vmem>>
      tpu.enqueue_dma source(%dma_start3A_708 : memref<8x128xf32, #tpu.memory_space<vmem>>) target(%dma_start3A_705 : memref<8x128xf32, #tpu.memory_space<hbm>>) target_semaphore(%arg20 : memref<!tpu.dma_semaphore, #tpu.memory_space<semaphore_mem>>)
      %mul3A_709 = arith.constant 8 : i32
      %mul3A_710 = arith.muli %select_n3A_559, %mul3A_709 : i32
      %add3A_711 = arith.constant 7 : i32
      %add3A_712 = arith.addi %mul3A_710, %add3A_711 : i32
      %mul3A_713 = arith.constant 32 : i32
      %mul3A_714 = arith.muli %add3A_712, %mul3A_713 : i32
      %add3A_715 = arith.addi %mul3A_714, %select_n3A_575 : i32
      %mul3A_716 = arith.constant 8 : i32
      %mul3A_717 = arith.muli %add3A_715, %mul3A_716 : i32
      %dma_start3A_718 = arith.constant 56 : i32
      %dma_start3A_719 = arith.constant 0 : i32
      %dma_start3A_720 = tpu.memref_slice %arg12[%dma_start3A_718, %dma_start3A_719] : memref<64x129xf32, #tpu.memory_space<vmem>> -> memref<8x128xf32, #tpu.memory_space<vmem>>
      %dma_start3A_721 = arith.constant 0 : i32
      %dma_start3A_722 = tpu.memref_slice %arg4[%mul3A_717, %dma_start3A_721] : memref<409600x128xf32, #tpu.memory_space<hbm>> -> memref<8x128xf32, #tpu.memory_space<hbm>>
      %dma_start3A_723 = arith.constant 0 : i32
      %dma_start3A_724 = tpu.memref_slice %arg4[%mul3A_717, %dma_start3A_723] : memref<409600x128xf32, #tpu.memory_space<hbm>> -> memref<8x128xf32, #tpu.memory_space<hbm>>
      %dma_start3A_725 = arith.constant 56 : i32
      %dma_start3A_726 = arith.constant 0 : i32
      %dma_start3A_727 = tpu.memref_slice %arg12[%dma_start3A_725, %dma_start3A_726] : memref<64x129xf32, #tpu.memory_space<vmem>> -> memref<8x128xf32, #tpu.memory_space<vmem>>
      tpu.enqueue_dma source(%dma_start3A_727 : memref<8x128xf32, #tpu.memory_space<vmem>>) target(%dma_start3A_724 : memref<8x128xf32, #tpu.memory_space<hbm>>) target_semaphore(%arg20 : memref<!tpu.dma_semaphore, #tpu.memory_space<semaphore_mem>>)
      %add3A_728 = arith.constant 4 : i32
      %add3A_729 = arith.addi %add3A_520, %add3A_728 : i32
      %lt3A_730 = arith.constant 200 : i32
      %lt3A_731 = arith.cmpi slt, %add3A_729, %lt3A_730 : i32
      %convert_element_type3A_732 = arith.extui %lt3A_731 : i1 to i32
      %cond3A_733 = arith.constant 0 : i32
      %cond3A_734 = arith.cmpi ne, %convert_element_type3A_732, %cond3A_733 : i32
      scf.if %cond3A_734 {
        %add3A_953 = arith.constant 4 : i32
        %add3A_954 = arith.addi %add3A_520, %add3A_953 : i32
        %mul3A_955 = arith.constant 128 : i32
        %mul3A_956 = arith.muli %add3A_954, %mul3A_955 : i32
        %multiple_of3A_957 = tpu.assume_multiple %mul3A_956, 128 : i32
        %dma_start3A_958 = tpu.memref_slice %arg5[%multiple_of3A_957] : memref<25600xi32, #tpu.memory_space<vmem>> -> memref<128xi32, #tpu.memory_space<vmem>>
        %dma_start3A_959 = arith.constant 0 : i32
        %dma_start3A_960 = arith.constant 0 : i32
        %dma_start3A_961 = tpu.memref_slice %arg3[%dma_start3A_959, %dma_start3A_960] : memref<1000000x64xf32, #tpu.memory_space<hbm>> -> memref<1000000x64xf32, #tpu.memory_space<hbm>>
        tpu.enqueue_indirect_dma source(%dma_start3A_961 : memref<1000000x64xf32, #tpu.memory_space<hbm>>) target(%arg8 : memref<128x64xf32, #tpu.memory_space<vmem>>) offsets(%dma_start3A_958 : memref<128xi32, #tpu.memory_space<vmem>>) semaphore(%arg16 : memref<!tpu.dma_semaphore, #tpu.memory_space<semaphore_mem>>)
      } else {
      }
      %mul3A_735 = arith.constant 4 : i32
      %mul3A_736 = arith.muli %scan3A_94, %mul3A_735 : i32
      %add3A_737 = arith.constant 3 : i32
      %add3A_738 = arith.addi %mul3A_736, %add3A_737 : i32
      %dma_wait3A_739 = arith.constant 0 : i32
      %dma_wait3A_740 = arith.constant 0 : i32
      %dma_wait3A_741 = tpu.memref_slice %arg3[%dma_wait3A_739, %dma_wait3A_740] : memref<1000000x64xf32, #tpu.memory_space<hbm>> -> memref<128x64xf32, #tpu.memory_space<hbm>>
      %dma_wait3A_742 = arith.constant 0 : i32
      %dma_wait3A_743 = arith.constant 0 : i32
      %dma_wait3A_744 = tpu.memref_slice %arg3[%dma_wait3A_742, %dma_wait3A_743] : memref<1000000x64xf32, #tpu.memory_space<hbm>> -> memref<128x64xf32, #tpu.memory_space<hbm>>
      tpu.wait_dma2 semaphore(%arg17 : memref<!tpu.dma_semaphore, #tpu.memory_space<semaphore_mem>>) src(%dma_wait3A_744 : memref<128x64xf32, #tpu.memory_space<hbm>>) dst(%arg9 : memref<128x64xf32, #tpu.memory_space<vmem>>)
      %parallel_loop3A_745 = arith.constant 0 : i32
      %parallel_loop3A_746 = arith.constant 128 : i32
      %parallel_loop3A_747 = arith.constant 1 : i32
      scf.for %parallel_loop3A_953 = %parallel_loop3A_745 to %parallel_loop3A_746 step %parallel_loop3A_747  : i32 {
        %parallel_loop3A_954 = vector.broadcast %parallel_loop3A_953 : i32 to vector<16xi32>
        %parallel_loop3A_955 = arith.addi %mul3A_41, %parallel_loop3A_954 : vector<16xi32>
        %parallel_loop3A_956 = arith.index_cast %parallel_loop3A_953 : i32 to index
        %parallel_loop3A_957 = arith.constant 0 : index
        %parallel_loop3A_958 = tpu.vector_load %arg9[%parallel_loop3A_956, %parallel_loop3A_957] {strides = array<i32>} : memref<128x64xf32, #tpu.memory_space<vmem>>, vector<16xf32>,
        %parallel_loop3A_959 = arith.constant 8.000000e+00 : f32
        %parallel_loop3A_960 = vector.broadcast %parallel_loop3A_959 : f32 to vector<16xf32>
        %parallel_loop3A_961 = arith.mulf %parallel_loop3A_958, %parallel_loop3A_960 : vector<16xf32>
        tpu.vector_store_idx %arg13[%add3A_29, %parallel_loop3A_955], %parallel_loop3A_961 : memref<64x129xf32, #tpu.memory_space<vmem>>[vector<16xi32>, vector<16xi32>], vector<16xf32>,
        %parallel_loop3A_962 = arith.index_cast %parallel_loop3A_953 : i32 to index
        %parallel_loop3A_963 = arith.constant 16 : index
        %parallel_loop3A_964 = tpu.vector_load %arg9[%parallel_loop3A_962, %parallel_loop3A_963] {strides = array<i32>} : memref<128x64xf32, #tpu.memory_space<vmem>>, vector<16xf32>,
        %parallel_loop3A_965 = arith.constant 8.000000e+00 : f32
        %parallel_loop3A_966 = vector.broadcast %parallel_loop3A_965 : f32 to vector<16xf32>
        %parallel_loop3A_967 = arith.mulf %parallel_loop3A_964, %parallel_loop3A_966 : vector<16xf32>
        tpu.vector_store_idx %arg13[%add3A_32, %parallel_loop3A_955], %parallel_loop3A_967 : memref<64x129xf32, #tpu.memory_space<vmem>>[vector<16xi32>, vector<16xi32>], vector<16xf32>,
        %parallel_loop3A_968 = arith.index_cast %parallel_loop3A_953 : i32 to index
        %parallel_loop3A_969 = arith.constant 32 : index
        %parallel_loop3A_970 = tpu.vector_load %arg9[%parallel_loop3A_968, %parallel_loop3A_969] {strides = array<i32>} : memref<128x64xf32, #tpu.memory_space<vmem>>, vector<16xf32>,
        %parallel_loop3A_971 = arith.constant 8.000000e+00 : f32
        %parallel_loop3A_972 = vector.broadcast %parallel_loop3A_971 : f32 to vector<16xf32>
        %parallel_loop3A_973 = arith.mulf %parallel_loop3A_970, %parallel_loop3A_972 : vector<16xf32>
        tpu.vector_store_idx %arg13[%add3A_35, %parallel_loop3A_955], %parallel_loop3A_973 : memref<64x129xf32, #tpu.memory_space<vmem>>[vector<16xi32>, vector<16xi32>], vector<16xf32>,
        %parallel_loop3A_974 = arith.index_cast %parallel_loop3A_953 : i32 to index
        %parallel_loop3A_975 = arith.constant 48 : index
        %parallel_loop3A_976 = tpu.vector_load %arg9[%parallel_loop3A_974, %parallel_loop3A_975] {strides = array<i32>} : memref<128x64xf32, #tpu.memory_space<vmem>>, vector<16xf32>,
        %parallel_loop3A_977 = arith.constant 8.000000e+00 : f32
        %parallel_loop3A_978 = vector.broadcast %parallel_loop3A_977 : f32 to vector<16xf32>
        %parallel_loop3A_979 = arith.mulf %parallel_loop3A_976, %parallel_loop3A_978 : vector<16xf32>
        tpu.vector_store_idx %arg13[%add3A_38, %parallel_loop3A_955], %parallel_loop3A_979 : memref<64x129xf32, #tpu.memory_space<vmem>>[vector<16xi32>, vector<16xi32>], vector<16xf32>,
      } {sc.loop_unroll_factor = 8 : i64, sc.parallel_access}
      %gt3A_748 = arith.constant 0 : i32
      %gt3A_749 = arith.cmpi sgt, %scan3A_94, %gt3A_748 : i32
      %convert_element_type3A_750 = arith.extui %gt3A_749 : i1 to i32
      %cond3A_751 = arith.constant 0 : i32
      %cond3A_752 = arith.cmpi ne, %convert_element_type3A_750, %cond3A_751 : i32
      scf.if %cond3A_752 {
        %dma_wait3A_953 = arith.constant 0 : i32
        %dma_wait3A_954 = arith.constant 0 : i32
        %dma_wait3A_955 = tpu.memref_slice %arg13[%dma_wait3A_953, %dma_wait3A_954] : memref<64x129xf32, #tpu.memory_space<vmem>> -> memref<64x128xf32, #tpu.memory_space<vmem>>
        %dma_wait3A_956 = arith.constant 0 : i32
        %dma_wait3A_957 = arith.constant 0 : i32
        %dma_wait3A_958 = tpu.memref_slice %arg4[%dma_wait3A_956, %dma_wait3A_957] : memref<409600x128xf32, #tpu.memory_space<hbm>> -> memref<64x128xf32, #tpu.memory_space<hbm>>
        %dma_wait3A_959 = arith.constant 0 : i32
        %dma_wait3A_960 = arith.constant 0 : i32
        %dma_wait3A_961 = tpu.memref_slice %arg13[%dma_wait3A_959, %dma_wait3A_960] : memref<64x129xf32, #tpu.memory_space<vmem>> -> memref<64x128xf32, #tpu.memory_space<vmem>>
        %dma_wait3A_962 = arith.constant 0 : i32
        %dma_wait3A_963 = arith.constant 0 : i32
        %dma_wait3A_964 = tpu.memref_slice %arg4[%dma_wait3A_962, %dma_wait3A_963] : memref<409600x128xf32, #tpu.memory_space<hbm>> -> memref<64x128xf32, #tpu.memory_space<hbm>>
        tpu.wait_dma2 semaphore(%arg21 : memref<!tpu.dma_semaphore, #tpu.memory_space<semaphore_mem>>) src(%dma_wait3A_964 : memref<64x128xf32, #tpu.memory_space<hbm>>) dst(%dma_wait3A_961 : memref<64x128xf32, #tpu.memory_space<vmem>>)
      } else {
      }
      %add3A_753 = arith.addi %mul3A_4, %add3A_738 : i32
      %jit3A_754 = arith.constant 32 : i32
      %div3A_755 = arith.divsi %add3A_753, %jit3A_754 : i32
      %sign3A_756 = arith.constant 0 : i32
      %sign3A_757 = arith.cmpi sgt, %add3A_753, %sign3A_756 : i32
      %sign3A_758 = arith.extui %sign3A_757 : i1 to i32
      %sign3A_759 = arith.constant 0 : i32
      %sign3A_760 = arith.cmpi slt, %add3A_753, %sign3A_759 : i32
      %sign3A_761 = arith.extui %sign3A_760 : i1 to i32
      %sign3A_762 = arith.subi %sign3A_758, %sign3A_761 : i32
      %sign3A_763 = arith.constant 0 : i32
      %sign3A_764 = arith.cmpi sgt, %jit3A_754, %sign3A_763 : i32
      %sign3A_765 = arith.extui %sign3A_764 : i1 to i32
      %sign3A_766 = arith.constant 0 : i32
      %sign3A_767 = arith.cmpi slt, %jit3A_754, %sign3A_766 : i32
      %sign3A_768 = arith.extui %sign3A_767 : i1 to i32
      %sign3A_769 = arith.subi %sign3A_765, %sign3A_768 : i32
      %ne3A_770 = arith.cmpi ne, %sign3A_762, %sign3A_769 : i32
      %rem3A_771 = arith.remsi %add3A_753, %jit3A_754 : i32
      %ne3A_772 = arith.constant 0 : i32
      %ne3A_773 = arith.cmpi ne, %rem3A_771, %ne3A_772 : i32
      %and3A_774 = arith.andi %ne3A_770, %ne3A_773 : i1
      %sub3A_775 = arith.constant 1 : i32
      %sub3A_776 = arith.subi %div3A_755, %sub3A_775 : i32
      %select_n3A_777 = arith.select %and3A_774, %sub3A_776, %div3A_755 : i32
      %jit3A_778 = arith.constant 32 : i32
      %eq3A_779 = arith.constant 0 : i32
      %eq3A_780 = arith.cmpi eq, %jit3A_778, %eq3A_779 : i32
      %jit3A_781 = arith.constant 1 : i32
      %select_n3A_782 = arith.select %eq3A_780, %jit3A_781, %jit3A_778 : i32
      %rem3A_783 = arith.remsi %add3A_753, %select_n3A_782 : i32
      %ne3A_784 = arith.constant 0 : i32
      %ne3A_785 = arith.cmpi ne, %rem3A_783, %ne3A_784 : i32
      %lt3A_786 = arith.constant 0 : i32
      %lt3A_787 = arith.cmpi slt, %rem3A_783, %lt3A_786 : i32
      %lt3A_788 = arith.constant 0 : i32
      %lt3A_789 = arith.cmpi slt, %select_n3A_782, %lt3A_788 : i32
      %ne3A_790 = arith.xori %lt3A_787, %lt3A_789 : i1
      %and3A_791 = arith.andi %ne3A_790, %ne3A_785 : i1
      %add3A_792 = arith.addi %rem3A_783, %select_n3A_782 : i32
      %select_n3A_793 = arith.select %and3A_791, %add3A_792, %rem3A_783 : i32
      %mul3A_794 = arith.constant 8 : i32
      %mul3A_795 = arith.muli %select_n3A_777, %mul3A_794 : i32
      %add3A_796 = arith.constant 0 : i32
      %add3A_797 = arith.addi %mul3A_795, %add3A_796 : i32
      %mul3A_798 = arith.constant 32 : i32
      %mul3A_799 = arith.muli %add3A_797, %mul3A_798 : i32
      %add3A_800 = arith.addi %mul3A_799, %select_n3A_793 : i32
      %mul3A_801 = arith.constant 8 : i32
      %mul3A_802 = arith.muli %add3A_800, %mul3A_801 : i32
      %dma_start3A_803 = arith.constant 0 : i32
      %dma_start3A_804 = arith.constant 0 : i32
      %dma_start3A_805 = tpu.memref_slice %arg13[%dma_start3A_803, %dma_start3A_804] : memref<64x129xf32, #tpu.memory_space<vmem>> -> memref<8x128xf32, #tpu.memory_space<vmem>>
      %dma_start3A_806 = arith.constant 0 : i32
      %dma_start3A_807 = tpu.memref_slice %arg4[%mul3A_802, %dma_start3A_806] : memref<409600x128xf32, #tpu.memory_space<hbm>> -> memref<8x128xf32, #tpu.memory_space<hbm>>
      %dma_start3A_808 = arith.constant 0 : i32
      %dma_start3A_809 = tpu.memref_slice %arg4[%mul3A_802, %dma_start3A_808] : memref<409600x128xf32, #tpu.memory_space<hbm>> -> memref<8x128xf32, #tpu.memory_space<hbm>>
      %dma_start3A_810 = arith.constant 0 : i32
      %dma_start3A_811 = arith.constant 0 : i32
      %dma_start3A_812 = tpu.memref_slice %arg13[%dma_start3A_810, %dma_start3A_811] : memref<64x129xf32, #tpu.memory_space<vmem>> -> memref<8x128xf32, #tpu.memory_space<vmem>>
      tpu.enqueue_dma source(%dma_start3A_812 : memref<8x128xf32, #tpu.memory_space<vmem>>) target(%dma_start3A_809 : memref<8x128xf32, #tpu.memory_space<hbm>>) target_semaphore(%arg21 : memref<!tpu.dma_semaphore, #tpu.memory_space<semaphore_mem>>)
      %mul3A_813 = arith.constant 8 : i32
      %mul3A_814 = arith.muli %select_n3A_777, %mul3A_813 : i32
      %add3A_815 = arith.constant 1 : i32
      %add3A_816 = arith.addi %mul3A_814, %add3A_815 : i32
      %mul3A_817 = arith.constant 32 : i32
      %mul3A_818 = arith.muli %add3A_816, %mul3A_817 : i32
      %add3A_819 = arith.addi %mul3A_818, %select_n3A_793 : i32
      %mul3A_820 = arith.constant 8 : i32
      %mul3A_821 = arith.muli %add3A_819, %mul3A_820 : i32
      %dma_start3A_822 = arith.constant 8 : i32
      %dma_start3A_823 = arith.constant 0 : i32
      %dma_start3A_824 = tpu.memref_slice %arg13[%dma_start3A_822, %dma_start3A_823] : memref<64x129xf32, #tpu.memory_space<vmem>> -> memref<8x128xf32, #tpu.memory_space<vmem>>
      %dma_start3A_825 = arith.constant 0 : i32
      %dma_start3A_826 = tpu.memref_slice %arg4[%mul3A_821, %dma_start3A_825] : memref<409600x128xf32, #tpu.memory_space<hbm>> -> memref<8x128xf32, #tpu.memory_space<hbm>>
      %dma_start3A_827 = arith.constant 0 : i32
      %dma_start3A_828 = tpu.memref_slice %arg4[%mul3A_821, %dma_start3A_827] : memref<409600x128xf32, #tpu.memory_space<hbm>> -> memref<8x128xf32, #tpu.memory_space<hbm>>
      %dma_start3A_829 = arith.constant 8 : i32
      %dma_start3A_830 = arith.constant 0 : i32
      %dma_start3A_831 = tpu.memref_slice %arg13[%dma_start3A_829, %dma_start3A_830] : memref<64x129xf32, #tpu.memory_space<vmem>> -> memref<8x128xf32, #tpu.memory_space<vmem>>
      tpu.enqueue_dma source(%dma_start3A_831 : memref<8x128xf32, #tpu.memory_space<vmem>>) target(%dma_start3A_828 : memref<8x128xf32, #tpu.memory_space<hbm>>) target_semaphore(%arg21 : memref<!tpu.dma_semaphore, #tpu.memory_space<semaphore_mem>>)
      %mul3A_832 = arith.constant 8 : i32
      %mul3A_833 = arith.muli %select_n3A_777, %mul3A_832 : i32
      %add3A_834 = arith.constant 2 : i32
      %add3A_835 = arith.addi %mul3A_833, %add3A_834 : i32
      %mul3A_836 = arith.constant 32 : i32
      %mul3A_837 = arith.muli %add3A_835, %mul3A_836 : i32
      %add3A_838 = arith.addi %mul3A_837, %select_n3A_793 : i32
      %mul3A_839 = arith.constant 8 : i32
      %mul3A_840 = arith.muli %add3A_838, %mul3A_839 : i32
      %dma_start3A_841 = arith.constant 16 : i32
      %dma_start3A_842 = arith.constant 0 : i32
      %dma_start3A_843 = tpu.memref_slice %arg13[%dma_start3A_841, %dma_start3A_842] : memref<64x129xf32, #tpu.memory_space<vmem>> -> memref<8x128xf32, #tpu.memory_space<vmem>>
      %dma_start3A_844 = arith.constant 0 : i32
      %dma_start3A_845 = tpu.memref_slice %arg4[%mul3A_840, %dma_start3A_844] : memref<409600x128xf32, #tpu.memory_space<hbm>> -> memref<8x128xf32, #tpu.memory_space<hbm>>
      %dma_start3A_846 = arith.constant 0 : i32
      %dma_start3A_847 = tpu.memref_slice %arg4[%mul3A_840, %dma_start3A_846] : memref<409600x128xf32, #tpu.memory_space<hbm>> -> memref<8x128xf32, #tpu.memory_space<hbm>>
      %dma_start3A_848 = arith.constant 16 : i32
      %dma_start3A_849 = arith.constant 0 : i32
      %dma_start3A_850 = tpu.memref_slice %arg13[%dma_start3A_848, %dma_start3A_849] : memref<64x129xf32, #tpu.memory_space<vmem>> -> memref<8x128xf32, #tpu.memory_space<vmem>>
      tpu.enqueue_dma source(%dma_start3A_850 : memref<8x128xf32, #tpu.memory_space<vmem>>) target(%dma_start3A_847 : memref<8x128xf32, #tpu.memory_space<hbm>>) target_semaphore(%arg21 : memref<!tpu.dma_semaphore, #tpu.memory_space<semaphore_mem>>)
      %mul3A_851 = arith.constant 8 : i32
      %mul3A_852 = arith.muli %select_n3A_777, %mul3A_851 : i32
      %add3A_853 = arith.constant 3 : i32
      %add3A_854 = arith.addi %mul3A_852, %add3A_853 : i32
      %mul3A_855 = arith.constant 32 : i32
      %mul3A_856 = arith.muli %add3A_854, %mul3A_855 : i32
      %add3A_857 = arith.addi %mul3A_856, %select_n3A_793 : i32
      %mul3A_858 = arith.constant 8 : i32
      %mul3A_859 = arith.muli %add3A_857, %mul3A_858 : i32
      %dma_start3A_860 = arith.constant 24 : i32
      %dma_start3A_861 = arith.constant 0 : i32
      %dma_start3A_862 = tpu.memref_slice %arg13[%dma_start3A_860, %dma_start3A_861] : memref<64x129xf32, #tpu.memory_space<vmem>> -> memref<8x128xf32, #tpu.memory_space<vmem>>
      %dma_start3A_863 = arith.constant 0 : i32
      %dma_start3A_864 = tpu.memref_slice %arg4[%mul3A_859, %dma_start3A_863] : memref<409600x128xf32, #tpu.memory_space<hbm>> -> memref<8x128xf32, #tpu.memory_space<hbm>>
      %dma_start3A_865 = arith.constant 0 : i32
      %dma_start3A_866 = tpu.memref_slice %arg4[%mul3A_859, %dma_start3A_865] : memref<409600x128xf32, #tpu.memory_space<hbm>> -> memref<8x128xf32, #tpu.memory_space<hbm>>
      %dma_start3A_867 = arith.constant 24 : i32
      %dma_start3A_868 = arith.constant 0 : i32
      %dma_start3A_869 = tpu.memref_slice %arg13[%dma_start3A_867, %dma_start3A_868] : memref<64x129xf32, #tpu.memory_space<vmem>> -> memref<8x128xf32, #tpu.memory_space<vmem>>
      tpu.enqueue_dma source(%dma_start3A_869 : memref<8x128xf32, #tpu.memory_space<vmem>>) target(%dma_start3A_866 : memref<8x128xf32, #tpu.memory_space<hbm>>) target_semaphore(%arg21 : memref<!tpu.dma_semaphore, #tpu.memory_space<semaphore_mem>>)
      %mul3A_870 = arith.constant 8 : i32
      %mul3A_871 = arith.muli %select_n3A_777, %mul3A_870 : i32
      %add3A_872 = arith.constant 4 : i32
      %add3A_873 = arith.addi %mul3A_871, %add3A_872 : i32
      %mul3A_874 = arith.constant 32 : i32
      %mul3A_875 = arith.muli %add3A_873, %mul3A_874 : i32
      %add3A_876 = arith.addi %mul3A_875, %select_n3A_793 : i32
      %mul3A_877 = arith.constant 8 : i32
      %mul3A_878 = arith.muli %add3A_876, %mul3A_877 : i32
      %dma_start3A_879 = arith.constant 32 : i32
      %dma_start3A_880 = arith.constant 0 : i32
      %dma_start3A_881 = tpu.memref_slice %arg13[%dma_start3A_879, %dma_start3A_880] : memref<64x129xf32, #tpu.memory_space<vmem>> -> memref<8x128xf32, #tpu.memory_space<vmem>>
      %dma_start3A_882 = arith.constant 0 : i32
      %dma_start3A_883 = tpu.memref_slice %arg4[%mul3A_878, %dma_start3A_882] : memref<409600x128xf32, #tpu.memory_space<hbm>> -> memref<8x128xf32, #tpu.memory_space<hbm>>
      %dma_start3A_884 = arith.constant 0 : i32
      %dma_start3A_885 = tpu.memref_slice %arg4[%mul3A_878, %dma_start3A_884] : memref<409600x128xf32, #tpu.memory_space<hbm>> -> memref<8x128xf32, #tpu.memory_space<hbm>>
      %dma_start3A_886 = arith.constant 32 : i32
      %dma_start3A_887 = arith.constant 0 : i32
      %dma_start3A_888 = tpu.memref_slice %arg13[%dma_start3A_886, %dma_start3A_887] : memref<64x129xf32, #tpu.memory_space<vmem>> -> memref<8x128xf32, #tpu.memory_space<vmem>>
      tpu.enqueue_dma source(%dma_start3A_888 : memref<8x128xf32, #tpu.memory_space<vmem>>) target(%dma_start3A_885 : memref<8x128xf32, #tpu.memory_space<hbm>>) target_semaphore(%arg21 : memref<!tpu.dma_semaphore, #tpu.memory_space<semaphore_mem>>)
      %mul3A_889 = arith.constant 8 : i32
      %mul3A_890 = arith.muli %select_n3A_777, %mul3A_889 : i32
      %add3A_891 = arith.constant 5 : i32
      %add3A_892 = arith.addi %mul3A_890, %add3A_891 : i32
      %mul3A_893 = arith.constant 32 : i32
      %mul3A_894 = arith.muli %add3A_892, %mul3A_893 : i32
      %add3A_895 = arith.addi %mul3A_894, %select_n3A_793 : i32
      %mul3A_896 = arith.constant 8 : i32
      %mul3A_897 = arith.muli %add3A_895, %mul3A_896 : i32
      %dma_start3A_898 = arith.constant 40 : i32
      %dma_start3A_899 = arith.constant 0 : i32
      %dma_start3A_900 = tpu.memref_slice %arg13[%dma_start3A_898, %dma_start3A_899] : memref<64x129xf32, #tpu.memory_space<vmem>> -> memref<8x128xf32, #tpu.memory_space<vmem>>
      %dma_start3A_901 = arith.constant 0 : i32
      %dma_start3A_902 = tpu.memref_slice %arg4[%mul3A_897, %dma_start3A_901] : memref<409600x128xf32, #tpu.memory_space<hbm>> -> memref<8x128xf32, #tpu.memory_space<hbm>>
      %dma_start3A_903 = arith.constant 0 : i32
      %dma_start3A_904 = tpu.memref_slice %arg4[%mul3A_897, %dma_start3A_903] : memref<409600x128xf32, #tpu.memory_space<hbm>> -> memref<8x128xf32, #tpu.memory_space<hbm>>
      %dma_start3A_905 = arith.constant 40 : i32
      %dma_start3A_906 = arith.constant 0 : i32
      %dma_start3A_907 = tpu.memref_slice %arg13[%dma_start3A_905, %dma_start3A_906] : memref<64x129xf32, #tpu.memory_space<vmem>> -> memref<8x128xf32, #tpu.memory_space<vmem>>
      tpu.enqueue_dma source(%dma_start3A_907 : memref<8x128xf32, #tpu.memory_space<vmem>>) target(%dma_start3A_904 : memref<8x128xf32, #tpu.memory_space<hbm>>) target_semaphore(%arg21 : memref<!tpu.dma_semaphore, #tpu.memory_space<semaphore_mem>>)
      %mul3A_908 = arith.constant 8 : i32
      %mul3A_909 = arith.muli %select_n3A_777, %mul3A_908 : i32
      %add3A_910 = arith.constant 6 : i32
      %add3A_911 = arith.addi %mul3A_909, %add3A_910 : i32
      %mul3A_912 = arith.constant 32 : i32
      %mul3A_913 = arith.muli %add3A_911, %mul3A_912 : i32
      %add3A_914 = arith.addi %mul3A_913, %select_n3A_793 : i32
      %mul3A_915 = arith.constant 8 : i32
      %mul3A_916 = arith.muli %add3A_914, %mul3A_915 : i32
      %dma_start3A_917 = arith.constant 48 : i32
      %dma_start3A_918 = arith.constant 0 : i32
      %dma_start3A_919 = tpu.memref_slice %arg13[%dma_start3A_917, %dma_start3A_918] : memref<64x129xf32, #tpu.memory_space<vmem>> -> memref<8x128xf32, #tpu.memory_space<vmem>>
      %dma_start3A_920 = arith.constant 0 : i32
      %dma_start3A_921 = tpu.memref_slice %arg4[%mul3A_916, %dma_start3A_920] : memref<409600x128xf32, #tpu.memory_space<hbm>> -> memref<8x128xf32, #tpu.memory_space<hbm>>
      %dma_start3A_922 = arith.constant 0 : i32
      %dma_start3A_923 = tpu.memref_slice %arg4[%mul3A_916, %dma_start3A_922] : memref<409600x128xf32, #tpu.memory_space<hbm>> -> memref<8x128xf32, #tpu.memory_space<hbm>>
      %dma_start3A_924 = arith.constant 48 : i32
      %dma_start3A_925 = arith.constant 0 : i32
      %dma_start3A_926 = tpu.memref_slice %arg13[%dma_start3A_924, %dma_start3A_925] : memref<64x129xf32, #tpu.memory_space<vmem>> -> memref<8x128xf32, #tpu.memory_space<vmem>>
      tpu.enqueue_dma source(%dma_start3A_926 : memref<8x128xf32, #tpu.memory_space<vmem>>) target(%dma_start3A_923 : memref<8x128xf32, #tpu.memory_space<hbm>>) target_semaphore(%arg21 : memref<!tpu.dma_semaphore, #tpu.memory_space<semaphore_mem>>)
      %mul3A_927 = arith.constant 8 : i32
      %mul3A_928 = arith.muli %select_n3A_777, %mul3A_927 : i32
      %add3A_929 = arith.constant 7 : i32
      %add3A_930 = arith.addi %mul3A_928, %add3A_929 : i32
      %mul3A_931 = arith.constant 32 : i32
      %mul3A_932 = arith.muli %add3A_930, %mul3A_931 : i32
      %add3A_933 = arith.addi %mul3A_932, %select_n3A_793 : i32
      %mul3A_934 = arith.constant 8 : i32
      %mul3A_935 = arith.muli %add3A_933, %mul3A_934 : i32
      %dma_start3A_936 = arith.constant 56 : i32
      %dma_start3A_937 = arith.constant 0 : i32
      %dma_start3A_938 = tpu.memref_slice %arg13[%dma_start3A_936, %dma_start3A_937] : memref<64x129xf32, #tpu.memory_space<vmem>> -> memref<8x128xf32, #tpu.memory_space<vmem>>
      %dma_start3A_939 = arith.constant 0 : i32
      %dma_start3A_940 = tpu.memref_slice %arg4[%mul3A_935, %dma_start3A_939] : memref<409600x128xf32, #tpu.memory_space<hbm>> -> memref<8x128xf32, #tpu.memory_space<hbm>>
      %dma_start3A_941 = arith.constant 0 : i32
      %dma_start3A_942 = tpu.memref_slice %arg4[%mul3A_935, %dma_start3A_941] : memref<409600x128xf32, #tpu.memory_space<hbm>> -> memref<8x128xf32, #tpu.memory_space<hbm>>
      %dma_start3A_943 = arith.constant 56 : i32
      %dma_start3A_944 = arith.constant 0 : i32
      %dma_start3A_945 = tpu.memref_slice %arg13[%dma_start3A_943, %dma_start3A_944] : memref<64x129xf32, #tpu.memory_space<vmem>> -> memref<8x128xf32, #tpu.memory_space<vmem>>
      tpu.enqueue_dma source(%dma_start3A_945 : memref<8x128xf32, #tpu.memory_space<vmem>>) target(%dma_start3A_942 : memref<8x128xf32, #tpu.memory_space<hbm>>) target_semaphore(%arg21 : memref<!tpu.dma_semaphore, #tpu.memory_space<semaphore_mem>>)
      %add3A_946 = arith.constant 4 : i32
      %add3A_947 = arith.addi %add3A_738, %add3A_946 : i32
      %lt3A_948 = arith.constant 200 : i32
      %lt3A_949 = arith.cmpi slt, %add3A_947, %lt3A_948 : i32
      %convert_element_type3A_950 = arith.extui %lt3A_949 : i1 to i32
      %cond3A_951 = arith.constant 0 : i32
      %cond3A_952 = arith.cmpi ne, %convert_element_type3A_950, %cond3A_951 : i32
      scf.if %cond3A_952 {
        %add3A_953 = arith.constant 4 : i32
        %add3A_954 = arith.addi %add3A_738, %add3A_953 : i32
        %mul3A_955 = arith.constant 128 : i32
        %mul3A_956 = arith.muli %add3A_954, %mul3A_955 : i32
        %multiple_of3A_957 = tpu.assume_multiple %mul3A_956, 128 : i32
        %dma_start3A_958 = tpu.memref_slice %arg5[%multiple_of3A_957] : memref<25600xi32, #tpu.memory_space<vmem>> -> memref<128xi32, #tpu.memory_space<vmem>>
        %dma_start3A_959 = arith.constant 0 : i32
        %dma_start3A_960 = arith.constant 0 : i32
        %dma_start3A_961 = tpu.memref_slice %arg3[%dma_start3A_959, %dma_start3A_960] : memref<1000000x64xf32, #tpu.memory_space<hbm>> -> memref<1000000x64xf32, #tpu.memory_space<hbm>>
        tpu.enqueue_indirect_dma source(%dma_start3A_961 : memref<1000000x64xf32, #tpu.memory_space<hbm>>) target(%arg9 : memref<128x64xf32, #tpu.memory_space<vmem>>) offsets(%dma_start3A_958 : memref<128xi32, #tpu.memory_space<vmem>>) semaphore(%arg17 : memref<!tpu.dma_semaphore, #tpu.memory_space<semaphore_mem>>)
      } else {
      }
    }
    %scan3A_46 = arith.constant 50 : i32
    %dma_wait3A = arith.constant 0 : i32
    %dma_wait3A_47 = arith.constant 0 : i32
    %dma_wait3A_48 = tpu.memref_slice %arg10[%dma_wait3A, %dma_wait3A_47] : memref<64x129xf32, #tpu.memory_space<vmem>> -> memref<64x128xf32, #tpu.memory_space<vmem>>
    %dma_wait3A_49 = arith.constant 0 : i32
    %dma_wait3A_50 = arith.constant 0 : i32
    %dma_wait3A_51 = tpu.memref_slice %arg4[%dma_wait3A_49, %dma_wait3A_50] : memref<409600x128xf32, #tpu.memory_space<hbm>> -> memref<64x128xf32, #tpu.memory_space<hbm>>
    %dma_wait3A_52 = arith.constant 0 : i32
    %dma_wait3A_53 = arith.constant 0 : i32
    %dma_wait3A_54 = tpu.memref_slice %arg10[%dma_wait3A_52, %dma_wait3A_53] : memref<64x129xf32, #tpu.memory_space<vmem>> -> memref<64x128xf32, #tpu.memory_space<vmem>>
    %dma_wait3A_55 = arith.constant 0 : i32
    %dma_wait3A_56 = arith.constant 0 : i32
    %dma_wait3A_57 = tpu.memref_slice %arg4[%dma_wait3A_55, %dma_wait3A_56] : memref<409600x128xf32, #tpu.memory_space<hbm>> -> memref<64x128xf32, #tpu.memory_space<hbm>>
    tpu.wait_dma2 semaphore(%arg18 : memref<!tpu.dma_semaphore, #tpu.memory_space<semaphore_mem>>) src(%dma_wait3A_57 : memref<64x128xf32, #tpu.memory_space<hbm>>) dst(%dma_wait3A_54 : memref<64x128xf32, #tpu.memory_space<vmem>>)
    %dma_wait3A_58 = arith.constant 0 : i32
    %dma_wait3A_59 = arith.constant 0 : i32
    %dma_wait3A_60 = tpu.memref_slice %arg11[%dma_wait3A_58, %dma_wait3A_59] : memref<64x129xf32, #tpu.memory_space<vmem>> -> memref<64x128xf32, #tpu.memory_space<vmem>>
    %dma_wait3A_61 = arith.constant 0 : i32
    %dma_wait3A_62 = arith.constant 0 : i32
    %dma_wait3A_63 = tpu.memref_slice %arg4[%dma_wait3A_61, %dma_wait3A_62] : memref<409600x128xf32, #tpu.memory_space<hbm>> -> memref<64x128xf32, #tpu.memory_space<hbm>>
    %dma_wait3A_64 = arith.constant 0 : i32
    %dma_wait3A_65 = arith.constant 0 : i32
    %dma_wait3A_66 = tpu.memref_slice %arg11[%dma_wait3A_64, %dma_wait3A_65] : memref<64x129xf32, #tpu.memory_space<vmem>> -> memref<64x128xf32, #tpu.memory_space<vmem>>
    %dma_wait3A_67 = arith.constant 0 : i32
    %dma_wait3A_68 = arith.constant 0 : i32
    %dma_wait3A_69 = tpu.memref_slice %arg4[%dma_wait3A_67, %dma_wait3A_68] : memref<409600x128xf32, #tpu.memory_space<hbm>> -> memref<64x128xf32, #tpu.memory_space<hbm>>
    tpu.wait_dma2 semaphore(%arg19 : memref<!tpu.dma_semaphore, #tpu.memory_space<semaphore_mem>>) src(%dma_wait3A_69 : memref<64x128xf32, #tpu.memory_space<hbm>>) dst(%dma_wait3A_66 : memref<64x128xf32, #tpu.memory_space<vmem>>)
    %dma_wait3A_70 = arith.constant 0 : i32
    %dma_wait3A_71 = arith.constant 0 : i32
    %dma_wait3A_72 = tpu.memref_slice %arg12[%dma_wait3A_70, %dma_wait3A_71] : memref<64x129xf32, #tpu.memory_space<vmem>> -> memref<64x128xf32, #tpu.memory_space<vmem>>
    %dma_wait3A_73 = arith.constant 0 : i32
    %dma_wait3A_74 = arith.constant 0 : i32
    %dma_wait3A_75 = tpu.memref_slice %arg4[%dma_wait3A_73, %dma_wait3A_74] : memref<409600x128xf32, #tpu.memory_space<hbm>> -> memref<64x128xf32, #tpu.memory_space<hbm>>
    %dma_wait3A_76 = arith.constant 0 : i32
    %dma_wait3A_77 = arith.constant 0 : i32
    %dma_wait3A_78 = tpu.memref_slice %arg12[%dma_wait3A_76, %dma_wait3A_77] : memref<64x129xf32, #tpu.memory_space<vmem>> -> memref<64x128xf32, #tpu.memory_space<vmem>>
    %dma_wait3A_79 = arith.constant 0 : i32
    %dma_wait3A_80 = arith.constant 0 : i32
    %dma_wait3A_81 = tpu.memref_slice %arg4[%dma_wait3A_79, %dma_wait3A_80] : memref<409600x128xf32, #tpu.memory_space<hbm>> -> memref<64x128xf32, #tpu.memory_space<hbm>>
    tpu.wait_dma2 semaphore(%arg20 : memref<!tpu.dma_semaphore, #tpu.memory_space<semaphore_mem>>) src(%dma_wait3A_81 : memref<64x128xf32, #tpu.memory_space<hbm>>) dst(%dma_wait3A_78 : memref<64x128xf32, #tpu.memory_space<vmem>>)
    %dma_wait3A_82 = arith.constant 0 : i32
    %dma_wait3A_83 = arith.constant 0 : i32
    %dma_wait3A_84 = tpu.memref_slice %arg13[%dma_wait3A_82, %dma_wait3A_83] : memref<64x129xf32, #tpu.memory_space<vmem>> -> memref<64x128xf32, #tpu.memory_space<vmem>>
    %dma_wait3A_85 = arith.constant 0 : i32
    %dma_wait3A_86 = arith.constant 0 : i32
    %dma_wait3A_87 = tpu.memref_slice %arg4[%dma_wait3A_85, %dma_wait3A_86] : memref<409600x128xf32, #tpu.memory_space<hbm>> -> memref<64x128xf32, #tpu.memory_space<hbm>>
    %dma_wait3A_88 = arith.constant 0 : i32
    %dma_wait3A_89 = arith.constant 0 : i32
    %dma_wait3A_90 = tpu.memref_slice %arg13[%dma_wait3A_88, %dma_wait3A_89] : memref<64x129xf32, #tpu.memory_space<vmem>> -> memref<64x128xf32, #tpu.memory_space<vmem>>
    %dma_wait3A_91 = arith.constant 0 : i32
    %dma_wait3A_92 = arith.constant 0 : i32
    %dma_wait3A_93 = tpu.memref_slice %arg4[%dma_wait3A_91, %dma_wait3A_92] : memref<409600x128xf32, #tpu.memory_space<hbm>> -> memref<64x128xf32, #tpu.memory_space<hbm>>
    tpu.wait_dma2 semaphore(%arg21 : memref<!tpu.dma_semaphore, #tpu.memory_space<semaphore_mem>>) src(%dma_wait3A_93 : memref<64x128xf32, #tpu.memory_space<hbm>>) dst(%dma_wait3A_90 : memref<64x128xf32, #tpu.memory_space<vmem>>)
    return
  }
}

</mosaic_0001>

<sc_bundles>
// kernel: kernel.3.cloned.1.call-start
scs
__scs_entry_jumppad:
0x0: {  	(pc) =	sbr.rel $0x88, $3  }
0x1: {  	(tag) =	ssettag $0x0;
	lr =	simm.s32 $0x1  }
0x2: {  	[smem:$0x3F9F] =	sst lr;
	_ =	strace $0xD0000000  }
0x3: {  	_ = 	snop  }
0x4: {  	_ = 	snop  }
0x5: {  	_ = 	snop  }
0x6: {  	_ = 	snop  }
0x7: {  	_ = 	snop  }
__scs_overlays_trampoline_lowered:
0x8: {  	[smem:$0x3FAE] =	sst s0  }
0x9: {  	[smem:$0x3FAF] =	sst s1  }
0xa: {  	[smem:$0x3FB0] =	sst s2  }
0xb: {  	[smem:$0x3FB1] =	sst s3  }
0xc: {  	[smem:$0x3FB2] =	sst s4  }
0xd: {  	[smem:$0x3FB3] =	sst s5  }
0xe: {  	[smem:$0x3FB4] =	sst s6  }
0xf: {  	[smem:$0x3FB5] =	sst s7  }
0x10: {  	[smem:$0x3FB6] =	sst s8  }
0x11: {  	[smem:$0x3FB7] =	sst s9;
	s0 =	simm.s32 @!p0 $0x0  }
0x12: {  	s1 =	sld [smem:$0x3F9D];
	s0 =	simm.s32 @p0 $0x1  }
0x13: {  	[smem:$0x3FB8] =	sst s0;
	s0 =	simm.s32 @!p1 $0x0  }
0x14: {  	s2 =	sld [smem:$0x3F9C];
	s0 =	simm.s32 @p1 $0x1  }
0x15: {  	[smem:$0x3FB9] =	sst s0;
	s0 =	simm.s32 @!p2 $0x0  }
0x16: {  	s3 =	sld [smem:$0x3FDB];
	s0 =	simm.s32 @p2 $0x1  }
0x17: {  	s4 =	simm.s32 $0x1BF5;
	[smem:$0x3FBB] =	sst s0  }
0x18: {  	s0 =	sld [smem:$0x3F9E];
	_ =	swait.ge [sflag:s4], $0x0  }
0x19: {  	s7 =	sld [smem:$0x3F9F]  }
0x1a: {  	s8 =	sadd.s32 $0xFFFFE003, lr  }
0x1b: {  	s9 =	sadd.s32 $0xFFFFFEF7, lr;
	s5 =	simm.s32 $0xFFFFFFFF;
	p2 =	slt.u32 s8, $0xFFFFF086  }
0x1c: {  	p1 =	slt.u32 s9, $0xF7A;
	s5 =	simm.s32 @!p2 $0x0  }
0x1d: {  	s5 =	simm.s32 @p1 $0x1;
	p0 =	seq.s32 s7, s2  }
0x1e: {  	s7 =	smul.u32 @!p0 $0xF7A, s2;
	p2 =	seq.s32 @!p0 s5, $0x0  }
0x1f: {  	s9 =	smul.u32 $0xF7A, s1;
	s8 =	simm.s32 @!p0 $0x1BF5;
	p2 =	por !p2, p0  }
0x20: {  	[sflag:s8] =	ssyncset.s32 @!p0 $0xFFFFF086;
	s6 =	sadd.s32 @!p0 s3, s7;
	s7 =	simm.s32 @!p0 $0x108  }
0x21: {  	s3 =	sadd.s32 s3, s9;
	s6 =	sadd.s32 @!p0 $0x88, s6;
	s7 =	simm.s32 @p2 $0x1082  }
0x22: {  	[simem:s7], [sflag:s8] =	dma.local @!p0 [hbm:s6], $0xF7A  }
0x23: {  	s9 =	sor.u32 $0xD0000000, s2;
	s6 =	simm.s32 $0x108;
	_ =	swait.ge @!p0 [sflag:s8], $0x0  }
0x24: {  	s3 =	sadd.s32 $0x88, s3;
	s6 =	simm.s32 @!p1 $0x1082;
	[sflag:s4] =	ssyncset.s32 $0xFFFFF086  }
0x25: {  	[simem:s6], [sflag:s4] =	dma.local [hbm:s3], $0xF7A  }
0x26: {  	[smem:$0x3F9F] =	sst s1;
	(tag) =	ssettag s2;
	_ =	strace s9  }
0x27: {  	s1 =	sld [smem:$0x3FAF]  }
0x28: {  	s2 =	sld [smem:$0x3FB0]  }
0x29: {  	s4 =	sld [smem:$0x3FB2]  }
0x2a: {  	p0 =	seq.s32 s5, $0x0;
	s5 =	sld [smem:$0x3FB3]  }
0x2b: {  	s6 =	sld [smem:$0x3FB4]  }
0x2c: {  	s7 =	sld [smem:$0x3FB5]  }
0x2d: {  	s3 =	simm.s32 $0x108;
	s8 =	sld [smem:$0x3FB6]  }
0x2e: {  	s3 =	simm.s32 @!p0 $0x1082;
	s9 =	sld [smem:$0x3FB7]  }
0x2f: {  	lr =	sadd.s32 s0, s3;
	s0 =	sld [smem:$0x3FAE]  }
0x30: {  	s3 =	sld [smem:$0x3FB1]  }
0x31: {  	[smem:$0x3FBA] =	sst s10  }
0x32: {  	s10 =	sld [smem:$0x3FB8];
	_ =	sdelay $0x3  }
0x33: {  	p0 =	seq.s32 s10, $0x1;
	s10 =	sld [smem:$0x3FBA];
	_ =	sdelay $0x3  }
0x34: {  	[smem:$0x3FBA] =	sst s10  }
0x35: {  	s10 =	sld [smem:$0x3FB9];
	_ =	sdelay $0x3  }
0x36: {  	p1 =	seq.s32 s10, $0x1;
	s10 =	sld [smem:$0x3FBA];
	_ =	sdelay $0x3  }
0x37: {  	[smem:$0x3FBA] =	sst s10  }
0x38: {  	s10 =	sld [smem:$0x3FBB]  }
0x39: {  	_ = 	snop;
	(pc) =	sbr.ind lr, $3  }
0x3a: {  	_ = 	snop  }
0x3b: {  	_ = 	snop  }
0x3c: {  	p2 =	seq.s32 s10, $0x1;
	s10 =	sld [smem:$0x3FBA]  }
0x3d: {  	_ =	shalt  }
0x3e: {  	_ =	shalt  }
0x3f: {  	_ =	shalt  }
0x40: {  	_ =	shalt  }
0x41: {  	_ =	shalt  }
0x42: {  	_ =	shalt  }
0x43: {  	_ =	shalt  }
0x44: {  	_ =	shalt  }
0x45: {  	_ =	shalt  }
0x46: {  	_ =	shalt  }
0x47: {  	_ =	shalt  }
0x48: {  	_ =	shalt  }
0x49: {  	_ =	shalt  }
0x4a: {  	_ =	shalt  }
0x4b: {  	_ =	shalt  }
0x4c: {  	_ =	shalt  }
0x4d: {  	_ =	shalt  }
0x4e: {  	_ =	shalt  }
0x4f: {  	_ =	shalt  }
0x50: {  	_ =	shalt  }
0x51: {  	_ =	shalt  }
0x52: {  	_ =	shalt  }
0x53: {  	_ =	shalt  }
0x54: {  	_ =	shalt  }
0x55: {  	_ =	shalt  }
0x56: {  	_ =	shalt  }
0x57: {  	_ =	shalt  }
0x58: {  	_ =	shalt  }
0x59: {  	_ =	shalt  }
0x5a: {  	_ =	shalt  }
0x5b: {  	_ =	shalt  }
0x5c: {  	_ =	shalt  }
0x5d: {  	_ =	shalt  }
0x5e: {  	_ =	shalt  }
0x5f: {  	_ =	shalt  }
0x60: {  	_ =	shalt  }
0x61: {  	_ =	shalt  }
0x62: {  	_ =	shalt  }
0x63: {  	_ =	shalt  }
0x64: {  	_ =	shalt  }
0x65: {  	_ =	shalt  }
0x66: {  	_ =	shalt  }
0x67: {  	_ =	shalt  }
0x68: {  	_ =	shalt  }
0x69: {  	_ =	shalt  }
0x6a: {  	_ =	shalt  }
0x6b: {  	_ =	shalt  }
0x6c: {  	_ =	shalt  }
0x6d: {  	_ =	shalt  }
0x6e: {  	_ =	shalt  }
0x6f: {  	_ =	shalt  }
0x70: {  	_ =	shalt  }
0x71: {  	_ =	shalt  }
0x72: {  	_ =	shalt  }
0x73: {  	_ =	shalt  }
0x74: {  	_ =	shalt  }
0x75: {  	_ =	shalt  }
0x76: {  	_ =	shalt  }
0x77: {  	_ =	shalt  }
0x78: {  	_ =	shalt  }
0x79: {  	_ =	shalt  }
0x7a: {  	_ =	shalt  }
0x7b: {  	_ =	shalt  }
0x7c: {  	_ =	shalt  }
0x7d: {  	_ =	shalt  }
0x7e: {  	_ =	shalt  }
0x7f: {  	_ =	shalt  }
0x80: {  	_ =	shalt  }
0x81: {  	_ =	shalt  }
0x82: {  	_ =	shalt  }
0x83: {  	_ =	shalt  }
0x84: {  	_ =	shalt  }
0x85: {  	_ =	shalt  }
0x86: {  	_ =	shalt  }
0x87: {  	_ =	shalt  }
.Lfunc_end0:
.L_simem_size_0:
called_computation_lowered:
.L_overlay_start_0:
0x88: {  	s2 =	sld [smem:$0x3FD9]  }
0x89: {  	s3 =	sld [smem:$0x3FFE];
	_ =	sdelay $0x1  }
0x8a: {  	s1 =	srdreg.scid  }
0x8b: {  	s0 =	sand.u32 $0x1, s1  }
0x8c: {  	s17 =	sshll.u32 s0, $0xA;
	s2 =	sadd.s32 s3, s2  }
0x8d: {  	s2 =	sadd.s32 s2, s17  }
0x8e: {  	[smem:$0x3FC6] =	sst s2  }
0x8f: {  	_ = 	snop  }
0x90: {  	s2 =	sld [smem:$0x3FD0];
	(tm) =	ssettm $0x1  }
0x91: {  	s18 =	sld [smem:$0x3FFB];
	_ =	sdelay $0x3  }
0x92: {  	_ =	strace s18  }
0x93: {  	s3 =	sld [smem:$0x3FFC];
	_ =	sdelay $0x3  }
0x94: {  	_ =	strace s3  }
0x95: {  	s3 =	sld [smem:$0x3FFD];
	_ =	sdelay $0x3  }
0x96: {  	_ =	strace s3  }
0x97: {  	_ =	strace $0x8FFFFFFF  }
0x98: {  	s19 =	sld [smem:$0x3FDB];
	_ =	sdelay $0x1  }
0x99: {  	s4 =	simm.s32 $_scs_section_size  }
0x9a: {  	s5 =	simm.s32 $_size__tile_overlayer_lowered;
	s6 =	simm.s32 $_tile_overlayer_lowered  }
0x9b: {  	s22 =	simm.s32 $0x1BFF;
	s21 =	sshll.u32 s6, $0x1;
	s3 =	sadd.s32 s4, s19  }
0x9c: {  	s7 =	simm.s32 $0x0;
	s20 =	sshll.u32 s5, $0x1;
	s5 =	sadd.s32 s21, s3  }
0x9d: {  	[timem:s7], [sflag:s22] =	dma.local [hbm:s5], s20  }
0x9e: {  	_ =	swait.ge [sflag:s22], s20  }
0x9f: {  	s4 =	ssub.s32 $0x0, s20;
	[sflag:s22] =	ssyncset.done $0x0  }
0xa0: {  	[sflag:s22] =	ssyncadd.s32 s4;
	_ =	sdelay $0x1  }
0xa1: {  	s23 =	simm.s32 $0x1B8B  }
0xa2: {  	_ =	swait.ge [sflag:s23], $0x1  }
0xa3: {  	[sflag:s23] =	ssyncset.done $0x0  }
0xa4: {  	s25 =	simm.s32 $0x1B8E;
	s24 =	sld [smem:$0x3FFE];
	[sflag:s23] =	ssyncadd.s32 $0xFFFFFFFF  }
0xa5: {  	s26 =	simm.s32 $execute0_lowered;
	[smem:$0x3FD2] =	sst s25  }
0xa6: {  	s5 =	sshll.u32 s26, $0x1;
	_ =	strace $0x80000046;
	[dreg:$0x1] =	wrdreg $0xFFFFFFFF  }
0xa7: {  	s28 =	simm.s32 $_size_execute0_lowered;
	s3 =	sadd.s32 s3, s5;
	[dreg:$0x0] =	wrdreg $0x0  }
0xa8: {  	s5 =	sshll.u32 s28, $0x1;
	[dreg:$0x2] =	wrdreg s3  }
0xa9: {  	[dreg:$0x3] =	wrdreg s5  }
0xaa: {  	[dreg:$0x4] =	wrdreg $0xC0  }
0xab: {  	_ =	task [dreg:s7], $0x5FFFF  }
0xac: {  	[dreg:$0x1] =	wrdreg $0xFFFFFFFF  }
0xad: {  	[dreg:$0x0] =	wrdreg $0x60  }
0xae: {  	[dreg:$0x2] =	wrdreg s24  }
0xaf: {  	[dreg:$0x3] =	wrdreg s2  }
0xb0: {  	[dreg:$0x4] =	wrdreg $0x9  }
0xb1: {  	_ =	task.clear_ibuf [dreg:s7], $0x5FFFF;
	_ =	strace $0x90000046  }
0xb2: {  	s29 =	simm.s32 $0x9;
	_ =	strace $0x80000048  }
0xb3: {  	_ =	swait.ge [sflag:s29], $0x1  }
0xb4: {  	[sflag:s29] =	ssyncadd.s32 $0xFFFFFFFF  }
0xb5: {  	_ =	strace $0x90000048  }
0xb6: {  	_ =	sfence  }
0xb7: {  	s30 =	sld [smem:$0x0];
	_ =	sdelay $0x2  }
0xb8: {  	s31 =	sshll.u32 s1, $0xD;
	s1 =	sshrl.u32 s1, $0x2  }
0xb9: {  	s3 =	sand.u32 $0x4000, s31;
	s1 =	sadd.s32 s1, s30  }
0xba: {  	s0 =	sor.u32 s3, s0;
	s1 =	sshll.u32 s1, $0x11  }
0xbb: {  	s0 =	sor.u32 s1, s0  }
0xbc: {  	s0 =	sadd.s32 $0x8F2B, s0  }
0xbd: {  	[sflag:s0] =	ssyncadd.remote.s32 $0x1  }
0xbe: {  	_ =	sfence.sel $0xFFFF  }
0xbf: {  	[dreg:$0x0] =	wrdreg $0xFFFFFFFF;
	(pc) =	sbr.abs _section_cstart, $3  }
0xc0: {  	[dreg:$0x1] =	wrdreg $0xFFFFFFFF  }
0xc1: {  	_ =	task.clear_ibuf [dreg:s7], $0x2FFFF;
	_ =	strace $0x9FFFFFFF  }
0xc2: {  	(tm) =	ssettm $0x7FFFFFFF  }
0xc3: {  	_ =	shalt  }
tec
execute0_lowered:
.L_overlay_start_1:
0x0: {  	(tag) =	ssettag $0x1  }
0x1: {  	s0 =	srdreg.scid;
	s2 =	stileid.u32;
	v0 =	vlaneseq.u32  }
0x2: {  	s0 =	sand.u32 $0x1, s0;
	s3 =	sshll.u32 s2, $0x1;
	v26 =	vmul.u32 $0x88, v0  }
0x3: {  	s1 =	rddreg [dreg:$0x0];
	s5 =	sor.u32 s0, s3;
	s3 =	simm.s32 $0x0  }
0x4: {  	[smem:$0x7FF] =	sst s3;
	v0 =	vadd.s32 $0x1107, v26  }
0x5: {  	s2 =	rddreg [dreg:$0x1];
	_ =	strace $0x80000047;
	[tilespmem:$0x1FEB0] =	vst v0  }
0x6: {  	v11 =	vor.u32 $0x1, v26;
	[tilespmem:$0x1FED0] =	vst v26  }
0x7: {  	v12 =	vor.u32 $0x2, v26;
	[tilespmem:$0x1FEE0] =	vst v11  }
0x8: {  	v24 =	vor.u32 $0x3, v26;
	[tilespmem:$0x1FEF0] =	vst v12  }
0x9: {  	v32 =	vor.u32 $0x4, v26;
	[tilespmem:$0x1FF00] =	vst v24  }
0xa: {  	v13 =	vor.u32 $0x5, v26;
	[tilespmem:$0x1FF10] =	vst v32  }
0xb: {  	v27 =	vor.u32 $0x6, v26;
	[tilespmem:$0x1FF20] =	vst v13  }
0xc: {  	v5 =	vor.u32 $0x7, v26;
	[tilespmem:$0x1FF30] =	vst v27  }
0xd: {  	v10 =	vadd.s32 $0x1981, v26;
	[tilespmem:$0x1FF40] =	vst v5  }
0xe: {  	v2 =	vadd.s32 $0x1980, v26;
	[tilespmem:$0x1FF50] =	vst v10  }
0xf: {  	s23 =	simm.s32 $0x1;
	s24 =	simm.s32 $0xE400;
	s21 =	simm.s32 $0x2;
	v21 =	vadd.s32 $0x1106, v26;
	[tilespmem:$0x1FF60] =	vst v2  }
0x10: {  	s25 =	simm.s32 $0x3;
	s26 =	simm.s32 $0x12800;
	s15 =	simm.s32 $0x4;
	v20 =	vadd.s32 $0x1105, v26;
	[tilespmem:$0x1FF70] =	vst v21  }
0x11: {  	s22 =	simm.s32 $0x14A00;
	s31 =	simm.s32 $0x15B00;
	s17 =	simm.s32 $0x15C98;
	v16 =	vadd.s32 $0x1104, v26;
	[tilespmem:$0x1FF80] =	vst v20  }
0x12: {  	s18 =	simm.s32 $0x0;
	s30 =	simm.s32 $0x80;
	s0 =	ssub.s32 $0x2, s0;
	v4 =	vadd.s32 $0x1982, v26;
	[tilespmem:$0x1FF90] =	vst v16  }
0x13: {  	v1 =	vimm.s32 $0x0;
	vm0 =	vcmask $0x300;
	s8 =	sadd.s32 $0x2000, s2;
	s9 =	sadd.s32 $0x3000, s2;
	s10 =	sadd.s32 $0x4000, s2;
	v35 =	vadd.s32 $0x1986, v26;
	[tilespmem:$0x1FFA0] =	vst v4  }
0x14: {  	v1 =	vsel vm0, $0x3, v1;
	s11 =	sadd.s32 $0x5000, s2;
	s12 =	sadd.s32 $0x6000, s2;
	s4 =	smul.u32 $0xC80, s5;
	v44 =	vadd.s32 $0x1983, v26;
	[tilespmem:$0x1FFB0] =	vst v35  }
.Ltmp0:
0x15: {  	s13 =	sadd.s32 $0x7000, s2;
	s7 =	sshrl.u32 s0, $0x1;
	v8 =	vadd.s32 $0x880, v26;
	v23 =	vadd.s32 $0x1100, v26;
	v45 =	vadd.s32 $0x1984, v26;
	[tilespmem:$0x1FFC0] =	vst v44;
	(pc) =	sbr.rel .LBB2_1-.Ltmp0, $4  }
0x16: {  	s5 =	smul.u32 $0xC8, s5;
	v3 =	vadd.s32 $0x881, v26;
	v14 =	vadd.s32 $0x1101, v26;
	v37 =	vadd.s32 $0x1985, v26;
	s0 =	ssub.s32 s0, s7;
	s7 =	sadd.s32 $0x1000, s2;
	[tilespmem:$0x1FFD0] =	vst v45  }
0x17: {  	v18 =	vadd.s32 $0x882, v26;
	v19 =	vadd.s32 $0x1102, v26;
	v25 =	vadd.s32 $0x887, v26;
	[tilespmem:$0x1FFE0] =	vst v37;
	s6 =	sadd.s32 s4, s1;
	s4 =	sadd.s32 $0xF42A00, s1;
	s0 =	smax.u32 s0, $0x1  }
0x18: {  	v30 =	vadd.s32 $0x883, v26;
	v15 =	vadd.s32 $0x1103, v26;
	v0 =	vadd.s32 $0x1987, v26;
	[tilespmem:$0x1FFF0] =	vst v25;
	s1 =	simm.s32 $0x15B88;
	s29 =	sadd.s32 $0x600, s6;
	[dreg:$0x4] =	wrdreg s0  }
0x19: {  	v28 =	vadd.s32 $0x884, v26;
	v29 =	vadd.s32 $0x885, v26;
	v31 =	vadd.s32 $0x886, v26;
	[tilespmem:$0x1FEC0] =	vst v0;
	s6 =	simm.s32 $0x10600;
	s0 =	simm.s32 $0x15C10;
	[dreg:$0x3] =	wrdreg s29  }
.LBB2_12:
0x1a: {  	s14 =	simm.s32 $0x5  }
0x1b: {  	_ =	swait.ge [sflag:s14], $0x2000  }
0x1c: {  	[sflag:s14] =	ssyncset.done $0x0  }
0x1d: {  	s20 =	simm.s32 $0x6;
	[sflag:s14] =	ssyncadd.s32 $0xFFFFE000  }
0x1e: {  	_ =	swait.ge [sflag:s20], $0x2000  }
0x1f: {  	[sflag:s20] =	ssyncset.done $0x0  }
0x20: {  	s28 =	simm.s32 $0x7;
	[sflag:s20] =	ssyncadd.s32 $0xFFFFE000  }
0x21: {  	_ =	swait.ge [sflag:s28], $0x2000  }
0x22: {  	[sflag:s28] =	ssyncset.done $0x0  }
0x23: {  	s16 =	simm.s32 $0x8;
	[sflag:s28] =	ssyncadd.s32 $0xFFFFE000  }
0x24: {  	_ =	swait.ge [sflag:s16], $0x2000  }
0x25: {  	s18 =	rddreg [dreg:$0x5];
	v26 =	vld [tilespmem:$0x1FED0]  }
0x26: {  	s29 =	rddreg [dreg:$0x4];
	v11 =	vld [tilespmem:$0x1FEE0];
	s18 =	sadd.s32 $0x1, s18  }
0x27: {  	v12 =	vld [tilespmem:$0x1FEF0];
	p0 =	sne.s32 s18, s29  }
.Ltmp1:
0x28: {  	v24 =	vld [tilespmem:$0x1FF00];
	(pc) =	sbr.rel @!p0 .LBB2_13-.Ltmp1, $4  }
0x29: {  	v32 =	vld [tilespmem:$0x1FF10]  }
0x2a: {  	v13 =	vld [tilespmem:$0x1FF20]  }
0x2b: {  	v8 =	vmovc v10;
	v23 =	vmov v52;
	v2 =	vmov v49;
	v4 =	vmov v27;
	[sflag:s16] =	ssyncset.done $0x0;
	v27 =	vld [tilespmem:$0x1FF30]  }
0x2c: {  	v3 =	vmovc v54;
	v10 =	vmovc v56;
	v30 =	vmov v9;
	v29 =	vmov v57;
	v21 =	vmov v51;
	v5 =	vld [tilespmem:$0x1FF40];
	[sflag:s16] =	ssyncadd.s32 $0xFFFFE000  }
.LBB2_1:
0x2d: {  	[dreg:$0x5] =	wrdreg s18  }
0x2e: {  	s14 =	rddreg [dreg:$0x3];
	s16 =	simm.s32 $0x9  }
0x2f: {  	[tilespmem:s3], [sflag:$0x9] =	stream.linear.gather [hbm4b:s14+s3], $0x6400, $0x38;
	[tilespmem:$0x16C00] =	vst v63  }
0x30: {  	_ =	swait.ge [sflag:s16], $0x6400  }
0x31: {  	[sflag:s16] =	ssyncset.done $0x0  }
0x32: {  	s14 =	simm.s32 $0x80;
	[sflag:s16] =	ssyncadd.s32 $0xFFFF9C00;
	s16 =	simm.s32 $0x6400  }
0x33: {  	[tilespmem:s16], [sflag:$0x1] =	stream.indirect.gather [hbm4b:s4+s14], $0x40, s3, s14, $0xb8;
	[tilespmem:$0x16C00] =	vst v63  }
0x34: {  	s18 =	simm.s32 $0x8400  }
0x35: {  	[tilespmem:s18], [sflag:$0x2] =	stream.indirect.gather [hbm4b:s4+s14], $0x40, s14, s14, $0xb8;
	[tilespmem:$0x16C00] =	vst v63  }
0x36: {  	s19 =	simm.s32 $0x100;
	s20 =	simm.s32 $0xA400  }
0x37: {  	[tilespmem:s20], [sflag:$0x3] =	stream.indirect.gather [hbm4b:s4+s14], $0x40, s19, s14, $0xb8;
	[tilespmem:$0x16C00] =	vst v63  }
0x38: {  	s28 =	simm.s32 $0x180;
	s29 =	simm.s32 $0xC400;
	s18 =	simm.s32 $0x0  }
0x39: {  	[tilespmem:s29], [sflag:$0x4] =	stream.indirect.gather [hbm4b:s4+s14], $0x40, s28, s14, $0xb8;
	[tilespmem:$0x16C00] =	vst v63  }
.LBB2_2:
0x3a: {  	s14 =	simm.s32 $0x0;
	s29 =	simm.s32 $0x1  }
0x3b: {  	s16 =	simm.s32 $0x2;
	s19 =	simm.s32 $0x3;
	s20 =	simm.s32 $0x4;
	v33 =	vmov s14;
	v34 =	vmov s29  }
0x3c: {  	s28 =	simm.s32 $0x5;
	v35 =	vmov s16;
	v36 =	vmov s19;
	s29 =	simm.s32 $0x6;
	v37 =	vmov s20  }
0x3d: {  	_ =	swait.ge [sflag:s23], $0x2000;
	v38 =	vmov s28;
	s19 =	simm.s32 $0x7;
	v33 =	vshrl.u32 v33, $0x3;
	v39 =	vmov s29  }
0x3e: {  	[sflag:s23] =	ssyncset.done $0x0;
	v34 =	vshrl.u32 v34, $0x3;
	v40 =	vmov s19;
	v35 =	vshrl.u32 v35, $0x3  }
0x3f: {  	v36 =	vshrl.u32 v36, $0x3;
	[sflag:s23] =	ssyncadd.s32 $0xFFFFE000;
	s19 =	simm.s32 $0x6500;
	v37 =	vshrl.u32 v37, $0x3;
	v38 =	vshrl.u32 v38, $0x3  }
0x40: {  	v33 =	vshll.u32 v33, v1;
	v40 =	vshrl.u32 v40, $0x3;
	v42 =	vshrl.u32 v39, $0x3;
	v61 =	vld [tilespmem:s19+$0xC0]  }
0x41: {  	v34 =	vshll.u32 v34, v1;
	v35 =	vshll.u32 v35, v1;
	v43 =	vld [tilespmem:s19+$0xFFFFFF00];
	v6 =	vbroadcast v33, $0x0  }
0x42: {  	v36 =	vshll.u32 v36, v1;
	v44 =	vshll.u32 v37, v1;
	v45 =	vld [tilespmem:s19+$0xFFFFFF40];
	v9 =	vbroadcast v34, $0x0  }
0x43: {  	v47 =	vld [tilespmem:s19+$0xFFFFFF80];
	v40 =	vshll.u32 v40, v1;
	v37 =	vbroadcast v35, $0x0;
	v63 =	vadd.s32 v26, v6  }
0x44: {  	v62 =	vshll.u32 v38, v1;
	v49 =	vld [tilespmem:s19+$0xFFFFFFC0];
	v17 =	vbroadcast v40, $0x0;
	v48 =	vadd.s32 v11, v9  }
0x45: {  	v51 =	vld [tilespmem:s19+$0x0];
	v42 =	vshll.u32 v42, v1;
	v36 =	vbroadcast v36, $0x0;
	v50 =	vadd.s32 v12, v37  }
0x46: {  	v53 =	vld [tilespmem:s19+$0x40];
	v35 =	vbroadcast v44, $0x0;
	v46 =	vadd.s32 v5, v17;
	v43 =	vmul.f32 $8.000000000e+00, v43  }
0x47: {  	v55 =	vld [tilespmem:s19+$0x80];
	v34 =	vbroadcast v42, $0x0;
	v52 =	vadd.s32 v24, v36;
	v45 =	vmul.f32 $8.000000000e+00, v45  }
0x48: {  	v33 =	vbroadcast v62, $0x0;
	v54 =	vadd.s32 v32, v35;
	v59 =	vmul.f32 $8.000000000e+00, v47;
	[tilespmem:v63+s24+$0x0] =	vst.idx.msk $0xffff, v43  }
0x49: {  	v57 =	vmul.f32 $8.000000000e+00, v61;
	v47 =	vadd.s32 v27, v34;
	[tilespmem:v48+s24+$0x0] =	vst.idx.msk $0xffff, v45;
	v60 =	vld [tilespmem:s19+$0xFFFFFF10]  }
0x4a: {  	v61 =	vmul.f32 $8.000000000e+00, v49;
	v43 =	vadd.s32 v13, v33;
	[tilespmem:v50+s24+$0x0] =	vst.idx.msk $0xffff, v59;
	v49 =	vld [tilespmem:s19+$0xFFFFFF50]  }
0x4b: {  	v56 =	vadd.s32 v8, v6;
	v62 =	vmul.f32 $8.000000000e+00, v51;
	[tilespmem:v46+s24+$0x0] =	vst.idx.msk $0xffff, v57;
	v57 =	vld [tilespmem:s19+$0xFFFFFF90]  }
0x4c: {  	s20 =	simm.s32 $0x8;
	v38 =	vmul.f32 $8.000000000e+00, v55;
	[tilespmem:v52+s24+$0x0] =	vst.idx.msk $0xffff, v61;
	v63 =	vmul.f32 $8.000000000e+00, v53;
	v53 =	vadd.s32 v3, v9;
	v44 =	vld [tilespmem:s19+$0xD0]  }
0x4d: {  	v58 =	vmov s20;
	v55 =	vadd.s32 v18, v37;
	[tilespmem:v54+s24+$0x0] =	vst.idx.msk $0xffff, v62  }
0x4e: {  	v42 =	vshrl.u32 v58, $0x3;
	v50 =	vadd.s32 v25, v17;
	v58 =	vld [tilespmem:s19+$0xFFFFFFD0];
	[tilespmem:v47+s24+$0x0] =	vst.idx.msk $0xffff, v38;
	v45 =	vmul.f32 $8.000000000e+00, v60  }
0x4f: {  	v59 =	vld [tilespmem:s19+$0x10];
	[tilespmem:v43+s24+$0x0] =	vst.idx.msk $0xffff, v63;
	v39 =	vmul.f32 $8.000000000e+00, v49  }
0x50: {  	v61 =	vld [tilespmem:s19+$0x90];
	v62 =	vmul.f32 $8.000000000e+00, v57;
	[tilespmem:v56+s24+$0x0] =	vst.idx.msk $0xffff, v45  }
0x51: {  	v46 =	vadd.s32 v30, v36;
	v60 =	vld [tilespmem:s19+$0x50];
	v43 =	vmul.f32 $8.000000000e+00, v44;
	[tilespmem:v53+s24+$0x0] =	vst.idx.msk $0xffff, v39  }
0x52: {  	s29 =	simm.s32 $0xA;
	v49 =	vadd.s32 v28, v35;
	[tilespmem:v55+s24+$0x0] =	vst.idx.msk $0xffff, v62;
	v56 =	vld [tilespmem:s19+$0xFFFFFF20]  }
0x53: {  	s28 =	simm.s32 $0x9;
	v51 =	vmov s29;
	[tilespmem:v50+s24+$0x0] =	vst.idx.msk $0xffff, v43;
	v57 =	vld [tilespmem:s19+$0xFFFFFF60]  }
0x54: {  	s16 =	simm.s32 $0xB;
	v48 =	vmov s28;
	v63 =	vmul.f32 $8.000000000e+00, v58;
	v45 =	vadd.s32 v29, v33;
	v0 =	vld [tilespmem:$0x1FEB0]  }
0x55: {  	s29 =	simm.s32 $0xE;
	v52 =	vmov s16;
	v53 =	vadd.s32 v31, v34;
	v39 =	vmul.f32 $8.000000000e+00, v59;
	v59 =	vld [tilespmem:s19+$0xFFFFFFA0]  }
0x56: {  	s28 =	simm.s32 $0xD;
	v38 =	vmov s29;
	v50 =	vld [tilespmem:s19+$0xE0];
	[tilespmem:v46+s24+$0x0] =	vst.idx.msk $0xffff, v63;
	v46 =	vmul.f32 $8.000000000e+00, v60;
	v60 =	vadd.s32 v14, v9  }
0x57: {  	v58 =	vadd.s32 v23, v6;
	v44 =	vmov s28;
	[tilespmem:v49+s24+$0x0] =	vst.idx.msk $0xffff, v39;
	v49 =	vadd.s32 v19, v37  }
0x58: {  	v47 =	vmul.f32 $8.000000000e+00, v61;
	v43 =	vshll.u32 v42, v1;
	v42 =	vshrl.u32 v38, $0x3;
	v62 =	vld [tilespmem:s19+$0xFFFFFFE0]  }
0x59: {  	v38 =	vbroadcast v43, $0x0;
	v63 =	vld [tilespmem:s19+$0x20];
	[tilespmem:v45+s24+$0x0] =	vst.idx.msk $0xffff, v46;
	v43 =	vmul.f32 $8.000000000e+00, v57;
	v55 =	vadd.s32 v0, v17  }
0x5a: {  	v52 =	vshrl.u32 v52, $0x3;
	v41 =	vshrl.u32 v44, $0x3;
	[tilespmem:v53+s24+$0x0] =	vst.idx.msk $0xffff, v47;
	v40 =	vld [tilespmem:s19+$0x60];
	v46 =	vmul.f32 $8.000000000e+00, v59  }
0x5b: {  	v39 =	vadd.s32 v15, v36;
	v61 =	vld [tilespmem:s19+$0xA0];
	v44 =	vmul.f32 $8.000000000e+00, v50;
	v50 =	vmul.f32 $8.000000000e+00, v56;
	[tilespmem:v60+s24+$0x0] =	vst.idx.msk $0xffff, v43  }
0x5c: {  	v45 =	vshll.u32 v52, v1;
	v57 =	vadd.s32 v16, v35;
	[tilespmem:v49+s24+$0x0] =	vst.idx.msk $0xffff, v46;
	v52 =	vld [tilespmem:s19+$0xFFFFFF70]  }
0x5d: {  	[tilespmem:v58+s24+$0x0] =	vst.idx.msk $0xffff, v50;
	v49 =	vld [tilespmem:s19+$0xFFFFFFB0]  }
0x5e: {  	s20 =	simm.s32 $0xC;
	v62 =	vmul.f32 $8.000000000e+00, v62;
	v50 =	vld [tilespmem:s19+$0xFFFFFF30];
	[tilespmem:v55+s24+$0x0] =	vst.idx.msk $0xffff, v44  }
0x5f: {  	v54 =	vmov s20;
	v63 =	vmul.f32 $8.000000000e+00, v63;
	v56 =	vld [tilespmem:s19+$0xF0]  }
0x60: {  	v54 =	vshrl.u32 v54, $0x3;
	v0 =	vld [tilespmem:$0x1FEC0];
	[tilespmem:v39+s24+$0x0] =	vst.idx.msk $0xffff, v62  }
0x61: {  	v46 =	vshll.u32 v54, v1;
	[tilespmem:v57+s24+$0x0] =	vst.idx.msk $0xffff, v63;
	v54 =	vld [tilespmem:s19+$0xFFFFFFF0]  }
0x62: {  	v48 =	vshrl.u32 v48, $0x3;
	v43 =	vshll.u32 v41, v1;
	v41 =	vadd.s32 v10, v9;
	v9 =	vmovc v12;
	v12 =	vld [tilespmem:$0x1FFC0]  }
0x63: {  	v51 =	vshrl.u32 v51, $0x3;
	v25 =	vmovc v8;
	v47 =	vshll.u32 v48, v1;
	v55 =	vadd.s32 v20, v33;
	v22 =	vld [tilespmem:$0x1FFD0]  }
0x64: {  	v8 =	vmovc v23;
	v48 =	vadd.s32 v2, v6;
	v44 =	vshll.u32 v51, v1;
	v51 =	vadd.s32 v21, v34;
	v7 =	vld [tilespmem:$0x1FFE0]  }
0x65: {  	s14 =	simm.s32 $0x10;
	s20 =	simm.s32 $0xF;
	v6 =	vmovc v3;
	v39 =	vmul.f32 $8.000000000e+00, v40;
	v40 =	vmul.f32 $8.000000000e+00, v61;
	v23 =	vld [tilespmem:$0x1FFB0];
	v53 =	vadd.s32 v0, v17;
	v17 =	vmovc v2  }
.LBB2_3:
0x66: {  	_ = 	snop  }
0x67: {  	v57 =	vmov s20;
	v58 =	vld [tilespmem:s19+$0x30]  }
0x68: {  	v37 =	vadd.s32 v4, v37;
	v36 =	vadd.s32 v12, v36;
	v0 =	vld [tilespmem:$0x1FFF0];
	[tilespmem:v55+s24+$0x0] =	vst.idx.msk $0xffff, v39;
	v60 =	vmul.f32 $8.000000000e+00, v56  }
0x69: {  	v35 =	vadd.s32 v22, v35;
	v61 =	vshrl.u32 v57, $0x3;
	[tilespmem:v51+s24+$0x0] =	vst.idx.msk $0xffff, v40;
	v62 =	vld [tilespmem:s19+$0x70];
	v50 =	vmul.f32 $8.000000000e+00, v50  }
0x6a: {  	v39 =	vmov v38;
	v38 =	vshll.u32 v61, v1;
	v63 =	vmul.f32 $8.000000000e+00, v52;
	v52 =	vld [tilespmem:s19+$0xB0];
	s19 =	sadd.s32 $0x200, s19;
	[tilespmem:v53+s24+$0x0] =	vst.idx.msk $0xffff, v60  }
0x6b: {  	v33 =	vadd.s32 v7, v33;
	v40 =	vbroadcast v38, $0x0;
	v55 =	vmul.f32 $8.000000000e+00, v49;
	[tilespmem:v48+s24+$0x0] =	vst.idx.msk $0xffff, v50;
	v53 =	vld [tilespmem:s19+$0xC0]  }
0x6c: {  	v42 =	vshll.u32 v42, v1;
	v34 =	vadd.s32 v23, v34;
	v57 =	vmul.f32 $8.000000000e+00, v54;
	[tilespmem:v41+s24+$0x0] =	vst.idx.msk $0xffff, v63;
	v48 =	vld [tilespmem:s19+$0xFFFFFF00]  }
0x6d: {  	v41 =	vbroadcast v47, $0x0;
	v47 =	vadd.s32 v5, v40;
	[tilespmem:v37+s24+$0x0] =	vst.idx.msk $0xffff, v55;
	v60 =	vmul.f32 $8.000000000e+00, v58;
	v59 =	vld [tilespmem:s19+$0xFFFFFF40]  }
0x6e: {  	v51 =	vadd.s32 v26, v39;
	v37 =	vbroadcast v44, $0x0;
	[tilespmem:v36+s24+$0x0] =	vst.idx.msk $0xffff, v57;
	v61 =	vld [tilespmem:s19+$0xFFFFFF80];
	v62 =	vmul.f32 $8.000000000e+00, v62  }
0x6f: {  	v36 =	vbroadcast v45, $0x0;
	v63 =	vld [tilespmem:s19+$0xFFFFFFC0];
	v49 =	vadd.s32 v11, v41;
	[tilespmem:v35+s24+$0x0] =	vst.idx.msk $0xffff, v60;
	v56 =	vmul.f32 $8.000000000e+00, v52  }
0x70: {  	v45 =	vadd.s32 v9, v37;
	v35 =	vbroadcast v46, $0x0;
	v52 =	vld [tilespmem:s19+$0x0];
	[tilespmem:v33+s24+$0x0] =	vst.idx.msk $0xffff, v62;
	v57 =	vmul.f32 $8.000000000e+00, v53  }
0x71: {  	v33 =	vbroadcast v43, $0x0;
	[tilespmem:v34+s24+$0x0] =	vst.idx.msk $0xffff, v56;
	v58 =	vmul.f32 $8.000000000e+00, v48;
	v48 =	vadd.s32 v24, v36;
	v53 =	vld [tilespmem:s19+$0x40]  }
0x72: {  	v43 =	vadd.s32 v32, v35;
	v34 =	vbroadcast v42, $0x0;
	v59 =	vmul.f32 $8.000000000e+00, v59;
	v50 =	vld [tilespmem:s19+$0x80];
	[tilespmem:v47+s24+$0x0] =	vst.idx.msk $0xffff, v57  }
0x73: {  	v62 =	vadd.s32 v13, v33;
	v61 =	vmul.f32 $8.000000000e+00, v61;
	[tilespmem:v51+s24+$0x0] =	vst.idx.msk $0xffff, v58;
	v47 =	vld [tilespmem:s19+$0xD0]  }
0x74: {  	v60 =	vmov s14;
	v63 =	vmul.f32 $8.000000000e+00, v63;
	[tilespmem:v49+s24+$0x0] =	vst.idx.msk $0xffff, v59;
	v49 =	vadd.s32 v27, v34;
	v51 =	vld [tilespmem:s19+$0xFFFFFF10]  }
0x75: {  	v42 =	vshrl.u32 v60, $0x3;
	[tilespmem:v45+s24+$0x0] =	vst.idx.msk $0xffff, v61;
	v60 =	vmul.f32 $8.000000000e+00, v52;
	v45 =	vadd.s32 v0, v40;
	v55 =	vld [tilespmem:s19+$0xFFFFFF50]  }
0x76: {  	v56 =	vadd.s32 v25, v39;
	v57 =	vld [tilespmem:s19+$0xFFFFFF90];
	[tilespmem:v48+s24+$0x0] =	vst.idx.msk $0xffff, v63;
	v61 =	vmul.f32 $8.000000000e+00, v53  }
0x77: {  	[tilespmem:v43+s24+$0x0] =	vst.idx.msk $0xffff, v60;
	v53 =	vadd.s32 v6, v41;
	v43 =	vmul.f32 $8.000000000e+00, v50;
	v58 =	vld [tilespmem:s19+$0xFFFFFFD0]  }
0x78: {  	v50 =	vadd.s32 v18, v37;
	v59 =	vld [tilespmem:s19+$0x10];
	[tilespmem:v62+s24+$0x0] =	vst.idx.msk $0xffff, v61;
	v38 =	vmul.f32 $8.000000000e+00, v47  }
0x79: {  	v0 =	vld [tilespmem:$0x1FEB0];
	[tilespmem:v49+s24+$0x0] =	vst.idx.msk $0xffff, v43;
	v47 =	vmul.f32 $8.000000000e+00, v51;
	v51 =	vadd.s32 v30, v36  }
0x7a: {  	s16 =	sadd.s32 $0x1, s14;
	v60 =	vld [tilespmem:s19+$0x50];
	v49 =	vmul.f32 $8.000000000e+00, v55;
	v55 =	vadd.s32 v28, v35;
	[tilespmem:v45+s24+$0x0] =	vst.idx.msk $0xffff, v38  }
0x7b: {  	v54 =	vmov s16;
	v61 =	vld [tilespmem:s19+$0x90];
	v62 =	vmul.f32 $8.000000000e+00, v57;
	[tilespmem:v56+s24+$0x0] =	vst.idx.msk $0xffff, v47  }
0x7c: {  	v54 =	vshrl.u32 v54, $0x3;
	[tilespmem:v53+s24+$0x0] =	vst.idx.msk $0xffff, v49;
	v47 =	vld [tilespmem:s19+$0xE0];
	v63 =	vmul.f32 $8.000000000e+00, v58  }
0x7d: {  	s28 =	sadd.s32 $0x2, s14;
	s20 =	sadd.s32 $0x4, s14;
	v38 =	vshll.u32 v42, v1;
	v45 =	vadd.s32 v29, v33;
	[tilespmem:v50+s24+$0x0] =	vst.idx.msk $0xffff, v62;
	v42 =	vmul.f32 $8.000000000e+00, v59;
	v56 =	vld [tilespmem:s19+$0xFFFFFF20]  }
0x7e: {  	s29 =	sadd.s32 $0x3, s14;
	v44 =	vmov s20;
	v52 =	vmov s28;
	s28 =	sadd.s32 $0x5, s14;
	v53 =	vadd.s32 v31, v34;
	v57 =	vld [tilespmem:s19+$0xFFFFFF60];
	[tilespmem:v51+s24+$0x0] =	vst.idx.msk $0xffff, v63  }
0x7f: {  	v46 =	vmov s28;
	v52 =	vshrl.u32 v52, $0x3;
	v48 =	vmov s29;
	s29 =	sadd.s32 $0x6, s14;
	[tilespmem:v55+s24+$0x0] =	vst.idx.msk $0xffff, v42;
	v62 =	vld [tilespmem:s19+$0xFFFFFFE0]  }
0x80: {  	v43 =	vmov s29;
	v50 =	vadd.s32 v0, v40;
	v49 =	vmul.f32 $8.000000000e+00, v60;
	v63 =	vld [tilespmem:s19+$0x20]  }
0x81: {  	v58 =	vadd.s32 v8, v39;
	v59 =	vld [tilespmem:s19+$0xFFFFFFA0];
	v60 =	vshrl.u32 v44, $0x3;
	v44 =	vmul.f32 $8.000000000e+00, v61  }
0x82: {  	v0 =	vadd.s32 v15, v36;
	v51 =	vadd.s32 v14, v41;
	v61 =	vshrl.u32 v46, $0x3;
	[tilespmem:v45+s24+$0x0] =	vst.idx.msk $0xffff, v49  }
0x83: {  	v46 =	vadd.s32 v19, v37;
	v42 =	vshrl.u32 v43, $0x3;
	[tilespmem:v53+s24+$0x0] =	vst.idx.msk $0xffff, v44;
	v45 =	vmul.f32 $8.000000000e+00, v47;
	v2 =	vld [tilespmem:s19+$0x60]  }
0x84: {  	v55 =	vmul.f32 $8.000000000e+00, v56;
	v49 =	vmul.f32 $8.000000000e+00, v57;
	v57 =	vadd.s32 v16, v35;
	v3 =	vld [tilespmem:s19+$0xA0]  }
0x85: {  	p0 =	slt.u32 s14, $0x78;
	v47 =	vshll.u32 v54, v1;
	[tilespmem:v50+s24+$0x0] =	vst.idx.msk $0xffff, v45;
	v54 =	vmul.f32 $8.000000000e+00, v62;
	v62 =	vmul.f32 $8.000000000e+00, v63;
	v63 =	vld [tilespmem:$0x1FEC0]  }
.Ltmp2:
0x86: {  	v41 =	vadd.s32 v10, v41;
	v44 =	vshll.u32 v52, v1;
	v43 =	vmul.f32 $8.000000000e+00, v59;
	[tilespmem:v58+s24+$0x0] =	vst.idx.msk $0xffff, v55;
	v56 =	vld [tilespmem:s19+$0xF0];
	(pc) =	sbr.rel @p0 .LBB2_3-.Ltmp2, $4  }
0x87: {  	v48 =	vshrl.u32 v48, $0x3;
	v55 =	vadd.s32 v20, v33;
	[tilespmem:v51+s24+$0x0] =	vst.idx.msk $0xffff, v49;
	v51 =	vadd.s32 v21, v34;
	v50 =	vld [tilespmem:s19+$0xFFFFFF30]  }
0x88: {  	v45 =	vshll.u32 v48, v1;
	[tilespmem:v46+s24+$0x0] =	vst.idx.msk $0xffff, v43;
	v46 =	vshll.u32 v60, v1;
	v52 =	vld [tilespmem:s19+$0xFFFFFF70]  }
0x89: {  	v38 =	vbroadcast v38, $0x0;
	v48 =	vadd.s32 v17, v39;
	v43 =	vshll.u32 v61, v1;
	v49 =	vld [tilespmem:s19+$0xFFFFFFB0];
	[tilespmem:v0+s24+$0x0] =	vst.idx.msk $0xffff, v54  }
0x8a: {  	s20 =	sadd.s32 $0x7, s14;
	s14 =	sadd.s32 $0x8, s14;
	v39 =	vmul.f32 $8.000000000e+00, v2;
	[tilespmem:v57+s24+$0x0] =	vst.idx.msk $0xffff, v62;
	v54 =	vld [tilespmem:s19+$0xFFFFFFF0];
	v53 =	vadd.s32 v63, v40;
	v40 =	vmul.f32 $8.000000000e+00, v3  }
0x8b: {  	_ =	sdelay $0x3  }
0x8c: {  	v0 =	vmov s20;
	v2 =	vadd.s32 v4, v37;
	v3 =	vld [tilespmem:s19+$0x30];
	v61 =	vmul.f32 $8.000000000e+00, v56;
	[tilespmem:v55+s24+$0x0] =	vst.idx.msk $0xffff, v39  }
0x8d: {  	v36 =	vadd.s32 v12, v36;
	v0 =	vshrl.u32 v0, $0x3;
	v62 =	vmul.f32 $8.000000000e+00, v50;
	[tilespmem:v51+s24+$0x0] =	vst.idx.msk $0xffff, v40;
	v63 =	vld [tilespmem:s19+$0x70]  }
0x8e: {  	v35 =	vadd.s32 v22, v35;
	s14 =	sadd.s32 $0x200, s19;
	v0 =	vshll.u32 v0, v1;
	v56 =	vmul.f32 $8.000000000e+00, v52;
	v51 =	vld [tilespmem:s19+$0xB0];
	[tilespmem:v53+s24+$0x0] =	vst.idx.msk $0xffff, v61  }
0x8f: {  	v33 =	vadd.s32 v7, v33;
	v37 =	vld [tilespmem:s14+$0xC0];
	v0 =	vbroadcast v0, $0x0;
	[tilespmem:v48+s24+$0x0] =	vst.idx.msk $0xffff, v62;
	v57 =	vmul.f32 $8.000000000e+00, v49  }
0x90: {  	v34 =	vadd.s32 v23, v34;
	v58 =	vld [tilespmem:s14+$0xFFFFFF00];
	[tilespmem:v41+s24+$0x0] =	vst.idx.msk $0xffff, v56;
	v59 =	vmul.f32 $8.000000000e+00, v54  }
0x91: {  	v47 =	vbroadcast v47, $0x0;
	v60 =	vld [tilespmem:s14+$0xFFFFFF40];
	v61 =	vadd.s32 v5, v0;
	[tilespmem:v2+s24+$0x0] =	vst.idx.msk $0xffff, v57;
	v2 =	vmul.f32 $8.000000000e+00, v3  }
0x92: {  	v44 =	vbroadcast v44, $0x0;
	v62 =	vld [tilespmem:s14+$0xFFFFFF80];
	v3 =	vadd.s32 v26, v38;
	[tilespmem:v36+s24+$0x0] =	vst.idx.msk $0xffff, v59;
	v63 =	vmul.f32 $8.000000000e+00, v63  }
0x93: {  	v40 =	vadd.s32 v11, v47;
	[tilespmem:v35+s24+$0x0] =	vst.idx.msk $0xffff, v2;
	v2 =	vmul.f32 $8.000000000e+00, v51  }
0x94: {  	v37 =	vmul.f32 $8.000000000e+00, v37;
	v35 =	vadd.s32 v9, v44;
	[tilespmem:v33+s24+$0x0] =	vst.idx.msk $0xffff, v63  }
0x95: {  	v53 =	vmul.f32 $8.000000000e+00, v58;
	[tilespmem:v34+s24+$0x0] =	vst.idx.msk $0xffff, v2  }
0x96: {  	v2 =	vmul.f32 $8.000000000e+00, v60;
	[tilespmem:v61+s24+$0x0] =	vst.idx.msk $0xffff, v37  }
0x97: {  	v50 =	vld [tilespmem:s14+$0xFFFFFFC0];
	[tilespmem:v3+s24+$0x0] =	vst.idx.msk $0xffff, v53;
	v3 =	vmul.f32 $8.000000000e+00, v62  }
0x98: {  	v45 =	vbroadcast v45, $0x0;
	v48 =	vld [tilespmem:s14+$0x40];
	[tilespmem:v40+s24+$0x0] =	vst.idx.msk $0xffff, v2  }
0x99: {  	v46 =	vbroadcast v46, $0x0;
	v51 =	vld [tilespmem:s14+$0x0];
	[tilespmem:v35+s24+$0x0] =	vst.idx.msk $0xffff, v3  }
0x9a: {  	v42 =	vshll.u32 v42, v1;
	v43 =	vbroadcast v43, $0x0;
	v36 =	vadd.s32 v24, v45;
	v53 =	vld [tilespmem:$0x1FFF0]  }
0x9b: {  	v42 =	vbroadcast v42, $0x0;
	v41 =	vld [tilespmem:s14+$0x80];
	v34 =	vadd.s32 v32, v46  }
0x9c: {  	v33 =	vadd.s32 v13, v43;
	v57 =	vld [tilespmem:s14+$0xFFFFFF10]  }
0x9d: {  	v37 =	vld [tilespmem:s14+$0xD0];
	v2 =	vmul.f32 $8.000000000e+00, v50;
	v40 =	vadd.s32 v27, v42  }
0x9e: {  	v50 =	vadd.s32 v25, v38;
	v49 =	vld [tilespmem:s14+$0xFFFFFF50];
	v3 =	vmul.f32 $8.000000000e+00, v51  }
0x9f: {  	v63 =	vld [tilespmem:s14+$0xFFFFFF90];
	[tilespmem:v36+s24+$0x0] =	vst.idx.msk $0xffff, v2;
	v2 =	vmul.f32 $8.000000000e+00, v48;
	v35 =	vadd.s32 v53, v0  }
0xa0: {  	v36 =	vadd.s32 v6, v47;
	[tilespmem:v34+s24+$0x0] =	vst.idx.msk $0xffff, v3;
	v3 =	vmul.f32 $8.000000000e+00, v41  }
0xa1: {  	v34 =	vadd.s32 v18, v44;
	[tilespmem:v33+s24+$0x0] =	vst.idx.msk $0xffff, v2;
	v57 =	vmul.f32 $8.000000000e+00, v57  }
0xa2: {  	v2 =	vmul.f32 $8.000000000e+00, v37;
	[tilespmem:v40+s24+$0x0] =	vst.idx.msk $0xffff, v3  }
0xa3: {  	v3 =	vmul.f32 $8.000000000e+00, v49;
	[tilespmem:v50+s24+$0x0] =	vst.idx.msk $0xffff, v57  }
0xa4: {  	v56 =	vld [tilespmem:s14+$0xFFFFFFD0];
	[tilespmem:v35+s24+$0x0] =	vst.idx.msk $0xffff, v2;
	v2 =	vmul.f32 $8.000000000e+00, v63  }
0xa5: {  	v41 =	vld [tilespmem:s14+$0x10];
	[tilespmem:v36+s24+$0x0] =	vst.idx.msk $0xffff, v3  }
0xa6: {  	v39 =	vld [tilespmem:s14+$0x50];
	[tilespmem:v34+s24+$0x0] =	vst.idx.msk $0xffff, v2  }
0xa7: {  	v61 =	vmov v27;
	v37 =	vadd.s32 v30, v45;
	v27 =	vld [tilespmem:$0x1FEB0]  }
0xa8: {  	v40 =	vadd.s32 v28, v46;
	v49 =	vld [tilespmem:s14+$0x90]  }
0xa9: {  	v50 =	vld [tilespmem:s14+$0xFFFFFF20];
	v63 =	vadd.s32 v29, v43  }
0xaa: {  	v3 =	vmul.f32 $8.000000000e+00, v56;
	v36 =	vadd.s32 v31, v42;
	v35 =	vld [tilespmem:s14+$0xE0]  }
0xab: {  	v56 =	vld [tilespmem:s14+$0xFFFFFF60];
	v2 =	vmul.f32 $8.000000000e+00, v41;
	v41 =	vadd.s32 v8, v38  }
0xac: {  	v57 =	vld [tilespmem:s14+$0xFFFFFFA0];
	[tilespmem:v37+s24+$0x0] =	vst.idx.msk $0xffff, v3;
	v3 =	vmul.f32 $8.000000000e+00, v39;
	v34 =	vadd.s32 v27, v0  }
0xad: {  	v37 =	vadd.s32 v14, v47;
	[tilespmem:v40+s24+$0x0] =	vst.idx.msk $0xffff, v2;
	v2 =	vmul.f32 $8.000000000e+00, v49  }
0xae: {  	v40 =	vadd.s32 v19, v44;
	[tilespmem:v63+s24+$0x0] =	vst.idx.msk $0xffff, v3;
	v63 =	vmul.f32 $8.000000000e+00, v50  }
0xaf: {  	v3 =	vmul.f32 $8.000000000e+00, v35;
	[tilespmem:v36+s24+$0x0] =	vst.idx.msk $0xffff, v2  }
0xb0: {  	v2 =	vmul.f32 $8.000000000e+00, v56;
	[tilespmem:v41+s24+$0x0] =	vst.idx.msk $0xffff, v63  }
0xb1: {  	v39 =	vld [tilespmem:s14+$0xFFFFFFE0];
	[tilespmem:v34+s24+$0x0] =	vst.idx.msk $0xffff, v3;
	v3 =	vmul.f32 $8.000000000e+00, v57  }
0xb2: {  	v49 =	vld [tilespmem:s14+$0x20];
	[tilespmem:v37+s24+$0x0] =	vst.idx.msk $0xffff, v2  }
0xb3: {  	v50 =	vld [tilespmem:s14+$0x60];
	[tilespmem:v40+s24+$0x0] =	vst.idx.msk $0xffff, v3  }
0xb4: {  	v59 =	vmov v32;
	v32 =	vmov v30;
	v35 =	vadd.s32 v15, v45;
	v30 =	vld [tilespmem:$0x1FEC0]  }
0xb5: {  	v36 =	vadd.s32 v16, v46;
	v56 =	vld [tilespmem:s14+$0xA0]  }
0xb6: {  	v41 =	vld [tilespmem:s14+$0xFFFFFF30];
	v57 =	vadd.s32 v20, v43  }
0xb7: {  	v37 =	vadd.s32 v21, v42;
	v2 =	vmul.f32 $8.000000000e+00, v39;
	v34 =	vld [tilespmem:s14+$0xF0]  }
0xb8: {  	v38 =	vadd.s32 v17, v38;
	v63 =	vld [tilespmem:s14+$0xFFFFFF70];
	v3 =	vmul.f32 $8.000000000e+00, v49  }
0xb9: {  	v40 =	vld [tilespmem:s14+$0xFFFFFFB0];
	[tilespmem:v35+s24+$0x0] =	vst.idx.msk $0xffff, v2;
	v2 =	vmul.f32 $8.000000000e+00, v50;
	v0 =	vadd.s32 v30, v0  }
0xba: {  	v35 =	vadd.s32 v10, v47;
	v47 =	vld [tilespmem:s14+$0xFFFFFFF0];
	[tilespmem:v36+s24+$0x0] =	vst.idx.msk $0xffff, v3;
	v3 =	vmul.f32 $8.000000000e+00, v56  }
0xbb: {  	v55 =	vmov v12;
	v51 =	vmul.f32 $8.000000000e+00, v41;
	v49 =	vadd.s32 v4, v44;
	v50 =	vld [tilespmem:s14+$0x30];
	[tilespmem:v57+s24+$0x0] =	vst.idx.msk $0xffff, v2  }
0xbc: {  	v52 =	vmov v22;
	v56 =	vadd.s32 v55, v45;
	v2 =	vmul.f32 $8.000000000e+00, v34;
	v57 =	vld [tilespmem:s14+$0x70];
	[tilespmem:v37+s24+$0x0] =	vst.idx.msk $0xffff, v3  }
0xbd: {  	v12 =	vmov v7;
	[tilespmem:v38+s24+$0x0] =	vst.idx.msk $0xffff, v51;
	v3 =	vmul.f32 $8.000000000e+00, v63;
	v63 =	vadd.s32 v52, v46;
	v45 =	vld [tilespmem:s14+$0xB0]  }
0xbe: {  	v54 =	vmov v23;
	[tilespmem:v0+s24+$0x0] =	vst.idx.msk $0xffff, v2;
	v0 =	vmul.f32 $8.000000000e+00, v40;
	v2 =	vadd.s32 v12, v43  }
0xbf: {  	v46 =	vadd.s32 v54, v42;
	[tilespmem:v35+s24+$0x0] =	vst.idx.msk $0xffff, v3;
	v3 =	vmul.f32 $8.000000000e+00, v47  }
0xc0: {  	[tilespmem:v49+s24+$0x0] =	vst.idx.msk $0xffff, v0;
	v0 =	vmul.f32 $8.000000000e+00, v50  }
0xc1: {  	[tilespmem:v56+s24+$0x0] =	vst.idx.msk $0xffff, v3;
	v3 =	vmul.f32 $8.000000000e+00, v57  }
0xc2: {  	s19 =	sshll.u32 s18, $0x2;
	[tilespmem:v63+s24+$0x0] =	vst.idx.msk $0xffff, v0;
	v0 =	vmul.f32 $8.000000000e+00, v45  }
0xc3: {  	p0 =	seq.s32 s18, $0x0;
	s20 =	sadd.s32 s5, s19;
	[tilespmem:v2+s24+$0x0] =	vst.idx.msk $0xffff, v3  }
0xc4: {  	s16 =	simm.s32 @!p0 $0x5;
	s29 =	sshll.u32 s20, $0xA;
	s14 =	sshll.u32 s20, $0x7;
	[tilespmem:v46+s24+$0x0] =	vst.idx.msk $0xffff, v0  }
0xc5: {  	s20 =	sand.u32 $0x7FFF8000, s29;
	s14 =	sand.u32 $0xE00, s14;
	_ =	swait.ge @!p0 [sflag:s16], $0x2000  }
0xc6: {  	s14 =	sor.u32 s14, s20;
	[sflag:s16] =	ssyncset.done @!p0 $0x0  }
0xc7: {  	[sflag:s16] =	ssyncadd.s32 @!p0 $0xFFFFE000;
	s16 =	sadd.s32 s2, s14  }
0xc8: {  	[hbm4b:s16+s3] =	stream.linear.scatter [tilespmem:s24], [sflag:$0x5], $0x80, $0x38;
	[tilespmem:$0x16C00] =	vst v63  }
0xc9: {  	s28 =	simm.s32 $0xE488;
	s29 =	sadd.s32 $0x10, s16  }
0xca: {  	[hbm4b:s29+s3] =	stream.linear.scatter [tilespmem:s28], [sflag:$0x5], $0x80, $0x38;
	[tilespmem:$0x16C00] =	vst v63  }
0xcb: {  	s29 =	sadd.s32 $0x20, s16;
	s28 =	simm.s32 $0xE510  }
0xcc: {  	[hbm4b:s29+s3] =	stream.linear.scatter [tilespmem:s28], [sflag:$0x5], $0x80, $0x38;
	[tilespmem:$0x16C00] =	vst v63  }
0xcd: {  	s29 =	sadd.s32 $0x30, s16;
	s28 =	simm.s32 $0xE598  }
0xce: {  	[hbm4b:s29+s3] =	stream.linear.scatter [tilespmem:s28], [sflag:$0x5], $0x80, $0x38;
	[tilespmem:$0x16C00] =	vst v63  }
0xcf: {  	s29 =	sadd.s32 $0x40, s16;
	s28 =	simm.s32 $0xE620  }
0xd0: {  	[hbm4b:s29+s3] =	stream.linear.scatter [tilespmem:s28], [sflag:$0x5], $0x80, $0x38;
	[tilespmem:$0x16C00] =	vst v63  }
0xd1: {  	s29 =	sadd.s32 $0x50, s16;
	s28 =	simm.s32 $0xE6A8  }
0xd2: {  	[hbm4b:s29+s3] =	stream.linear.scatter [tilespmem:s28], [sflag:$0x5], $0x80, $0x38;
	[tilespmem:$0x16C00] =	vst v63  }
0xd3: {  	s29 =	sadd.s32 $0x60, s16;
	s28 =	simm.s32 $0xE730  }
0xd4: {  	[hbm4b:s29+s3] =	stream.linear.scatter [tilespmem:s28], [sflag:$0x5], $0x80, $0x38;
	[tilespmem:$0x16C00] =	vst v63  }
0xd5: {  	s16 =	sadd.s32 $0x70, s16;
	s29 =	simm.s32 $0xE7B8  }
0xd6: {  	[hbm4b:s16+s3] =	stream.linear.scatter [tilespmem:s29], [sflag:$0x5], $0x80, $0x38;
	[tilespmem:$0x16C00] =	vst v63  }
0xd7: {  	s16 =	sadd.s32 s14, s7;
	s29 =	simm.s32 $0xE840  }
0xd8: {  	[hbm4b:s16+s3] =	stream.linear.scatter [tilespmem:s29], [sflag:$0x5], $0x80, $0x38;
	[tilespmem:$0x16C00] =	vst v63  }
0xd9: {  	s28 =	simm.s32 $0xE8C8;
	s29 =	sadd.s32 $0x10, s16  }
0xda: {  	[hbm4b:s29+s3] =	stream.linear.scatter [tilespmem:s28], [sflag:$0x5], $0x80, $0x38;
	[tilespmem:$0x16C00] =	vst v63  }
0xdb: {  	s29 =	sadd.s32 $0x20, s16;
	s28 =	simm.s32 $0xE950  }
0xdc: {  	[hbm4b:s29+s3] =	stream.linear.scatter [tilespmem:s28], [sflag:$0x5], $0x80, $0x38;
	[tilespmem:$0x16C00] =	vst v63  }
0xdd: {  	s29 =	sadd.s32 $0x30, s16;
	s28 =	simm.s32 $0xE9D8  }
0xde: {  	[hbm4b:s29+s3] =	stream.linear.scatter [tilespmem:s28], [sflag:$0x5], $0x80, $0x38;
	[tilespmem:$0x16C00] =	vst v63  }
0xdf: {  	s29 =	sadd.s32 $0x40, s16;
	s28 =	simm.s32 $0xEA60  }
0xe0: {  	[hbm4b:s29+s3] =	stream.linear.scatter [tilespmem:s28], [sflag:$0x5], $0x80, $0x38;
	[tilespmem:$0x16C00] =	vst v63  }
0xe1: {  	s29 =	sadd.s32 $0x50, s16;
	s28 =	simm.s32 $0xEAE8  }
0xe2: {  	[hbm4b:s29+s3] =	stream.linear.scatter [tilespmem:s28], [sflag:$0x5], $0x80, $0x38;
	[tilespmem:$0x16C00] =	vst v63  }
0xe3: {  	s29 =	sadd.s32 $0x60, s16;
	s28 =	simm.s32 $0xEB70  }
0xe4: {  	[hbm4b:s29+s3] =	stream.linear.scatter [tilespmem:s28], [sflag:$0x5], $0x80, $0x38;
	[tilespmem:$0x16C00] =	vst v63  }
0xe5: {  	s16 =	sadd.s32 $0x70, s16;
	s29 =	simm.s32 $0xEBF8  }
0xe6: {  	[hbm4b:s16+s3] =	stream.linear.scatter [tilespmem:s29], [sflag:$0x5], $0x80, $0x38;
	[tilespmem:$0x16C00] =	vst v63  }
0xe7: {  	s16 =	sadd.s32 s14, s8;
	s29 =	simm.s32 $0xEC80  }
0xe8: {  	[hbm4b:s16+s3] =	stream.linear.scatter [tilespmem:s29], [sflag:$0x5], $0x80, $0x38;
	[tilespmem:$0x16C00] =	vst v63  }
0xe9: {  	s28 =	simm.s32 $0xED08;
	s29 =	sadd.s32 $0x10, s16  }
0xea: {  	[hbm4b:s29+s3] =	stream.linear.scatter [tilespmem:s28], [sflag:$0x5], $0x80, $0x38;
	[tilespmem:$0x16C00] =	vst v63  }
0xeb: {  	s29 =	sadd.s32 $0x20, s16;
	s28 =	simm.s32 $0xED90  }
0xec: {  	[hbm4b:s29+s3] =	stream.linear.scatter [tilespmem:s28], [sflag:$0x5], $0x80, $0x38;
	[tilespmem:$0x16C00] =	vst v63  }
0xed: {  	s29 =	sadd.s32 $0x30, s16;
	s28 =	simm.s32 $0xEE18  }
0xee: {  	[hbm4b:s29+s3] =	stream.linear.scatter [tilespmem:s28], [sflag:$0x5], $0x80, $0x38;
	[tilespmem:$0x16C00] =	vst v63  }
0xef: {  	s29 =	sadd.s32 $0x40, s16;
	s28 =	simm.s32 $0xEEA0  }
0xf0: {  	[hbm4b:s29+s3] =	stream.linear.scatter [tilespmem:s28], [sflag:$0x5], $0x80, $0x38;
	[tilespmem:$0x16C00] =	vst v63  }
0xf1: {  	s29 =	sadd.s32 $0x50, s16;
	s28 =	simm.s32 $0xEF28  }
0xf2: {  	[hbm4b:s29+s3] =	stream.linear.scatter [tilespmem:s28], [sflag:$0x5], $0x80, $0x38;
	[tilespmem:$0x16C00] =	vst v63  }
0xf3: {  	s29 =	sadd.s32 $0x60, s16;
	s28 =	simm.s32 $0xEFB0  }
0xf4: {  	[hbm4b:s29+s3] =	stream.linear.scatter [tilespmem:s28], [sflag:$0x5], $0x80, $0x38;
	[tilespmem:$0x16C00] =	vst v63  }
0xf5: {  	s16 =	sadd.s32 $0x70, s16;
	s29 =	simm.s32 $0xF038  }
0xf6: {  	[hbm4b:s16+s3] =	stream.linear.scatter [tilespmem:s29], [sflag:$0x5], $0x80, $0x38;
	[tilespmem:$0x16C00] =	vst v63  }
0xf7: {  	s16 =	sadd.s32 s14, s9;
	s29 =	simm.s32 $0xF0C0  }
0xf8: {  	[hbm4b:s16+s3] =	stream.linear.scatter [tilespmem:s29], [sflag:$0x5], $0x80, $0x38;
	[tilespmem:$0x16C00] =	vst v63  }
0xf9: {  	s28 =	simm.s32 $0xF148;
	s29 =	sadd.s32 $0x10, s16  }
0xfa: {  	[hbm4b:s29+s3] =	stream.linear.scatter [tilespmem:s28], [sflag:$0x5], $0x80, $0x38;
	[tilespmem:$0x16C00] =	vst v63  }
0xfb: {  	s29 =	sadd.s32 $0x20, s16;
	s28 =	simm.s32 $0xF1D0  }
0xfc: {  	[hbm4b:s29+s3] =	stream.linear.scatter [tilespmem:s28], [sflag:$0x5], $0x80, $0x38;
	[tilespmem:$0x16C00] =	vst v63  }
0xfd: {  	s29 =	sadd.s32 $0x30, s16;
	s28 =	simm.s32 $0xF258  }
0xfe: {  	[hbm4b:s29+s3] =	stream.linear.scatter [tilespmem:s28], [sflag:$0x5], $0x80, $0x38;
	[tilespmem:$0x16C00] =	vst v63  }
0xff: {  	s29 =	sadd.s32 $0x40, s16;
	s28 =	simm.s32 $0xF2E0  }
0x100: {  	[hbm4b:s29+s3] =	stream.linear.scatter [tilespmem:s28], [sflag:$0x5], $0x80, $0x38;
	[tilespmem:$0x16C00] =	vst v63  }
0x101: {  	s29 =	sadd.s32 $0x50, s16;
	s28 =	simm.s32 $0xF368  }
0x102: {  	[hbm4b:s29+s3] =	stream.linear.scatter [tilespmem:s28], [sflag:$0x5], $0x80, $0x38;
	[tilespmem:$0x16C00] =	vst v63  }
0x103: {  	s29 =	sadd.s32 $0x60, s16;
	s28 =	simm.s32 $0xF3F0  }
0x104: {  	[hbm4b:s29+s3] =	stream.linear.scatter [tilespmem:s28], [sflag:$0x5], $0x80, $0x38;
	[tilespmem:$0x16C00] =	vst v63  }
0x105: {  	s16 =	sadd.s32 $0x70, s16;
	s29 =	simm.s32 $0xF478  }
0x106: {  	[hbm4b:s16+s3] =	stream.linear.scatter [tilespmem:s29], [sflag:$0x5], $0x80, $0x38;
	[tilespmem:$0x16C00] =	vst v63  }
0x107: {  	s16 =	sadd.s32 s14, s10;
	s29 =	simm.s32 $0xF500  }
0x108: {  	[hbm4b:s16+s3] =	stream.linear.scatter [tilespmem:s29], [sflag:$0x5], $0x80, $0x38;
	[tilespmem:$0x16C00] =	vst v63  }
0x109: {  	s28 =	simm.s32 $0xF588;
	s29 =	sadd.s32 $0x10, s16  }
0x10a: {  	[hbm4b:s29+s3] =	stream.linear.scatter [tilespmem:s28], [sflag:$0x5], $0x80, $0x38;
	[tilespmem:$0x16C00] =	vst v63  }
0x10b: {  	s29 =	sadd.s32 $0x20, s16;
	s28 =	simm.s32 $0xF610  }
0x10c: {  	[hbm4b:s29+s3] =	stream.linear.scatter [tilespmem:s28], [sflag:$0x5], $0x80, $0x38;
	[tilespmem:$0x16C00] =	vst v63  }
0x10d: {  	s29 =	sadd.s32 $0x30, s16;
	s28 =	simm.s32 $0xF698  }
0x10e: {  	[hbm4b:s29+s3] =	stream.linear.scatter [tilespmem:s28], [sflag:$0x5], $0x80, $0x38;
	[tilespmem:$0x16C00] =	vst v63  }
0x10f: {  	s29 =	sadd.s32 $0x40, s16;
	s28 =	simm.s32 $0xF720  }
0x110: {  	[hbm4b:s29+s3] =	stream.linear.scatter [tilespmem:s28], [sflag:$0x5], $0x80, $0x38;
	[tilespmem:$0x16C00] =	vst v63  }
0x111: {  	s29 =	sadd.s32 $0x50, s16;
	s28 =	simm.s32 $0xF7A8  }
0x112: {  	[hbm4b:s29+s3] =	stream.linear.scatter [tilespmem:s28], [sflag:$0x5], $0x80, $0x38;
	[tilespmem:$0x16C00] =	vst v63  }
0x113: {  	s29 =	sadd.s32 $0x60, s16;
	s28 =	simm.s32 $0xF830  }
0x114: {  	[hbm4b:s29+s3] =	stream.linear.scatter [tilespmem:s28], [sflag:$0x5], $0x80, $0x38;
	[tilespmem:$0x16C00] =	vst v63  }
0x115: {  	s16 =	sadd.s32 $0x70, s16;
	s29 =	simm.s32 $0xF8B8  }
0x116: {  	[hbm4b:s16+s3] =	stream.linear.scatter [tilespmem:s29], [sflag:$0x5], $0x80, $0x38;
	[tilespmem:$0x16C00] =	vst v63  }
0x117: {  	s16 =	sadd.s32 s14, s11;
	s29 =	simm.s32 $0xF940  }
0x118: {  	[hbm4b:s16+s3] =	stream.linear.scatter [tilespmem:s29], [sflag:$0x5], $0x80, $0x38;
	[tilespmem:$0x16C00] =	vst v63  }
0x119: {  	s28 =	simm.s32 $0xF9C8;
	s29 =	sadd.s32 $0x10, s16  }
0x11a: {  	[hbm4b:s29+s3] =	stream.linear.scatter [tilespmem:s28], [sflag:$0x5], $0x80, $0x38;
	[tilespmem:$0x16C00] =	vst v63  }
0x11b: {  	s29 =	sadd.s32 $0x20, s16;
	s28 =	simm.s32 $0xFA50  }
0x11c: {  	[hbm4b:s29+s3] =	stream.linear.scatter [tilespmem:s28], [sflag:$0x5], $0x80, $0x38;
	[tilespmem:$0x16C00] =	vst v63  }
0x11d: {  	s29 =	sadd.s32 $0x30, s16;
	s28 =	simm.s32 $0xFAD8  }
0x11e: {  	[hbm4b:s29+s3] =	stream.linear.scatter [tilespmem:s28], [sflag:$0x5], $0x80, $0x38;
	[tilespmem:$0x16C00] =	vst v63  }
0x11f: {  	s29 =	sadd.s32 $0x40, s16;
	s28 =	simm.s32 $0xFB60  }
0x120: {  	[hbm4b:s29+s3] =	stream.linear.scatter [tilespmem:s28], [sflag:$0x5], $0x80, $0x38;
	[tilespmem:$0x16C00] =	vst v63  }
0x121: {  	s29 =	sadd.s32 $0x50, s16;
	s28 =	simm.s32 $0xFBE8  }
0x122: {  	[hbm4b:s29+s3] =	stream.linear.scatter [tilespmem:s28], [sflag:$0x5], $0x80, $0x38;
	[tilespmem:$0x16C00] =	vst v63  }
0x123: {  	s29 =	sadd.s32 $0x60, s16;
	s28 =	simm.s32 $0xFC70  }
0x124: {  	[hbm4b:s29+s3] =	stream.linear.scatter [tilespmem:s28], [sflag:$0x5], $0x80, $0x38;
	[tilespmem:$0x16C00] =	vst v63  }
0x125: {  	s16 =	sadd.s32 $0x70, s16;
	s29 =	simm.s32 $0xFCF8  }
0x126: {  	[hbm4b:s16+s3] =	stream.linear.scatter [tilespmem:s29], [sflag:$0x5], $0x80, $0x38;
	[tilespmem:$0x16C00] =	vst v63  }
0x127: {  	s16 =	sadd.s32 s14, s12;
	s29 =	simm.s32 $0xFD80  }
0x128: {  	[hbm4b:s16+s3] =	stream.linear.scatter [tilespmem:s29], [sflag:$0x5], $0x80, $0x38;
	[tilespmem:$0x16C00] =	vst v63  }
0x129: {  	s28 =	simm.s32 $0xFE08;
	s29 =	sadd.s32 $0x10, s16  }
0x12a: {  	[hbm4b:s29+s3] =	stream.linear.scatter [tilespmem:s28], [sflag:$0x5], $0x80, $0x38;
	[tilespmem:$0x16C00] =	vst v63  }
0x12b: {  	s29 =	sadd.s32 $0x20, s16;
	s28 =	simm.s32 $0xFE90  }
0x12c: {  	[hbm4b:s29+s3] =	stream.linear.scatter [tilespmem:s28], [sflag:$0x5], $0x80, $0x38;
	[tilespmem:$0x16C00] =	vst v63  }
0x12d: {  	s29 =	sadd.s32 $0x30, s16;
	s28 =	simm.s32 $0xFF18  }
0x12e: {  	[hbm4b:s29+s3] =	stream.linear.scatter [tilespmem:s28], [sflag:$0x5], $0x80, $0x38;
	[tilespmem:$0x16C00] =	vst v63  }
0x12f: {  	s29 =	sadd.s32 $0x40, s16;
	s28 =	simm.s32 $0xFFA0  }
0x130: {  	[hbm4b:s29+s3] =	stream.linear.scatter [tilespmem:s28], [sflag:$0x5], $0x80, $0x38;
	[tilespmem:$0x16C00] =	vst v63  }
0x131: {  	s29 =	sadd.s32 $0x50, s16;
	s28 =	simm.s32 $0x10028  }
0x132: {  	[hbm4b:s29+s3] =	stream.linear.scatter [tilespmem:s28], [sflag:$0x5], $0x80, $0x38;
	[tilespmem:$0x16C00] =	vst v63  }
0x133: {  	s29 =	sadd.s32 $0x60, s16;
	s28 =	simm.s32 $0x100B0  }
0x134: {  	[hbm4b:s29+s3] =	stream.linear.scatter [tilespmem:s28], [sflag:$0x5], $0x80, $0x38;
	[tilespmem:$0x16C00] =	vst v63  }
0x135: {  	s16 =	sadd.s32 $0x70, s16;
	s29 =	simm.s32 $0x10138  }
0x136: {  	[hbm4b:s16+s3] =	stream.linear.scatter [tilespmem:s29], [sflag:$0x5], $0x80, $0x38;
	[tilespmem:$0x16C00] =	vst v63  }
0x137: {  	s14 =	sadd.s32 s14, s13;
	s29 =	simm.s32 $0x101C0  }
0x138: {  	[hbm4b:s14+s3] =	stream.linear.scatter [tilespmem:s29], [sflag:$0x5], $0x80, $0x38;
	[tilespmem:$0x16C00] =	vst v63  }
0x139: {  	s20 =	sadd.s32 $0x10, s14;
	s29 =	simm.s32 $0x10248  }
0x13a: {  	[hbm4b:s20+s3] =	stream.linear.scatter [tilespmem:s29], [sflag:$0x5], $0x80, $0x38;
	[tilespmem:$0x16C00] =	vst v63  }
0x13b: {  	s20 =	sadd.s32 $0x20, s14;
	s29 =	simm.s32 $0x102D0  }
0x13c: {  	[hbm4b:s20+s3] =	stream.linear.scatter [tilespmem:s29], [sflag:$0x5], $0x80, $0x38;
	[tilespmem:$0x16C00] =	vst v63  }
0x13d: {  	s20 =	sadd.s32 $0x30, s14;
	s29 =	simm.s32 $0x10358  }
0x13e: {  	[hbm4b:s20+s3] =	stream.linear.scatter [tilespmem:s29], [sflag:$0x5], $0x80, $0x38;
	[tilespmem:$0x16C00] =	vst v63  }
0x13f: {  	s20 =	sadd.s32 $0x40, s14;
	s29 =	simm.s32 $0x103E0  }
0x140: {  	[hbm4b:s20+s3] =	stream.linear.scatter [tilespmem:s29], [sflag:$0x5], $0x80, $0x38;
	[tilespmem:$0x16C00] =	vst v63  }
0x141: {  	s20 =	sadd.s32 $0x50, s14;
	s29 =	simm.s32 $0x10468  }
0x142: {  	[hbm4b:s20+s3] =	stream.linear.scatter [tilespmem:s29], [sflag:$0x5], $0x80, $0x38;
	[tilespmem:$0x16C00] =	vst v63  }
0x143: {  	s20 =	sadd.s32 $0x60, s14;
	s29 =	simm.s32 $0x104F0  }
0x144: {  	[hbm4b:s20+s3] =	stream.linear.scatter [tilespmem:s29], [sflag:$0x5], $0x80, $0x38;
	[tilespmem:$0x16C00] =	vst v63  }
0x145: {  	p1 =	seq.s32 s18, $0x31;
	s14 =	sadd.s32 $0x70, s14;
	s29 =	simm.s32 $0x10578  }
0x146: {  	[hbm4b:s14+s3] =	stream.linear.scatter [tilespmem:s29], [sflag:$0x5], $0x80, $0x38;
	[tilespmem:$0x16C00] =	vst v63  }
0x147: {  	s14 =	sshll.u32 @!p1 s18, $0x9;
	s29 =	simm.s32 $0x0  }
0x148: {  	s28 =	simm.s32 @!p1 $0x6400;
	s20 =	sand.u32 @!p1 $0x3FFFFE00, s14;
	v0 =	vmov s29;
	s29 =	simm.s32 $0x2  }
0x149: {  	s16 =	simm.s32 @!p1 $0x80;
	s14 =	sadd.s32 @!p1 $0x200, s20;
	v3 =	vmov s29;
	s29 =	simm.s32 $0x5  }
0x14a: {  	v0 =	vshrl.u32 v0, $0x3;
	[tilespmem:s28], [sflag:$0x1] =	stream.indirect.gather @!p1 [hbm4b:s4+s16], $0x40, s14, s16, $0xb8;
	[tilespmem:$0x16C00] =	vst v63  }
0x14b: {  	s16 =	simm.s32 $0x1;
	s28 =	simm.s32 $0x3;
	v49 =	vmov s29;
	v0 =	vshll.u32 v0, v1  }
0x14c: {  	v3 =	vshrl.u32 v3, $0x3;
	v2 =	vmov s16;
	v47 =	vmov s28  }
0x14d: {  	s16 =	simm.s32 $0x4;
	s28 =	simm.s32 $0x6;
	_ =	swait.ge [sflag:s21], $0x2000;
	v35 =	vshrl.u32 v49, $0x3;
	v39 =	vbroadcast v0, $0x0;
	v3 =	vshll.u32 v3, v1  }
0x14e: {  	v48 =	vmov s16;
	v50 =	vmov s28;
	s16 =	simm.s32 $0x7;
	v2 =	vshrl.u32 v2, $0x3;
	[sflag:s21] =	ssyncset.done $0x0  }
0x14f: {  	s14 =	simm.s32 $0x8500;
	v33 =	vshrl.u32 v47, $0x3;
	v51 =	vmov s16;
	[sflag:s21] =	ssyncadd.s32 $0xFFFFE000;
	v34 =	vshrl.u32 v48, $0x3  }
0x150: {  	v7 =	vmovc v26;
	v36 =	vshrl.u32 v50, $0x3;
	v2 =	vshll.u32 v2, v1;
	v37 =	vshrl.u32 v51, $0x3;
	v52 =	vld [tilespmem:s14+$0xFFFFFF00]  }
0x151: {  	v22 =	vmovc v9;
	v23 =	vmovc v11;
	v33 =	vshll.u32 v33, v1;
	v54 =	vld [tilespmem:s14+$0xFFFFFF40];
	v9 =	vbroadcast v2, $0x0;
	v37 =	vshll.u32 v37, v1  }
0x152: {  	v11 =	vmovc v6;
	v26 =	vmovc v16;
	v44 =	vadd.s32 v7, v39;
	v0 =	vld [tilespmem:s14+$0xC0];
	v41 =	vbroadcast v37, $0x0;
	v37 =	vbroadcast v3, $0x0  }
0x153: {  	v58 =	vmovc v24;
	v60 =	vmovc v13;
	v47 =	vld [tilespmem:s14+$0xFFFFFFC0];
	v3 =	vshll.u32 v36, v1;
	v46 =	vadd.s32 v23, v9;
	v36 =	vbroadcast v33, $0x0  }
0x154: {  	v62 =	vmovc v25;
	v55 =	vshll.u32 v35, v1;
	v34 =	vshll.u32 v34, v1;
	v45 =	vld [tilespmem:s14+$0xFFFFFF80];
	v2 =	vadd.s32 v5, v41  }
0x155: {  	v25 =	vmovc v18;
	v6 =	vmovc v28;
	v35 =	vbroadcast v34, $0x0;
	v63 =	vadd.s32 v58, v36;
	v38 =	vmul.f32 $8.000000000e+00, v52  }
0x156: {  	v18 =	vmovc v19;
	v28 =	vmovc v60;
	v56 =	vld [tilespmem:s14+$0x0];
	v33 =	vbroadcast v55, $0x0;
	v48 =	vadd.s32 v22, v37;
	v42 =	vmul.f32 $8.000000000e+00, v54  }
0x157: {  	v19 =	vmovc v58;
	v16 =	vmovc v22;
	v57 =	vld [tilespmem:s14+$0x40];
	v34 =	vbroadcast v3, $0x0;
	v22 =	vmov v59;
	v0 =	vmul.f32 $8.000000000e+00, v0;
	[tilespmem:v44+s6+$0x0] =	vst.idx.msk $0xffff, v38  }
0x158: {  	v58 =	vadd.s32 v59, v35;
	v59 =	vld [tilespmem:s14+$0x80];
	v3 =	vadd.s32 v60, v33;
	v60 =	vmul.f32 $8.000000000e+00, v47;
	[tilespmem:v46+s6+$0x0] =	vst.idx.msk $0xffff, v42  }
0x159: {  	v24 =	vmov v15;
	v44 =	vld [tilespmem:s14+$0xFFFFFF10];
	[tilespmem:v2+s6+$0x0] =	vst.idx.msk $0xffff, v0;
	v2 =	vmul.f32 $8.000000000e+00, v45  }
0x15a: {  	v15 =	vmovc v17;
	v17 =	vmov v5;
	v5 =	vmov v61;
	v45 =	vadd.s32 v61, v34;
	v61 =	vld [tilespmem:s14+$0xFFFFFF50];
	[tilespmem:v63+s6+$0x0] =	vst.idx.msk $0xffff, v60  }
0x15b: {  	v38 =	vld [tilespmem:s14+$0xD0];
	[tilespmem:v48+s6+$0x0] =	vst.idx.msk $0xffff, v2;
	v2 =	vmul.f32 $8.000000000e+00, v56;
	v48 =	vadd.s32 v53, v41;
	v53 =	vadd.s32 v62, v39  }
0x15c: {  	v51 =	vadd.s32 v11, v9;
	v63 =	vmul.f32 $8.000000000e+00, v57;
	v55 =	vld [tilespmem:s14+$0xFFFFFFD0]  }
0x15d: {  	s29 =	simm.s32 $0x8;
	v54 =	vld [tilespmem:s14+$0xFFFFFF90];
	[tilespmem:v58+s6+$0x0] =	vst.idx.msk $0xffff, v2;
	v2 =	vmul.f32 $8.000000000e+00, v59  }
0x15e: {  	v0 =	vmov s29;
	s29 =	simm.s32 $0x9;
	v60 =	vadd.s32 v32, v36;
	[tilespmem:v3+s6+$0x0] =	vst.idx.msk $0xffff, v63;
	v42 =	vmul.f32 $8.000000000e+00, v44  }
0x15f: {  	v13 =	vmovc v14;
	v52 =	vadd.s32 v25, v37;
	v46 =	vmov s29;
	s29 =	simm.s32 $0xA;
	v56 =	vld [tilespmem:s14+$0x10];
	v61 =	vmul.f32 $8.000000000e+00, v61;
	[tilespmem:v45+s6+$0x0] =	vst.idx.msk $0xffff, v2  }
0x160: {  	v14 =	vmovc v10;
	v10 =	vmovc v62;
	v0 =	vshrl.u32 v0, $0x3;
	v49 =	vmov s29;
	v57 =	vld [tilespmem:s14+$0x50];
	v3 =	vmul.f32 $8.000000000e+00, v38;
	[tilespmem:v53+s6+$0x0] =	vst.idx.msk $0xffff, v42  }
0x161: {  	s29 =	simm.s32 $0xB;
	v62 =	vadd.s32 v6, v35;
	v0 =	vshll.u32 v0, v1;
	v40 =	vmul.f32 $8.000000000e+00, v55;
	v63 =	vld [tilespmem:s14+$0x90];
	[tilespmem:v51+s6+$0x0] =	vst.idx.msk $0xffff, v61  }
0x162: {  	v50 =	vmov s29;
	s29 =	simm.s32 $0xC;
	v42 =	vadd.s32 v29, v33;
	[tilespmem:v48+s6+$0x0] =	vst.idx.msk $0xffff, v3;
	v3 =	vmul.f32 $8.000000000e+00, v54;
	v53 =	vld [tilespmem:s14+$0xFFFFFF20]  }
0x163: {  	v43 =	vmov s29;
	s29 =	simm.s32 $0xD;
	v59 =	vshrl.u32 v50, $0x3;
	v51 =	vadd.s32 v31, v34;
	v54 =	vld [tilespmem:s14+$0xFFFFFF60];
	[tilespmem:v60+s6+$0x0] =	vst.idx.msk $0xffff, v40  }
0x164: {  	v50 =	vadd.s32 v8, v39;
	v38 =	vmov s29;
	s29 =	simm.s32 $0xE;
	v48 =	vld [tilespmem:s14+$0xE0];
	[tilespmem:v52+s6+$0x0] =	vst.idx.msk $0xffff, v3;
	v3 =	vmul.f32 $8.000000000e+00, v56  }
0x165: {  	v45 =	vadd.s32 v13, v9;
	v2 =	vmov s29;
	v44 =	vmul.f32 $8.000000000e+00, v57;
	v57 =	vld [tilespmem:s14+$0xFFFFFFE0]  }
0x166: {  	v58 =	vshrl.u32 v38, $0x3;
	v52 =	vadd.s32 v27, v41;
	v55 =	vld [tilespmem:s14+$0xFFFFFFA0];
	[tilespmem:v62+s6+$0x0] =	vst.idx.msk $0xffff, v3;
	v3 =	vmul.f32 $8.000000000e+00, v63  }
0x167: {  	[tilespmem:v42+s6+$0x0] =	vst.idx.msk $0xffff, v44;
	v42 =	vshrl.u32 v2, $0x3;
	v62 =	vadd.s32 v24, v36;
	v2 =	vmul.f32 $8.000000000e+00, v53  }
0x168: {  	v38 =	vbroadcast v0, $0x0;
	v60 =	vadd.s32 v18, v37;
	v61 =	vld [tilespmem:s14+$0x20];
	v0 =	vmul.f32 $8.000000000e+00, v54;
	[tilespmem:v51+s6+$0x0] =	vst.idx.msk $0xffff, v3  }
0x169: {  	v63 =	vld [tilespmem:s14+$0x60];
	v56 =	vmul.f32 $8.000000000e+00, v48;
	[tilespmem:v50+s6+$0x0] =	vst.idx.msk $0xffff, v2  }
0x16a: {  	v3 =	vadd.s32 v26, v35;
	v40 =	vld [tilespmem:s14+$0xA0];
	[tilespmem:v45+s6+$0x0] =	vst.idx.msk $0xffff, v0;
	v0 =	vmul.f32 $8.000000000e+00, v57  }
0x16b: {  	v12 =	vmov v23;
	[tilespmem:v52+s6+$0x0] =	vst.idx.msk $0xffff, v56;
	v2 =	vmul.f32 $8.000000000e+00, v55;
	v50 =	vld [tilespmem:s14+$0xFFFFFF30]  }
0x16c: {  	v23 =	vmov v6;
	v52 =	vld [tilespmem:s14+$0xFFFFFF70];
	[tilespmem:v62+s6+$0x0] =	vst.idx.msk $0xffff, v0  }
0x16d: {  	v46 =	vshrl.u32 v46, $0x3;
	v6 =	vmovc v7;
	v7 =	vmovc v10;
	v43 =	vshrl.u32 v43, $0x3;
	v56 =	vld [tilespmem:s14+$0xF0];
	[tilespmem:v60+s6+$0x0] =	vst.idx.msk $0xffff, v2;
	v2 =	vmul.f32 $8.000000000e+00, v61  }
0x16e: {  	v10 =	vmovc v12;
	v12 =	vmovc v13;
	v49 =	vshrl.u32 v49, $0x3;
	v47 =	vshll.u32 v46, v1;
	v46 =	vshll.u32 v43, v1;
	v54 =	vld [tilespmem:s14+$0xFFFFFFF0]  }
0x16f: {  	v13 =	vmov v27;
	v43 =	vshll.u32 v58, v1;
	v44 =	vshll.u32 v49, v1;
	v49 =	vld [tilespmem:s14+$0xFFFFFFB0];
	[tilespmem:v3+s6+$0x0] =	vst.idx.msk $0xffff, v2  }
0x170: {  	v53 =	vadd.s32 v30, v41;
	v41 =	vadd.s32 v14, v9;
	v14 =	vmovc v16;
	v55 =	vadd.s32 v20, v33;
	v30 =	vld [tilespmem:$0x1FFC0]  }
0x171: {  	v16 =	vmovc v18;
	v18 =	vmovc v19;
	v19 =	vmov v32;
	v51 =	vadd.s32 v21, v34;
	v48 =	vadd.s32 v15, v39;
	v32 =	vld [tilespmem:$0x1FFD0]  }
0x172: {  	s28 =	simm.s32 $0x10;
	s16 =	simm.s32 $0xF;
	v9 =	vmovc v5;
	v26 =	vmovc v29;
	v45 =	vshll.u32 v59, v1;
	v39 =	vmul.f32 $8.000000000e+00, v63;
	v40 =	vmul.f32 $8.000000000e+00, v40;
	v29 =	vld [tilespmem:$0x1FFE0]  }
.LBB2_5:
0x173: {  	v5 =	vld [tilespmem:$0x1FFB0];
	_ =	sdelay $0x1  }
0x174: {  	v0 =	vmov s16;
	v3 =	vld [tilespmem:s14+$0x30];
	[tilespmem:v55+s6+$0x0] =	vst.idx.msk $0xffff, v39  }
0x175: {  	v2 =	vadd.s32 v4, v37;
	v36 =	vadd.s32 v30, v36;
	[tilespmem:v51+s6+$0x0] =	vst.idx.msk $0xffff, v40;
	v57 =	vld [tilespmem:s14+$0x70];
	v63 =	vmul.f32 $8.000000000e+00, v56  }
0x176: {  	v35 =	vadd.s32 v32, v35;
	v0 =	vshrl.u32 v0, $0x3;
	v59 =	vld [tilespmem:s14+$0xB0];
	v56 =	vmul.f32 $8.000000000e+00, v50  }
0x177: {  	v0 =	vshll.u32 v0, v1;
	s14 =	sadd.s32 $0x200, s14;
	v58 =	vmul.f32 $8.000000000e+00, v52;
	v34 =	vadd.s32 v5, v34;
	v5 =	vld [tilespmem:$0x1FFF0];
	[tilespmem:v53+s6+$0x0] =	vst.idx.msk $0xffff, v63  }
0x178: {  	v33 =	vadd.s32 v29, v33;
	v40 =	vbroadcast v0, $0x0;
	v0 =	vmul.f32 $8.000000000e+00, v49;
	[tilespmem:v48+s6+$0x0] =	vst.idx.msk $0xffff, v56;
	v53 =	vld [tilespmem:s14+$0xC0]  }
0x179: {  	v42 =	vshll.u32 v42, v1;
	v39 =	vmov v38;
	v61 =	vmul.f32 $8.000000000e+00, v54;
	[tilespmem:v41+s6+$0x0] =	vst.idx.msk $0xffff, v58;
	v38 =	vld [tilespmem:s14+$0xFFFFFF00]  }
0x17a: {  	v41 =	vbroadcast v47, $0x0;
	v63 =	vadd.s32 v17, v40;
	[tilespmem:v2+s6+$0x0] =	vst.idx.msk $0xffff, v0;
	v0 =	vmul.f32 $8.000000000e+00, v3;
	v62 =	vld [tilespmem:s14+$0xFFFFFF40]  }
0x17b: {  	v37 =	vbroadcast v44, $0x0;
	v2 =	vadd.s32 v6, v39;
	[tilespmem:v36+s6+$0x0] =	vst.idx.msk $0xffff, v61;
	v3 =	vld [tilespmem:s14+$0xFFFFFF80];
	v60 =	vmul.f32 $8.000000000e+00, v57  }
0x17c: {  	v36 =	vbroadcast v45, $0x0;
	v61 =	vld [tilespmem:s14+$0xFFFFFFC0];
	v48 =	vadd.s32 v10, v41;
	[tilespmem:v35+s6+$0x0] =	vst.idx.msk $0xffff, v0;
	v0 =	vmul.f32 $8.000000000e+00, v59  }
0x17d: {  	v45 =	vadd.s32 v14, v37;
	v35 =	vbroadcast v46, $0x0;
	v51 =	vld [tilespmem:s14+$0x0];
	[tilespmem:v33+s6+$0x0] =	vst.idx.msk $0xffff, v60;
	v56 =	vmul.f32 $8.000000000e+00, v53  }
0x17e: {  	v44 =	vadd.s32 v18, v36;
	v33 =	vbroadcast v43, $0x0;
	v57 =	vld [tilespmem:s14+$0x40];
	[tilespmem:v34+s6+$0x0] =	vst.idx.msk $0xffff, v0;
	v38 =	vmul.f32 $8.000000000e+00, v38  }
0x17f: {  	v58 =	vadd.s32 v22, v35;
	v34 =	vbroadcast v42, $0x0;
	v59 =	vld [tilespmem:s14+$0x80];
	v0 =	vmul.f32 $8.000000000e+00, v62;
	[tilespmem:v63+s6+$0x0] =	vst.idx.msk $0xffff, v56  }
0x180: {  	[tilespmem:v2+s6+$0x0] =	vst.idx.msk $0xffff, v38;
	v2 =	vmul.f32 $8.000000000e+00, v3;
	v3 =	vadd.s32 v28, v33;
	v63 =	vld [tilespmem:s14+$0xD0]  }
0x181: {  	v47 =	vadd.s32 v9, v34;
	[tilespmem:v48+s6+$0x0] =	vst.idx.msk $0xffff, v0;
	v0 =	vmul.f32 $8.000000000e+00, v61;
	v60 =	vld [tilespmem:s14+$0xFFFFFF10]  }
0x182: {  	v62 =	vmov s28;
	v61 =	vld [tilespmem:s14+$0xFFFFFF50];
	[tilespmem:v45+s6+$0x0] =	vst.idx.msk $0xffff, v2;
	v2 =	vmul.f32 $8.000000000e+00, v51;
	v45 =	vadd.s32 v5, v40  }
0x183: {  	v53 =	vadd.s32 v7, v39;
	v42 =	vshrl.u32 v62, $0x3;
	[tilespmem:v44+s6+$0x0] =	vst.idx.msk $0xffff, v0;
	v0 =	vmul.f32 $8.000000000e+00, v57;
	v62 =	vld [tilespmem:s14+$0xFFFFFF90]  }
0x184: {  	v21 =	vld [tilespmem:$0x1FF80];
	v52 =	vadd.s32 v11, v41;
	[tilespmem:v58+s6+$0x0] =	vst.idx.msk $0xffff, v2;
	v2 =	vmul.f32 $8.000000000e+00, v59  }
0x185: {  	v49 =	vadd.s32 v25, v37;
	v55 =	vld [tilespmem:s14+$0xFFFFFFD0];
	[tilespmem:v3+s6+$0x0] =	vst.idx.msk $0xffff, v0;
	v0 =	vmul.f32 $8.000000000e+00, v63  }
0x186: {  	v56 =	vld [tilespmem:s14+$0x10];
	v63 =	vmul.f32 $8.000000000e+00, v60;
	[tilespmem:v47+s6+$0x0] =	vst.idx.msk $0xffff, v2  }
0x187: {  	s29 =	sadd.s32 $0x1, s28;
	v60 =	vadd.s32 v19, v36;
	v57 =	vld [tilespmem:s14+$0x50];
	v61 =	vmul.f32 $8.000000000e+00, v61;
	[tilespmem:v45+s6+$0x0] =	vst.idx.msk $0xffff, v0  }
0x188: {  	v48 =	vmov s29;
	s29 =	sadd.s32 $0x2, s28;
	v58 =	vld [tilespmem:s14+$0x90];
	[tilespmem:v53+s6+$0x0] =	vst.idx.msk $0xffff, v63;
	v62 =	vmul.f32 $8.000000000e+00, v62  }
0x189: {  	v51 =	vmov s29;
	s29 =	sadd.s32 $0x3, s28;
	v0 =	vshll.u32 v42, v1;
	v42 =	vadd.s32 v26, v33;
	[tilespmem:v52+s6+$0x0] =	vst.idx.msk $0xffff, v61;
	v53 =	vld [tilespmem:s14+$0xFFFFFF20]  }
0x18a: {  	v50 =	vadd.s32 v23, v35;
	v44 =	vmov s29;
	s29 =	sadd.s32 $0x4, s28;
	v63 =	vmul.f32 $8.000000000e+00, v55;
	v54 =	vld [tilespmem:s14+$0xFFFFFF60];
	[tilespmem:v49+s6+$0x0] =	vst.idx.msk $0xffff, v62  }
0x18b: {  	v43 =	vmov s29;
	s29 =	sadd.s32 $0x5, s28;
	v59 =	vshrl.u32 v44, $0x3;
	v44 =	vadd.s32 v8, v39;
	v55 =	vld [tilespmem:s14+$0xFFFFFFA0]  }
0x18c: {  	v27 =	vmovc v4;
	v4 =	vld [tilespmem:$0x1FF90];
	v3 =	vmov s29;
	s29 =	sadd.s32 $0x6, s28;
	v52 =	vadd.s32 v31, v34;
	[tilespmem:v60+s6+$0x0] =	vst.idx.msk $0xffff, v63;
	v46 =	vmul.f32 $8.000000000e+00, v57  }
0x18d: {  	v2 =	vmov s29;
	v38 =	vmul.f32 $8.000000000e+00, v56;
	v57 =	vadd.s32 v12, v41;
	v60 =	vld [tilespmem:s14+$0xFFFFFFE0]  }
0x18e: {  	v45 =	vld [tilespmem:s14+$0xE0];
	v49 =	vadd.s32 v13, v40;
	[tilespmem:v42+s6+$0x0] =	vst.idx.msk $0xffff, v46;
	v42 =	vshrl.u32 v2, $0x3;
	v2 =	vmul.f32 $8.000000000e+00, v53  }
0x18f: {  	v20 =	vld [tilespmem:$0x1FEC0];
	v62 =	vadd.s32 v24, v36;
	[tilespmem:v50+s6+$0x0] =	vst.idx.msk $0xffff, v38;
	v50 =	vmul.f32 $8.000000000e+00, v58;
	v38 =	vbroadcast v0, $0x0  }
0x190: {  	v0 =	vmul.f32 $8.000000000e+00, v54;
	[tilespmem:v44+s6+$0x0] =	vst.idx.msk $0xffff, v2;
	v2 =	vmul.f32 $8.000000000e+00, v55;
	v55 =	vadd.s32 v21, v33;
	v21 =	vld [tilespmem:$0x1FF70]  }
0x191: {  	v61 =	vld [tilespmem:s14+$0x20];
	[tilespmem:v52+s6+$0x0] =	vst.idx.msk $0xffff, v50  }
0x192: {  	v58 =	vadd.s32 v16, v37;
	v63 =	vld [tilespmem:s14+$0x60];
	[tilespmem:v57+s6+$0x0] =	vst.idx.msk $0xffff, v0;
	v0 =	vmul.f32 $8.000000000e+00, v60  }
0x193: {  	v45 =	vmul.f32 $8.000000000e+00, v45;
	v5 =	vld [tilespmem:s14+$0xA0]  }
0x194: {  	v4 =	vadd.s32 v4, v35;
	v51 =	vshrl.u32 v51, $0x3;
	[tilespmem:v62+s6+$0x0] =	vst.idx.msk $0xffff, v0;
	v0 =	vld [tilespmem:$0x1FF50]  }
0x195: {  	p2 =	slt.u32 s28, $0x78;
	[tilespmem:v49+s6+$0x0] =	vst.idx.msk $0xffff, v45;
	v44 =	vshll.u32 v51, v1;
	v51 =	vadd.s32 v21, v34;
	v21 =	vld [tilespmem:$0x1FF60]  }
.Ltmp3:
0x196: {  	v48 =	vshrl.u32 v48, $0x3;
	v56 =	vld [tilespmem:s14+$0xF0];
	(pc) =	sbr.rel @p2 .LBB2_5-.Ltmp3, $4  }
0x197: {  	v43 =	vshrl.u32 v43, $0x3;
	v3 =	vshrl.u32 v3, $0x3;
	v50 =	vld [tilespmem:s14+$0xFFFFFF30];
	[tilespmem:v58+s6+$0x0] =	vst.idx.msk $0xffff, v2;
	v2 =	vmul.f32 $8.000000000e+00, v61  }
0x198: {  	v47 =	vshll.u32 v48, v1;
	v46 =	vshll.u32 v43, v1;
	v43 =	vshll.u32 v3, v1;
	v52 =	vld [tilespmem:s14+$0xFFFFFF70]  }
0x199: {  	v53 =	vadd.s32 v20, v40;
	v45 =	vshll.u32 v59, v1;
	v49 =	vld [tilespmem:s14+$0xFFFFFFB0];
	[tilespmem:v4+s6+$0x0] =	vst.idx.msk $0xffff, v2;
	v40 =	vmul.f32 $8.000000000e+00, v5  }
0x19a: {  	s16 =	sadd.s32 $0x7, s28;
	s28 =	sadd.s32 $0x8, s28;
	v54 =	vld [tilespmem:s14+$0xFFFFFFF0];
	v4 =	vmovc v27;
	v41 =	vadd.s32 v0, v41;
	v48 =	vadd.s32 v21, v39;
	v39 =	vmul.f32 $8.000000000e+00, v63  }
0x19b: {  	_ =	sdelay $0x3  }
0x19c: {  	v2 =	vadd.s32 v4, v37;
	v57 =	vmov v4;
	v4 =	vmul.f32 $8.000000000e+00, v56;
	[tilespmem:v51+s6+$0x0] =	vst.idx.msk $0xffff, v40  }
0x19d: {  	[tilespmem:v55+s6+$0x0] =	vst.idx.msk $0xffff, v39;
	v5 =	vmul.f32 $8.000000000e+00, v50  }
0x19e: {  	v56 =	vmul.f32 $8.000000000e+00, v52;
	[tilespmem:v53+s6+$0x0] =	vst.idx.msk $0xffff, v4  }
0x19f: {  	v0 =	vmov s16;
	v3 =	vld [tilespmem:s14+$0x30];
	[tilespmem:v48+s6+$0x0] =	vst.idx.msk $0xffff, v5  }
0x1a0: {  	v0 =	vshrl.u32 v0, $0x3;
	v55 =	vld [tilespmem:s14+$0x70];
	[tilespmem:v41+s6+$0x0] =	vst.idx.msk $0xffff, v56  }
0x1a1: {  	v36 =	vadd.s32 v30, v36;
	s29 =	sadd.s32 $0x200, s14;
	v0 =	vshll.u32 v0, v1;
	v21 =	vld [tilespmem:$0x1FFB0]  }
0x1a2: {  	v35 =	vadd.s32 v32, v35;
	v4 =	vld [tilespmem:s29+$0xC0];
	v0 =	vbroadcast v0, $0x0  }
0x1a3: {  	v33 =	vadd.s32 v29, v33;
	v58 =	vld [tilespmem:s29+$0xFFFFFF00];
	v5 =	vmul.f32 $8.000000000e+00, v49  }
0x1a4: {  	v40 =	vld [tilespmem:s14+$0xB0];
	v59 =	vmul.f32 $8.000000000e+00, v54;
	v61 =	vadd.s32 v17, v0  }
0x1a5: {  	v44 =	vbroadcast v44, $0x0;
	[tilespmem:v2+s6+$0x0] =	vst.idx.msk $0xffff, v5;
	v2 =	vmul.f32 $8.000000000e+00, v3;
	v3 =	vadd.s32 v6, v38;
	v5 =	vld [tilespmem:s29+$0xFFFFFF80]  }
0x1a6: {  	v47 =	vbroadcast v47, $0x0;
	v60 =	vld [tilespmem:s29+$0xFFFFFF40];
	[tilespmem:v36+s6+$0x0] =	vst.idx.msk $0xffff, v59;
	v62 =	vmul.f32 $8.000000000e+00, v55;
	v34 =	vadd.s32 v21, v34  }
0x1a7: {  	v53 =	vadd.s32 v14, v44;
	[tilespmem:v35+s6+$0x0] =	vst.idx.msk $0xffff, v2;
	v4 =	vmul.f32 $8.000000000e+00, v4  }
0x1a8: {  	v63 =	vadd.s32 v10, v47;
	v55 =	vmul.f32 $8.000000000e+00, v58;
	[tilespmem:v33+s6+$0x0] =	vst.idx.msk $0xffff, v62  }
0x1a9: {  	v2 =	vmul.f32 $8.000000000e+00, v40;
	[tilespmem:v61+s6+$0x0] =	vst.idx.msk $0xffff, v4  }
0x1aa: {  	[tilespmem:v3+s6+$0x0] =	vst.idx.msk $0xffff, v55;
	v3 =	vmul.f32 $8.000000000e+00, v5  }
0x1ab: {  	v52 =	vld [tilespmem:s29+$0xFFFFFFC0];
	[tilespmem:v34+s6+$0x0] =	vst.idx.msk $0xffff, v2;
	v2 =	vmul.f32 $8.000000000e+00, v60  }
0x1ac: {  	v45 =	vbroadcast v45, $0x0;
	v54 =	vld [tilespmem:s29+$0x0];
	[tilespmem:v53+s6+$0x0] =	vst.idx.msk $0xffff, v3  }
0x1ad: {  	v46 =	vbroadcast v46, $0x0;
	v56 =	vld [tilespmem:s29+$0x40];
	[tilespmem:v63+s6+$0x0] =	vst.idx.msk $0xffff, v2  }
0x1ae: {  	v42 =	vshll.u32 v42, v1;
	v43 =	vbroadcast v43, $0x0;
	v36 =	vadd.s32 v18, v45;
	v63 =	vld [tilespmem:$0x1FFF0]  }
0x1af: {  	v42 =	vbroadcast v42, $0x0;
	v59 =	vld [tilespmem:s29+$0x80];
	v58 =	vadd.s32 v22, v46  }
0x1b0: {  	v4 =	vadd.s32 v28, v43;
	v33 =	vld [tilespmem:s29+$0xFFFFFF10]  }
0x1b1: {  	v37 =	vadd.s32 v9, v42;
	v5 =	vld [tilespmem:s29+$0xD0];
	v2 =	vmul.f32 $8.000000000e+00, v52  }
0x1b2: {  	v3 =	vmul.f32 $8.000000000e+00, v54;
	v54 =	vadd.s32 v7, v38;
	v52 =	vld [tilespmem:s29+$0xFFFFFF50]  }
0x1b3: {  	v55 =	vld [tilespmem:s29+$0xFFFFFF90];
	[tilespmem:v36+s6+$0x0] =	vst.idx.msk $0xffff, v2;
	v2 =	vmul.f32 $8.000000000e+00, v56;
	v53 =	vadd.s32 v63, v0  }
0x1b4: {  	[tilespmem:v58+s6+$0x0] =	vst.idx.msk $0xffff, v3;
	v3 =	vmul.f32 $8.000000000e+00, v59;
	v36 =	vadd.s32 v11, v47;
	v56 =	vld [tilespmem:s29+$0xFFFFFFD0]  }
0x1b5: {  	v58 =	vadd.s32 v25, v44;
	v59 =	vld [tilespmem:s29+$0x10];
	[tilespmem:v4+s6+$0x0] =	vst.idx.msk $0xffff, v2;
	v4 =	vmul.f32 $8.000000000e+00, v33  }
0x1b6: {  	[tilespmem:v37+s6+$0x0] =	vst.idx.msk $0xffff, v3;
	v2 =	vmul.f32 $8.000000000e+00, v5;
	v5 =	vadd.s32 v19, v45;
	v60 =	vld [tilespmem:s29+$0x50]  }
0x1b7: {  	v61 =	vadd.s32 v23, v46;
	v62 =	vld [tilespmem:s29+$0x90];
	v3 =	vmul.f32 $8.000000000e+00, v52;
	[tilespmem:v54+s6+$0x0] =	vst.idx.msk $0xffff, v4  }
0x1b8: {  	v4 =	vadd.s32 v26, v43;
	v40 =	vld [tilespmem:s29+$0xFFFFFF20];
	[tilespmem:v53+s6+$0x0] =	vst.idx.msk $0xffff, v2;
	v2 =	vmul.f32 $8.000000000e+00, v55  }
0x1b9: {  	[tilespmem:v36+s6+$0x0] =	vst.idx.msk $0xffff, v3;
	v3 =	vmul.f32 $8.000000000e+00, v56;
	v55 =	vadd.s32 v31, v42;
	v35 =	vld [tilespmem:s29+$0xE0]  }
0x1ba: {  	v41 =	vadd.s32 v8, v38;
	v56 =	vld [tilespmem:s29+$0xFFFFFF60];
	[tilespmem:v58+s6+$0x0] =	vst.idx.msk $0xffff, v2;
	v2 =	vmul.f32 $8.000000000e+00, v59  }
0x1bb: {  	v34 =	vadd.s32 v13, v0;
	[tilespmem:v5+s6+$0x0] =	vst.idx.msk $0xffff, v3;
	v3 =	vmul.f32 $8.000000000e+00, v60;
	v49 =	vld [tilespmem:s29+$0xFFFFFFA0]  }
0x1bc: {  	v5 =	vadd.s32 v12, v47;
	[tilespmem:v61+s6+$0x0] =	vst.idx.msk $0xffff, v2;
	v2 =	vmul.f32 $8.000000000e+00, v62  }
0x1bd: {  	v37 =	vadd.s32 v16, v44;
	[tilespmem:v4+s6+$0x0] =	vst.idx.msk $0xffff, v3;
	v4 =	vmul.f32 $8.000000000e+00, v40  }
0x1be: {  	v58 =	vld [tilespmem:s29+$0xFFFFFFE0];
	v3 =	vmul.f32 $8.000000000e+00, v35;
	[tilespmem:v55+s6+$0x0] =	vst.idx.msk $0xffff, v2  }
0x1bf: {  	v2 =	vmul.f32 $8.000000000e+00, v56;
	v62 =	vld [tilespmem:$0x1FF90];
	[tilespmem:v41+s6+$0x0] =	vst.idx.msk $0xffff, v4  }
0x1c0: {  	v59 =	vld [tilespmem:s29+$0x20];
	[tilespmem:v34+s6+$0x0] =	vst.idx.msk $0xffff, v3;
	v3 =	vmul.f32 $8.000000000e+00, v49  }
0x1c1: {  	v4 =	vld [tilespmem:$0x1FF80];
	[tilespmem:v5+s6+$0x0] =	vst.idx.msk $0xffff, v2  }
0x1c2: {  	v53 =	vadd.s32 v24, v45;
	v5 =	vld [tilespmem:$0x1FF70];
	[tilespmem:v37+s6+$0x0] =	vst.idx.msk $0xffff, v3  }
0x1c3: {  	v20 =	vmov v24;
	v24 =	vmov v28;
	v28 =	vld [tilespmem:$0x1FF60]  }
0x1c4: {  	v54 =	vld [tilespmem:s29+$0x60]  }
0x1c5: {  	v15 =	vmov v25;
	v2 =	vmul.f32 $8.000000000e+00, v58;
	v25 =	vld [tilespmem:$0x1FEC0]  }
0x1c6: {  	v56 =	vld [tilespmem:s29+$0xA0];
	v55 =	vadd.s32 v62, v46  }
0x1c7: {  	v34 =	vld [tilespmem:s29+$0xF0];
	[tilespmem:v53+s6+$0x0] =	vst.idx.msk $0xffff, v2;
	v4 =	vadd.s32 v4, v43  }
0x1c8: {  	v3 =	vmul.f32 $8.000000000e+00, v59;
	v5 =	vadd.s32 v5, v42;
	v59 =	vadd.s32 v28, v38;
	v28 =	vld [tilespmem:$0x1FF50]  }
0x1c9: {  	v41 =	vld [tilespmem:s29+$0xFFFFFF30]  }
0x1ca: {  	v60 =	vld [tilespmem:s29+$0xFFFFFFB0];
	v2 =	vmul.f32 $8.000000000e+00, v54;
	v0 =	vadd.s32 v25, v0  }
0x1cb: {  	v58 =	vld [tilespmem:s29+$0xFFFFFF70];
	[tilespmem:v55+s6+$0x0] =	vst.idx.msk $0xffff, v3;
	v3 =	vmul.f32 $8.000000000e+00, v56  }
0x1cc: {  	v48 =	vadd.s32 v57, v44;
	v52 =	vmovc v26;
	v26 =	vmov v31;
	v31 =	vmov v7;
	v49 =	vld [tilespmem:s29+$0x30];
	[tilespmem:v4+s6+$0x0] =	vst.idx.msk $0xffff, v2  }
0x1cd: {  	v7 =	vmovc v11;
	v11 =	vmov v15;
	v2 =	vmul.f32 $8.000000000e+00, v34;
	[tilespmem:v5+s6+$0x0] =	vst.idx.msk $0xffff, v3;
	v61 =	vadd.s32 v28, v47;
	v47 =	vld [tilespmem:s29+$0xFFFFFFF0]  }
0x1ce: {  	v15 =	vmovc v19;
	v19 =	vmovc v23;
	v23 =	vmov v52;
	v4 =	vmul.f32 $8.000000000e+00, v41;
	v5 =	vadd.s32 v32, v46;
	v52 =	vld [tilespmem:s29+$0xB0]  }
0x1cf: {  	v50 =	vadd.s32 v30, v45;
	v51 =	vld [tilespmem:s29+$0x70];
	[tilespmem:v0+s6+$0x0] =	vst.idx.msk $0xffff, v2;
	v0 =	vmul.f32 $8.000000000e+00, v60  }
0x1d0: {  	v3 =	vmul.f32 $8.000000000e+00, v58;
	[tilespmem:v59+s6+$0x0] =	vst.idx.msk $0xffff, v4;
	v4 =	vadd.s32 v21, v42  }
0x1d1: {  	v2 =	vadd.s32 v29, v43;
	[tilespmem:v48+s6+$0x0] =	vst.idx.msk $0xffff, v0;
	v0 =	vmul.f32 $8.000000000e+00, v49  }
0x1d2: {  	[tilespmem:v61+s6+$0x0] =	vst.idx.msk $0xffff, v3;
	v3 =	vmul.f32 $8.000000000e+00, v47  }
0x1d3: {  	[tilespmem:v5+s6+$0x0] =	vst.idx.msk $0xffff, v0;
	v0 =	vmul.f32 $8.000000000e+00, v52  }
0x1d4: {  	s16 =	sor.u32 $0x1, s19;
	[tilespmem:v50+s6+$0x0] =	vst.idx.msk $0xffff, v3;
	v3 =	vmul.f32 $8.000000000e+00, v51  }
0x1d5: {  	s14 =	sadd.s32 s5, s16;
	[tilespmem:v4+s6+$0x0] =	vst.idx.msk $0xffff, v0  }
0x1d6: {  	s16 =	simm.s32 @!p0 $0x6;
	s28 =	sshll.u32 s14, $0xA;
	s14 =	sshll.u32 s14, $0x7;
	[tilespmem:v2+s6+$0x0] =	vst.idx.msk $0xffff, v3  }
0x1d7: {  	s28 =	sand.u32 $0x7FFF8000, s28;
	s14 =	sand.u32 $0xE80, s14;
	_ =	swait.ge @!p0 [sflag:s16], $0x2000  }
0x1d8: {  	s14 =	sor.u32 s14, s28;
	[sflag:s16] =	ssyncset.done @!p0 $0x0  }
0x1d9: {  	[sflag:s16] =	ssyncadd.s32 @!p0 $0xFFFFE000;
	s16 =	sadd.s32 s2, s14  }
0x1da: {  	[hbm4b:s16+s3] =	stream.linear.scatter [tilespmem:s6], [sflag:$0x6], $0x80, $0x38;
	[tilespmem:$0x16C00] =	vst v63  }
0x1db: {  	s29 =	simm.s32 $0x10688;
	s28 =	sadd.s32 $0x10, s16  }
0x1dc: {  	[hbm4b:s28+s3] =	stream.linear.scatter [tilespmem:s29], [sflag:$0x6], $0x80, $0x38;
	[tilespmem:$0x16C00] =	vst v63  }
0x1dd: {  	s28 =	sadd.s32 $0x20, s16;
	s29 =	simm.s32 $0x10710  }
0x1de: {  	[hbm4b:s28+s3] =	stream.linear.scatter [tilespmem:s29], [sflag:$0x6], $0x80, $0x38;
	[tilespmem:$0x16C00] =	vst v63  }
0x1df: {  	s28 =	sadd.s32 $0x30, s16;
	s29 =	simm.s32 $0x10798  }
0x1e0: {  	[hbm4b:s28+s3] =	stream.linear.scatter [tilespmem:s29], [sflag:$0x6], $0x80, $0x38;
	[tilespmem:$0x16C00] =	vst v63  }
0x1e1: {  	s28 =	sadd.s32 $0x40, s16;
	s29 =	simm.s32 $0x10820  }
0x1e2: {  	[hbm4b:s28+s3] =	stream.linear.scatter [tilespmem:s29], [sflag:$0x6], $0x80, $0x38;
	[tilespmem:$0x16C00] =	vst v63  }
0x1e3: {  	s28 =	sadd.s32 $0x50, s16;
	s29 =	simm.s32 $0x108A8  }
0x1e4: {  	[hbm4b:s28+s3] =	stream.linear.scatter [tilespmem:s29], [sflag:$0x6], $0x80, $0x38;
	[tilespmem:$0x16C00] =	vst v63  }
0x1e5: {  	s28 =	sadd.s32 $0x60, s16;
	s29 =	simm.s32 $0x10930  }
0x1e6: {  	[hbm4b:s28+s3] =	stream.linear.scatter [tilespmem:s29], [sflag:$0x6], $0x80, $0x38;
	[tilespmem:$0x16C00] =	vst v63  }
0x1e7: {  	s16 =	sadd.s32 $0x70, s16;
	s28 =	simm.s32 $0x109B8  }
0x1e8: {  	[hbm4b:s16+s3] =	stream.linear.scatter [tilespmem:s28], [sflag:$0x6], $0x80, $0x38;
	[tilespmem:$0x16C00] =	vst v63  }
0x1e9: {  	s16 =	sadd.s32 s14, s7;
	s28 =	simm.s32 $0x10A40  }
0x1ea: {  	[hbm4b:s16+s3] =	stream.linear.scatter [tilespmem:s28], [sflag:$0x6], $0x80, $0x38;
	[tilespmem:$0x16C00] =	vst v63  }
0x1eb: {  	s29 =	simm.s32 $0x10AC8;
	s28 =	sadd.s32 $0x10, s16  }
0x1ec: {  	[hbm4b:s28+s3] =	stream.linear.scatter [tilespmem:s29], [sflag:$0x6], $0x80, $0x38;
	[tilespmem:$0x16C00] =	vst v63  }
0x1ed: {  	s28 =	sadd.s32 $0x20, s16;
	s29 =	simm.s32 $0x10B50  }
0x1ee: {  	[hbm4b:s28+s3] =	stream.linear.scatter [tilespmem:s29], [sflag:$0x6], $0x80, $0x38;
	[tilespmem:$0x16C00] =	vst v63  }
0x1ef: {  	s28 =	sadd.s32 $0x30, s16;
	s29 =	simm.s32 $0x10BD8  }
0x1f0: {  	[hbm4b:s28+s3] =	stream.linear.scatter [tilespmem:s29], [sflag:$0x6], $0x80, $0x38;
	[tilespmem:$0x16C00] =	vst v63  }
0x1f1: {  	s28 =	sadd.s32 $0x40, s16;
	s29 =	simm.s32 $0x10C60  }
0x1f2: {  	[hbm4b:s28+s3] =	stream.linear.scatter [tilespmem:s29], [sflag:$0x6], $0x80, $0x38;
	[tilespmem:$0x16C00] =	vst v63  }
0x1f3: {  	s28 =	sadd.s32 $0x50, s16;
	s29 =	simm.s32 $0x10CE8  }
0x1f4: {  	[hbm4b:s28+s3] =	stream.linear.scatter [tilespmem:s29], [sflag:$0x6], $0x80, $0x38;
	[tilespmem:$0x16C00] =	vst v63  }
0x1f5: {  	s28 =	sadd.s32 $0x60, s16;
	s29 =	simm.s32 $0x10D70  }
0x1f6: {  	[hbm4b:s28+s3] =	stream.linear.scatter [tilespmem:s29], [sflag:$0x6], $0x80, $0x38;
	[tilespmem:$0x16C00] =	vst v63  }
0x1f7: {  	s16 =	sadd.s32 $0x70, s16;
	s28 =	simm.s32 $0x10DF8  }
0x1f8: {  	[hbm4b:s16+s3] =	stream.linear.scatter [tilespmem:s28], [sflag:$0x6], $0x80, $0x38;
	[tilespmem:$0x16C00] =	vst v63  }
0x1f9: {  	s16 =	sadd.s32 s14, s8;
	s28 =	simm.s32 $0x10E80  }
0x1fa: {  	[hbm4b:s16+s3] =	stream.linear.scatter [tilespmem:s28], [sflag:$0x6], $0x80, $0x38;
	[tilespmem:$0x16C00] =	vst v63  }
0x1fb: {  	s29 =	simm.s32 $0x10F08;
	s28 =	sadd.s32 $0x10, s16  }
0x1fc: {  	[hbm4b:s28+s3] =	stream.linear.scatter [tilespmem:s29], [sflag:$0x6], $0x80, $0x38;
	[tilespmem:$0x16C00] =	vst v63  }
0x1fd: {  	s28 =	sadd.s32 $0x20, s16;
	s29 =	simm.s32 $0x10F90  }
0x1fe: {  	[hbm4b:s28+s3] =	stream.linear.scatter [tilespmem:s29], [sflag:$0x6], $0x80, $0x38;
	[tilespmem:$0x16C00] =	vst v63  }
0x1ff: {  	s28 =	sadd.s32 $0x30, s16;
	s29 =	simm.s32 $0x11018  }
0x200: {  	[hbm4b:s28+s3] =	stream.linear.scatter [tilespmem:s29], [sflag:$0x6], $0x80, $0x38;
	[tilespmem:$0x16C00] =	vst v63  }
0x201: {  	s28 =	sadd.s32 $0x40, s16;
	s29 =	simm.s32 $0x110A0  }
0x202: {  	[hbm4b:s28+s3] =	stream.linear.scatter [tilespmem:s29], [sflag:$0x6], $0x80, $0x38;
	[tilespmem:$0x16C00] =	vst v63  }
0x203: {  	s28 =	sadd.s32 $0x50, s16;
	s29 =	simm.s32 $0x11128  }
0x204: {  	[hbm4b:s28+s3] =	stream.linear.scatter [tilespmem:s29], [sflag:$0x6], $0x80, $0x38;
	[tilespmem:$0x16C00] =	vst v63  }
0x205: {  	s28 =	sadd.s32 $0x60, s16;
	s29 =	simm.s32 $0x111B0  }
0x206: {  	[hbm4b:s28+s3] =	stream.linear.scatter [tilespmem:s29], [sflag:$0x6], $0x80, $0x38;
	[tilespmem:$0x16C00] =	vst v63  }
0x207: {  	s16 =	sadd.s32 $0x70, s16;
	s28 =	simm.s32 $0x11238  }
0x208: {  	[hbm4b:s16+s3] =	stream.linear.scatter [tilespmem:s28], [sflag:$0x6], $0x80, $0x38;
	[tilespmem:$0x16C00] =	vst v63  }
0x209: {  	s16 =	sadd.s32 s14, s9;
	s28 =	simm.s32 $0x112C0  }
0x20a: {  	[hbm4b:s16+s3] =	stream.linear.scatter [tilespmem:s28], [sflag:$0x6], $0x80, $0x38;
	[tilespmem:$0x16C00] =	vst v63  }
0x20b: {  	s29 =	simm.s32 $0x11348;
	s28 =	sadd.s32 $0x10, s16  }
0x20c: {  	[hbm4b:s28+s3] =	stream.linear.scatter [tilespmem:s29], [sflag:$0x6], $0x80, $0x38;
	[tilespmem:$0x16C00] =	vst v63  }
0x20d: {  	s28 =	sadd.s32 $0x20, s16;
	s29 =	simm.s32 $0x113D0  }
0x20e: {  	[hbm4b:s28+s3] =	stream.linear.scatter [tilespmem:s29], [sflag:$0x6], $0x80, $0x38;
	[tilespmem:$0x16C00] =	vst v63  }
0x20f: {  	s28 =	sadd.s32 $0x30, s16;
	s29 =	simm.s32 $0x11458  }
0x210: {  	[hbm4b:s28+s3] =	stream.linear.scatter [tilespmem:s29], [sflag:$0x6], $0x80, $0x38;
	[tilespmem:$0x16C00] =	vst v63  }
0x211: {  	s28 =	sadd.s32 $0x40, s16;
	s29 =	simm.s32 $0x114E0  }
0x212: {  	[hbm4b:s28+s3] =	stream.linear.scatter [tilespmem:s29], [sflag:$0x6], $0x80, $0x38;
	[tilespmem:$0x16C00] =	vst v63  }
0x213: {  	s28 =	sadd.s32 $0x50, s16;
	s29 =	simm.s32 $0x11568  }
0x214: {  	[hbm4b:s28+s3] =	stream.linear.scatter [tilespmem:s29], [sflag:$0x6], $0x80, $0x38;
	[tilespmem:$0x16C00] =	vst v63  }
0x215: {  	s28 =	sadd.s32 $0x60, s16;
	s29 =	simm.s32 $0x115F0  }
0x216: {  	[hbm4b:s28+s3] =	stream.linear.scatter [tilespmem:s29], [sflag:$0x6], $0x80, $0x38;
	[tilespmem:$0x16C00] =	vst v63  }
0x217: {  	s16 =	sadd.s32 $0x70, s16;
	s28 =	simm.s32 $0x11678  }
0x218: {  	[hbm4b:s16+s3] =	stream.linear.scatter [tilespmem:s28], [sflag:$0x6], $0x80, $0x38;
	[tilespmem:$0x16C00] =	vst v63  }
0x219: {  	s16 =	sadd.s32 s14, s10;
	s28 =	simm.s32 $0x11700  }
0x21a: {  	[hbm4b:s16+s3] =	stream.linear.scatter [tilespmem:s28], [sflag:$0x6], $0x80, $0x38;
	[tilespmem:$0x16C00] =	vst v63  }
0x21b: {  	s29 =	simm.s32 $0x11788;
	s28 =	sadd.s32 $0x10, s16  }
0x21c: {  	[hbm4b:s28+s3] =	stream.linear.scatter [tilespmem:s29], [sflag:$0x6], $0x80, $0x38;
	[tilespmem:$0x16C00] =	vst v63  }
0x21d: {  	s28 =	sadd.s32 $0x20, s16;
	s29 =	simm.s32 $0x11810  }
0x21e: {  	[hbm4b:s28+s3] =	stream.linear.scatter [tilespmem:s29], [sflag:$0x6], $0x80, $0x38;
	[tilespmem:$0x16C00] =	vst v63  }
0x21f: {  	s28 =	sadd.s32 $0x30, s16;
	s29 =	simm.s32 $0x11898  }
0x220: {  	[hbm4b:s28+s3] =	stream.linear.scatter [tilespmem:s29], [sflag:$0x6], $0x80, $0x38;
	[tilespmem:$0x16C00] =	vst v63  }
0x221: {  	s28 =	sadd.s32 $0x40, s16;
	s29 =	simm.s32 $0x11920  }
0x222: {  	[hbm4b:s28+s3] =	stream.linear.scatter [tilespmem:s29], [sflag:$0x6], $0x80, $0x38;
	[tilespmem:$0x16C00] =	vst v63  }
0x223: {  	s28 =	sadd.s32 $0x50, s16;
	s29 =	simm.s32 $0x119A8  }
0x224: {  	[hbm4b:s28+s3] =	stream.linear.scatter [tilespmem:s29], [sflag:$0x6], $0x80, $0x38;
	[tilespmem:$0x16C00] =	vst v63  }
0x225: {  	s28 =	sadd.s32 $0x60, s16;
	s29 =	simm.s32 $0x11A30  }
0x226: {  	[hbm4b:s28+s3] =	stream.linear.scatter [tilespmem:s29], [sflag:$0x6], $0x80, $0x38;
	[tilespmem:$0x16C00] =	vst v63  }
0x227: {  	s16 =	sadd.s32 $0x70, s16;
	s28 =	simm.s32 $0x11AB8  }
0x228: {  	[hbm4b:s16+s3] =	stream.linear.scatter [tilespmem:s28], [sflag:$0x6], $0x80, $0x38;
	[tilespmem:$0x16C00] =	vst v63  }
0x229: {  	s16 =	sadd.s32 s14, s11;
	s28 =	simm.s32 $0x11B40  }
0x22a: {  	[hbm4b:s16+s3] =	stream.linear.scatter [tilespmem:s28], [sflag:$0x6], $0x80, $0x38;
	[tilespmem:$0x16C00] =	vst v63  }
0x22b: {  	s29 =	simm.s32 $0x11BC8;
	s28 =	sadd.s32 $0x10, s16  }
0x22c: {  	[hbm4b:s28+s3] =	stream.linear.scatter [tilespmem:s29], [sflag:$0x6], $0x80, $0x38;
	[tilespmem:$0x16C00] =	vst v63  }
0x22d: {  	s28 =	sadd.s32 $0x20, s16;
	s29 =	simm.s32 $0x11C50  }
0x22e: {  	[hbm4b:s28+s3] =	stream.linear.scatter [tilespmem:s29], [sflag:$0x6], $0x80, $0x38;
	[tilespmem:$0x16C00] =	vst v63  }
0x22f: {  	s28 =	sadd.s32 $0x30, s16;
	s29 =	simm.s32 $0x11CD8  }
0x230: {  	[hbm4b:s28+s3] =	stream.linear.scatter [tilespmem:s29], [sflag:$0x6], $0x80, $0x38;
	[tilespmem:$0x16C00] =	vst v63  }
0x231: {  	s28 =	sadd.s32 $0x40, s16;
	s29 =	simm.s32 $0x11D60  }
0x232: {  	[hbm4b:s28+s3] =	stream.linear.scatter [tilespmem:s29], [sflag:$0x6], $0x80, $0x38;
	[tilespmem:$0x16C00] =	vst v63  }
0x233: {  	s28 =	sadd.s32 $0x50, s16;
	s29 =	simm.s32 $0x11DE8  }
0x234: {  	[hbm4b:s28+s3] =	stream.linear.scatter [tilespmem:s29], [sflag:$0x6], $0x80, $0x38;
	[tilespmem:$0x16C00] =	vst v63  }
0x235: {  	s28 =	sadd.s32 $0x60, s16;
	s29 =	simm.s32 $0x11E70  }
0x236: {  	[hbm4b:s28+s3] =	stream.linear.scatter [tilespmem:s29], [sflag:$0x6], $0x80, $0x38;
	[tilespmem:$0x16C00] =	vst v63  }
0x237: {  	s16 =	sadd.s32 $0x70, s16;
	s28 =	simm.s32 $0x11EF8  }
0x238: {  	[hbm4b:s16+s3] =	stream.linear.scatter [tilespmem:s28], [sflag:$0x6], $0x80, $0x38;
	[tilespmem:$0x16C00] =	vst v63  }
0x239: {  	s16 =	sadd.s32 s14, s12;
	s28 =	simm.s32 $0x11F80  }
0x23a: {  	[hbm4b:s16+s3] =	stream.linear.scatter [tilespmem:s28], [sflag:$0x6], $0x80, $0x38;
	[tilespmem:$0x16C00] =	vst v63  }
0x23b: {  	s29 =	simm.s32 $0x12008;
	s28 =	sadd.s32 $0x10, s16  }
0x23c: {  	[hbm4b:s28+s3] =	stream.linear.scatter [tilespmem:s29], [sflag:$0x6], $0x80, $0x38;
	[tilespmem:$0x16C00] =	vst v63  }
0x23d: {  	s28 =	sadd.s32 $0x20, s16;
	s29 =	simm.s32 $0x12090  }
0x23e: {  	[hbm4b:s28+s3] =	stream.linear.scatter [tilespmem:s29], [sflag:$0x6], $0x80, $0x38;
	[tilespmem:$0x16C00] =	vst v63  }
0x23f: {  	s28 =	sadd.s32 $0x30, s16;
	s29 =	simm.s32 $0x12118  }
0x240: {  	[hbm4b:s28+s3] =	stream.linear.scatter [tilespmem:s29], [sflag:$0x6], $0x80, $0x38;
	[tilespmem:$0x16C00] =	vst v63  }
0x241: {  	s28 =	sadd.s32 $0x40, s16;
	s29 =	simm.s32 $0x121A0  }
0x242: {  	[hbm4b:s28+s3] =	stream.linear.scatter [tilespmem:s29], [sflag:$0x6], $0x80, $0x38;
	[tilespmem:$0x16C00] =	vst v63  }
0x243: {  	s28 =	sadd.s32 $0x50, s16;
	s29 =	simm.s32 $0x12228  }
0x244: {  	[hbm4b:s28+s3] =	stream.linear.scatter [tilespmem:s29], [sflag:$0x6], $0x80, $0x38;
	[tilespmem:$0x16C00] =	vst v63  }
0x245: {  	s28 =	sadd.s32 $0x60, s16;
	s29 =	simm.s32 $0x122B0  }
0x246: {  	[hbm4b:s28+s3] =	stream.linear.scatter [tilespmem:s29], [sflag:$0x6], $0x80, $0x38;
	[tilespmem:$0x16C00] =	vst v63  }
0x247: {  	s16 =	sadd.s32 $0x70, s16;
	s28 =	simm.s32 $0x12338  }
0x248: {  	[hbm4b:s16+s3] =	stream.linear.scatter [tilespmem:s28], [sflag:$0x6], $0x80, $0x38;
	[tilespmem:$0x16C00] =	vst v63  }
0x249: {  	s14 =	sadd.s32 s14, s13;
	s29 =	simm.s32 $0x123C0  }
0x24a: {  	[hbm4b:s14+s3] =	stream.linear.scatter [tilespmem:s29], [sflag:$0x6], $0x80, $0x38;
	[tilespmem:$0x16C00] =	vst v63  }
0x24b: {  	s28 =	simm.s32 $0x12448;
	s29 =	sadd.s32 $0x10, s14  }
0x24c: {  	[hbm4b:s29+s3] =	stream.linear.scatter [tilespmem:s28], [sflag:$0x6], $0x80, $0x38;
	[tilespmem:$0x16C00] =	vst v63  }
0x24d: {  	s29 =	sadd.s32 $0x20, s14;
	s28 =	simm.s32 $0x124D0  }
0x24e: {  	[hbm4b:s29+s3] =	stream.linear.scatter [tilespmem:s28], [sflag:$0x6], $0x80, $0x38;
	[tilespmem:$0x16C00] =	vst v63  }
0x24f: {  	s29 =	sadd.s32 $0x30, s14;
	s28 =	simm.s32 $0x12558  }
0x250: {  	[hbm4b:s29+s3] =	stream.linear.scatter [tilespmem:s28], [sflag:$0x6], $0x80, $0x38;
	[tilespmem:$0x16C00] =	vst v63  }
0x251: {  	s29 =	sadd.s32 $0x40, s14;
	s28 =	simm.s32 $0x125E0  }
0x252: {  	[hbm4b:s29+s3] =	stream.linear.scatter [tilespmem:s28], [sflag:$0x6], $0x80, $0x38;
	[tilespmem:$0x16C00] =	vst v63  }
0x253: {  	s29 =	sadd.s32 $0x50, s14;
	s28 =	simm.s32 $0x12668  }
0x254: {  	[hbm4b:s29+s3] =	stream.linear.scatter [tilespmem:s28], [sflag:$0x6], $0x80, $0x38;
	[tilespmem:$0x16C00] =	vst v63  }
0x255: {  	s29 =	sadd.s32 $0x60, s14;
	s28 =	simm.s32 $0x126F0  }
0x256: {  	[hbm4b:s29+s3] =	stream.linear.scatter [tilespmem:s28], [sflag:$0x6], $0x80, $0x38;
	[tilespmem:$0x16C00] =	vst v63  }
0x257: {  	s16 =	simm.s32 @!p1 $0x80;
	s14 =	sadd.s32 $0x70, s14;
	s29 =	simm.s32 $0x12778  }
0x258: {  	[hbm4b:s14+s3] =	stream.linear.scatter [tilespmem:s29], [sflag:$0x6], $0x80, $0x38;
	[tilespmem:$0x16C00] =	vst v63  }
0x259: {  	s28 =	simm.s32 @!p1 $0x8400;
	s14 =	sadd.s32 @!p1 $0x280, s20;
	s29 =	simm.s32 $0x0  }
0x25a: {  	v0 =	vmov s29;
	[tilespmem:s28], [sflag:$0x2] =	stream.indirect.gather @!p1 [hbm4b:s4+s16], $0x40, s14, s16, $0xb8;
	[tilespmem:$0x16C00] =	vst v63  }
0x25b: {  	s29 =	simm.s32 $0x2;
	v0 =	vshrl.u32 v0, $0x3;
	s16 =	simm.s32 $0x1;
	s28 =	simm.s32 $0x3  }
0x25c: {  	v3 =	vmov s29;
	s29 =	simm.s32 $0x5;
	v2 =	vmov s16;
	v4 =	vmov s28  }
0x25d: {  	s16 =	simm.s32 $0x4;
	s28 =	simm.s32 $0x6;
	v53 =	vmov s29;
	v0 =	vshll.u32 v0, v1;
	v3 =	vshrl.u32 v3, $0x3  }
0x25e: {  	_ =	swait.ge [sflag:s25], $0x2000;
	v5 =	vmov s16;
	v54 =	vmov s28;
	s16 =	simm.s32 $0x7;
	v2 =	vshrl.u32 v2, $0x3  }
0x25f: {  	[sflag:s25] =	ssyncset.done $0x0;
	v4 =	vshrl.u32 v4, $0x3;
	v33 =	vshrl.u32 v53, $0x3;
	v55 =	vmov s16  }
0x260: {  	s14 =	simm.s32 $0xA500;
	v39 =	vbroadcast v0, $0x0;
	v3 =	vshll.u32 v3, v1;
	[sflag:s25] =	ssyncadd.s32 $0xFFFFE000;
	v35 =	vshrl.u32 v55, $0x3  }
0x261: {  	v5 =	vshrl.u32 v5, $0x3;
	v34 =	vshrl.u32 v54, $0x3;
	v56 =	vld [tilespmem:s14+$0xFFFFFF00];
	v35 =	vshll.u32 v35, v1  }
0x262: {  	v2 =	vshll.u32 v2, v1;
	v4 =	vshll.u32 v4, v1;
	v0 =	vld [tilespmem:s14+$0xC0];
	v41 =	vbroadcast v35, $0x0  }
0x263: {  	v33 =	vshll.u32 v33, v1;
	v57 =	vld [tilespmem:s14+$0xFFFFFF40];
	v40 =	vbroadcast v2, $0x0;
	v58 =	vadd.s32 v6, v39  }
0x264: {  	v37 =	vbroadcast v3, $0x0;
	v5 =	vshll.u32 v5, v1;
	v52 =	vld [tilespmem:s14+$0xFFFFFF80];
	v2 =	vadd.s32 v17, v41  }
0x265: {  	v3 =	vshll.u32 v34, v1;
	v54 =	vld [tilespmem:s14+$0xFFFFFFC0];
	v36 =	vbroadcast v4, $0x0;
	v53 =	vadd.s32 v10, v40  }
0x266: {  	v55 =	vld [tilespmem:s14+$0x0];
	v4 =	vadd.s32 v14, v37;
	v35 =	vbroadcast v5, $0x0;
	v5 =	vmul.f32 $8.000000000e+00, v56  }
0x267: {  	v59 =	vld [tilespmem:s14+$0x40];
	v33 =	vbroadcast v33, $0x0;
	v38 =	vadd.s32 v18, v36;
	v0 =	vmul.f32 $8.000000000e+00, v0  }
0x268: {  	v61 =	vld [tilespmem:s14+$0x80];
	v34 =	vbroadcast v3, $0x0;
	v60 =	vadd.s32 v22, v35;
	v42 =	vmul.f32 $8.000000000e+00, v57;
	[tilespmem:v58+s26+$0x0] =	vst.idx.msk $0xffff, v5  }
0x269: {  	v3 =	vadd.s32 v24, v33;
	v43 =	vld [tilespmem:s14+$0xFFFFFF10];
	[tilespmem:v2+s26+$0x0] =	vst.idx.msk $0xffff, v0;
	v2 =	vmul.f32 $8.000000000e+00, v52  }
0x26a: {  	v56 =	vmul.f32 $8.000000000e+00, v54;
	v57 =	vadd.s32 v9, v34;
	[tilespmem:v53+s26+$0x0] =	vst.idx.msk $0xffff, v42;
	v5 =	vld [tilespmem:s14+$0xD0]  }
0x26b: {  	v51 =	vadd.s32 v31, v39;
	v58 =	vld [tilespmem:s14+$0xFFFFFF50];
	[tilespmem:v4+s26+$0x0] =	vst.idx.msk $0xffff, v2;
	v2 =	vmul.f32 $8.000000000e+00, v55  }
0x26c: {  	v59 =	vmul.f32 $8.000000000e+00, v59;
	[tilespmem:v38+s26+$0x0] =	vst.idx.msk $0xffff, v56;
	v4 =	vadd.s32 v63, v41;
	v52 =	vld [tilespmem:s14+$0xFFFFFF90]  }
0x26d: {  	v48 =	vadd.s32 v7, v40;
	v53 =	vld [tilespmem:s14+$0xFFFFFFD0];
	[tilespmem:v60+s26+$0x0] =	vst.idx.msk $0xffff, v2;
	v2 =	vmul.f32 $8.000000000e+00, v61  }
0x26e: {  	s29 =	simm.s32 $0x8;
	v50 =	vadd.s32 v11, v37;
	[tilespmem:v3+s26+$0x0] =	vst.idx.msk $0xffff, v59;
	v60 =	vmul.f32 $8.000000000e+00, v43;
	v54 =	vld [tilespmem:s14+$0x10]  }
0x26f: {  	v0 =	vmov s29;
	s29 =	simm.s32 $0x9;
	v55 =	vld [tilespmem:s14+$0x50];
	v43 =	vadd.s32 v15, v36;
	v3 =	vmul.f32 $8.000000000e+00, v5;
	[tilespmem:v57+s26+$0x0] =	vst.idx.msk $0xffff, v2  }
0x270: {  	v46 =	vadd.s32 v19, v35;
	v45 =	vmov s29;
	s29 =	simm.s32 $0xA;
	v61 =	vmul.f32 $8.000000000e+00, v58;
	[tilespmem:v51+s26+$0x0] =	vst.idx.msk $0xffff, v60;
	v56 =	vld [tilespmem:s14+$0x90]  }
0x271: {  	v47 =	vmov s29;
	s29 =	simm.s32 $0xB;
	v51 =	vld [tilespmem:s14+$0xFFFFFF20];
	[tilespmem:v4+s26+$0x0] =	vst.idx.msk $0xffff, v3;
	v3 =	vmul.f32 $8.000000000e+00, v52;
	v4 =	vadd.s32 v23, v33  }
0x272: {  	v42 =	vmov s29;
	s29 =	simm.s32 $0xC;
	[tilespmem:v48+s26+$0x0] =	vst.idx.msk $0xffff, v61;
	v60 =	vmul.f32 $8.000000000e+00, v53;
	v48 =	vadd.s32 v26, v34;
	v38 =	vld [tilespmem:s14+$0xE0]  }
0x273: {  	v49 =	vmov s29;
	s29 =	simm.s32 $0xD;
	[tilespmem:v50+s26+$0x0] =	vst.idx.msk $0xffff, v3;
	v3 =	vmul.f32 $8.000000000e+00, v54;
	v54 =	vadd.s32 v8, v39  }
0x274: {  	v5 =	vmov s29;
	s29 =	simm.s32 $0xE;
	v61 =	vmul.f32 $8.000000000e+00, v55;
	[tilespmem:v43+s26+$0x0] =	vst.idx.msk $0xffff, v60;
	v50 =	vadd.s32 v13, v41  }
0x275: {  	v2 =	vmov s29;
	[tilespmem:v46+s26+$0x0] =	vst.idx.msk $0xffff, v3;
	v3 =	vmul.f32 $8.000000000e+00, v56  }
0x276: {  	v53 =	vshrl.u32 v42, $0x3;
	v42 =	vshrl.u32 v2, $0x3;
	v2 =	vmul.f32 $8.000000000e+00, v51;
	[tilespmem:v4+s26+$0x0] =	vst.idx.msk $0xffff, v61  }
0x277: {  	v52 =	vshrl.u32 v47, $0x3;
	v47 =	vld [tilespmem:s14+$0xFFFFFF60];
	v4 =	vmul.f32 $8.000000000e+00, v38;
	[tilespmem:v48+s26+$0x0] =	vst.idx.msk $0xffff, v3  }
0x278: {  	[tilespmem:v54+s26+$0x0] =	vst.idx.msk $0xffff, v2  }
0x279: {  	v43 =	vshrl.u32 v49, $0x3;
	v49 =	vadd.s32 v12, v40;
	[tilespmem:v50+s26+$0x0] =	vst.idx.msk $0xffff, v4  }
0x27a: {  	v0 =	vshrl.u32 v0, $0x3;
	v4 =	vld [tilespmem:$0x1FF80]  }
0x27b: {  	v0 =	vshll.u32 v0, v1  }
0x27c: {  	v57 =	vld [tilespmem:s14+$0xFFFFFFA0];
	v38 =	vbroadcast v0, $0x0;
	v0 =	vmul.f32 $8.000000000e+00, v47;
	_ =	sdelay $0x1  }
0x27d: {  	v46 =	vadd.s32 v16, v37;
	[tilespmem:v49+s26+$0x0] =	vst.idx.msk $0xffff, v0  }
0x27e: {  	v55 =	vadd.s32 v4, v33;
	v4 =	vld [tilespmem:$0x1FF70]  }
0x27f: {  	v58 =	vld [tilespmem:s14+$0xFFFFFFE0]  }
0x280: {  	v59 =	vld [tilespmem:s14+$0x20];
	v2 =	vmul.f32 $8.000000000e+00, v57  }
0x281: {  	v61 =	vld [tilespmem:s14+$0x60]  }
0x282: {  	v60 =	vadd.s32 v20, v36;
	v3 =	vadd.s32 v62, v35;
	v62 =	vld [tilespmem:s14+$0xA0];
	[tilespmem:v46+s26+$0x0] =	vst.idx.msk $0xffff, v2  }
0x283: {  	v51 =	vadd.s32 v4, v34;
	v4 =	vld [tilespmem:$0x1FF60]  }
0x284: {  	v45 =	vshrl.u32 v45, $0x3;
	v5 =	vshrl.u32 v5, $0x3;
	v50 =	vld [tilespmem:s14+$0xFFFFFF30]  }
0x285: {  	v44 =	vshll.u32 v52, v1;
	v47 =	vshll.u32 v45, v1;
	v56 =	vld [tilespmem:s14+$0xF0];
	v0 =	vmul.f32 $8.000000000e+00, v58  }
0x286: {  	v21 =	vmovc v25;
	v45 =	vshll.u32 v53, v1;
	v53 =	vadd.s32 v25, v41;
	v52 =	vld [tilespmem:s14+$0xFFFFFF70];
	v2 =	vmul.f32 $8.000000000e+00, v59  }
0x287: {  	v41 =	vadd.s32 v28, v40;
	v40 =	vmul.f32 $8.000000000e+00, v62;
	v46 =	vshll.u32 v43, v1;
	v49 =	vld [tilespmem:s14+$0xFFFFFFB0];
	[tilespmem:v60+s26+$0x0] =	vst.idx.msk $0xffff, v0  }
0x288: {  	s28 =	simm.s32 $0x10;
	s16 =	simm.s32 $0xF;
	v43 =	vshll.u32 v5, v1;
	[tilespmem:v3+s26+$0x0] =	vst.idx.msk $0xffff, v2;
	v54 =	vld [tilespmem:s14+$0xFFFFFFF0];
	v48 =	vadd.s32 v4, v39;
	v39 =	vmul.f32 $8.000000000e+00, v61  }
.LBB2_7:
0x289: {  	v2 =	vld [tilespmem:$0x1FFA0];
	_ =	sdelay $0x3  }
0x28a: {  	v25 =	vld [tilespmem:$0x1FFB0]  }
0x28b: {  	v0 =	vmov s16;
	v3 =	vld [tilespmem:s14+$0x30];
	[tilespmem:v55+s26+$0x0] =	vst.idx.msk $0xffff, v39;
	v4 =	vmul.f32 $8.000000000e+00, v56;
	v2 =	vadd.s32 v2, v37  }
0x28c: {  	v36 =	vadd.s32 v30, v36;
	v0 =	vshrl.u32 v0, $0x3;
	[tilespmem:v51+s26+$0x0] =	vst.idx.msk $0xffff, v40;
	v5 =	vmul.f32 $8.000000000e+00, v50;
	v56 =	vld [tilespmem:s14+$0x70]  }
0x28d: {  	v35 =	vadd.s32 v32, v35;
	v0 =	vshll.u32 v0, v1;
	v58 =	vld [tilespmem:s14+$0xB0];
	v57 =	vmul.f32 $8.000000000e+00, v52;
	s14 =	sadd.s32 $0x200, s14;
	[tilespmem:v53+s26+$0x0] =	vst.idx.msk $0xffff, v4  }
0x28e: {  	v40 =	vbroadcast v0, $0x0;
	v0 =	vmul.f32 $8.000000000e+00, v49;
	[tilespmem:v48+s26+$0x0] =	vst.idx.msk $0xffff, v5;
	v5 =	vadd.s32 v29, v33;
	v4 =	vld [tilespmem:s14+$0xC0]  }
0x28f: {  	v60 =	vmul.f32 $8.000000000e+00, v54;
	v34 =	vadd.s32 v25, v34;
	[tilespmem:v41+s26+$0x0] =	vst.idx.msk $0xffff, v57;
	v59 =	vld [tilespmem:s14+$0xFFFFFF00]  }
0x290: {  	v39 =	vmovc v38;
	v52 =	vadd.s32 v17, v40;
	v41 =	vbroadcast v47, $0x0;
	v61 =	vld [tilespmem:s14+$0xFFFFFF40];
	[tilespmem:v2+s26+$0x0] =	vst.idx.msk $0xffff, v0;
	v0 =	vmul.f32 $8.000000000e+00, v3  }
0x291: {  	v37 =	vbroadcast v44, $0x0;
	[tilespmem:v36+s26+$0x0] =	vst.idx.msk $0xffff, v60;
	v38 =	vmul.f32 $8.000000000e+00, v56;
	v2 =	vadd.s32 v6, v39;
	v3 =	vld [tilespmem:s14+$0xFFFFFF80]  }
0x292: {  	v36 =	vbroadcast v45, $0x0;
	v48 =	vld [tilespmem:s14+$0xFFFFFFC0];
	v53 =	vadd.s32 v10, v41;
	[tilespmem:v35+s26+$0x0] =	vst.idx.msk $0xffff, v0;
	v0 =	vmul.f32 $8.000000000e+00, v58  }
0x293: {  	v54 =	vadd.s32 v14, v37;
	[tilespmem:v5+s26+$0x0] =	vst.idx.msk $0xffff, v38;
	v4 =	vmul.f32 $8.000000000e+00, v4  }
0x294: {  	v33 =	vbroadcast v43, $0x0;
	v62 =	vadd.s32 v18, v36;
	v5 =	vmul.f32 $8.000000000e+00, v59;
	v56 =	vld [tilespmem:s14+$0x40];
	[tilespmem:v34+s26+$0x0] =	vst.idx.msk $0xffff, v0  }
0x295: {  	v55 =	vld [tilespmem:s14+$0x0];
	v0 =	vmul.f32 $8.000000000e+00, v61;
	[tilespmem:v52+s26+$0x0] =	vst.idx.msk $0xffff, v4  }
0x296: {  	[tilespmem:v2+s26+$0x0] =	vst.idx.msk $0xffff, v5;
	v5 =	vld [tilespmem:s14+$0xD0];
	v2 =	vmul.f32 $8.000000000e+00, v3;
	v3 =	vadd.s32 v24, v33  }
0x297: {  	v59 =	vld [tilespmem:s14+$0xFFFFFF10];
	[tilespmem:v53+s26+$0x0] =	vst.idx.msk $0xffff, v0;
	v0 =	vmul.f32 $8.000000000e+00, v48  }
0x298: {  	v45 =	vadd.s32 v63, v40;
	v35 =	vbroadcast v46, $0x0;
	[tilespmem:v54+s26+$0x0] =	vst.idx.msk $0xffff, v2  }
0x299: {  	v42 =	vshll.u32 v42, v1;
	v51 =	vadd.s32 v31, v39;
	[tilespmem:v62+s26+$0x0] =	vst.idx.msk $0xffff, v0;
	v0 =	vmul.f32 $8.000000000e+00, v56;
	v52 =	vld [tilespmem:s14+$0xFFFFFF90]  }
0x29a: {  	v57 =	vadd.s32 v22, v35;
	v34 =	vbroadcast v42, $0x0;
	v58 =	vld [tilespmem:s14+$0x80]  }
0x29b: {  	v49 =	vadd.s32 v11, v37;
	v4 =	vmov s28;
	v61 =	vld [tilespmem:s14+$0xFFFFFF50];
	[tilespmem:v3+s26+$0x0] =	vst.idx.msk $0xffff, v0;
	v0 =	vmul.f32 $8.000000000e+00, v5  }
0x29c: {  	v60 =	vadd.s32 v9, v34;
	v2 =	vmul.f32 $8.000000000e+00, v55;
	v5 =	vmul.f32 $8.000000000e+00, v59;
	v55 =	vld [tilespmem:s14+$0x50]  }
0x29d: {  	v46 =	vadd.s32 v7, v41;
	v4 =	vshrl.u32 v4, $0x3;
	[tilespmem:v45+s26+$0x0] =	vst.idx.msk $0xffff, v0  }
0x29e: {  	v0 =	vshll.u32 v4, v1;
	[tilespmem:v51+s26+$0x0] =	vst.idx.msk $0xffff, v5;
	v5 =	vadd.s32 v23, v33;
	v4 =	vmul.f32 $8.000000000e+00, v52;
	v45 =	vld [tilespmem:s14+$0xE0]  }
0x29f: {  	v53 =	vld [tilespmem:s14+$0xFFFFFFD0];
	[tilespmem:v57+s26+$0x0] =	vst.idx.msk $0xffff, v2;
	v2 =	vmul.f32 $8.000000000e+00, v58  }
0x2a0: {  	v54 =	vld [tilespmem:s14+$0x10];
	v62 =	vmul.f32 $8.000000000e+00, v61;
	[tilespmem:v49+s26+$0x0] =	vst.idx.msk $0xffff, v4;
	v49 =	vadd.s32 v13, v40  }
0x2a1: {  	v42 =	vadd.s32 v15, v36;
	[tilespmem:v60+s26+$0x0] =	vst.idx.msk $0xffff, v2;
	v55 =	vmul.f32 $8.000000000e+00, v55  }
0x2a2: {  	v60 =	vadd.s32 v19, v35;
	v61 =	vld [tilespmem:s14+$0x90];
	[tilespmem:v46+s26+$0x0] =	vst.idx.msk $0xffff, v62  }
0x2a3: {  	[tilespmem:v5+s26+$0x0] =	vst.idx.msk $0xffff, v55;
	v5 =	vmul.f32 $8.000000000e+00, v45  }
0x2a4: {  	v62 =	vmul.f32 $8.000000000e+00, v53;
	v46 =	vadd.s32 v26, v34;
	v52 =	vld [tilespmem:s14+$0xFFFFFF60]  }
0x2a5: {  	s29 =	sadd.s32 $0x1, s28;
	v4 =	vmul.f32 $8.000000000e+00, v54;
	[tilespmem:v49+s26+$0x0] =	vst.idx.msk $0xffff, v5;
	v5 =	vld [tilespmem:$0x1FF80]  }
0x2a6: {  	v47 =	vmov s29;
	s29 =	sadd.s32 $0x2, s28;
	v51 =	vld [tilespmem:s14+$0xFFFFFF20];
	[tilespmem:v42+s26+$0x0] =	vst.idx.msk $0xffff, v62  }
0x2a7: {  	v50 =	vmov s29;
	s29 =	sadd.s32 $0x3, s28;
	v58 =	vadd.s32 v12, v41;
	v59 =	vld [tilespmem:s14+$0xFFFFFFE0];
	[tilespmem:v60+s26+$0x0] =	vst.idx.msk $0xffff, v4;
	v4 =	vmul.f32 $8.000000000e+00, v61  }
0x2a8: {  	v38 =	vmov s29;
	v57 =	vld [tilespmem:s14+$0xFFFFFFA0]  }
0x2a9: {  	v53 =	vshrl.u32 v38, $0x3;
	v61 =	vadd.s32 v20, v36;
	[tilespmem:v46+s26+$0x0] =	vst.idx.msk $0xffff, v4;
	v4 =	vld [tilespmem:$0x1FF90]  }
0x2aa: {  	s29 =	sadd.s32 $0x4, s28;
	v38 =	vbroadcast v0, $0x0;
	v0 =	vmul.f32 $8.000000000e+00, v52;
	v55 =	vadd.s32 v5, v33;
	v5 =	vld [tilespmem:$0x1FF70]  }
0x2ab: {  	v43 =	vmov s29;
	s29 =	sadd.s32 $0x5, s28;
	v54 =	vadd.s32 v8, v39;
	v60 =	vld [tilespmem:s14+$0x20]  }
0x2ac: {  	v3 =	vmov s29;
	s29 =	sadd.s32 $0x6, s28;
	v62 =	vld [tilespmem:s14+$0x60];
	[tilespmem:v58+s26+$0x0] =	vst.idx.msk $0xffff, v0;
	v0 =	vmul.f32 $8.000000000e+00, v59  }
0x2ad: {  	v25 =	vmov v63;
	v48 =	vadd.s32 v16, v37;
	v2 =	vmov s29;
	v63 =	vld [tilespmem:s14+$0xA0]  }
0x2ae: {  	v42 =	vshrl.u32 v2, $0x3;
	v2 =	vmul.f32 $8.000000000e+00, v51;
	[tilespmem:v61+s26+$0x0] =	vst.idx.msk $0xffff, v0;
	v0 =	vld [tilespmem:$0x1FF50]  }
0x2af: {  	p2 =	slt.u32 s28, $0x78;
	v47 =	vshrl.u32 v47, $0x3;
	v4 =	vadd.s32 v4, v35;
	v51 =	vadd.s32 v5, v34;
	v5 =	vld [tilespmem:$0x1FF60]  }
.Ltmp4:
0x2b0: {  	v50 =	vshrl.u32 v50, $0x3;
	v47 =	vshll.u32 v47, v1;
	[tilespmem:v54+s26+$0x0] =	vst.idx.msk $0xffff, v2;
	v2 =	vmul.f32 $8.000000000e+00, v57;
	v56 =	vld [tilespmem:s14+$0xF0];
	(pc) =	sbr.rel @p2 .LBB2_7-.Ltmp4, $4  }
0x2b1: {  	v44 =	vshll.u32 v50, v1;
	v43 =	vshrl.u32 v43, $0x3;
	v3 =	vshrl.u32 v3, $0x3;
	v50 =	vld [tilespmem:s14+$0xFFFFFF30]  }
0x2b2: {  	v45 =	vshll.u32 v53, v1;
	v53 =	vadd.s32 v21, v40;
	v52 =	vld [tilespmem:s14+$0xFFFFFF70];
	[tilespmem:v48+s26+$0x0] =	vst.idx.msk $0xffff, v2;
	v2 =	vmul.f32 $8.000000000e+00, v60  }
0x2b3: {  	v46 =	vshll.u32 v43, v1;
	v43 =	vshll.u32 v3, v1;
	v49 =	vld [tilespmem:s14+$0xFFFFFFB0];
	v40 =	vmul.f32 $8.000000000e+00, v63;
	v63 =	vmovc v25  }
0x2b4: {  	s16 =	sadd.s32 $0x7, s28;
	s28 =	sadd.s32 $0x8, s28;
	v54 =	vld [tilespmem:s14+$0xFFFFFFF0];
	v41 =	vadd.s32 v0, v41;
	[tilespmem:v4+s26+$0x0] =	vst.idx.msk $0xffff, v2;
	v48 =	vadd.s32 v5, v39;
	v39 =	vmul.f32 $8.000000000e+00, v62  }
0x2b5: {  	_ =	sdelay $0x3  }
0x2b6: {  	v57 =	vld [tilespmem:$0x1FFA0];
	v4 =	vmul.f32 $8.000000000e+00, v56;
	[tilespmem:v51+s26+$0x0] =	vst.idx.msk $0xffff, v40  }
0x2b7: {  	[tilespmem:v55+s26+$0x0] =	vst.idx.msk $0xffff, v39;
	v5 =	vmul.f32 $8.000000000e+00, v50  }
0x2b8: {  	v59 =	vmul.f32 $8.000000000e+00, v52;
	[tilespmem:v53+s26+$0x0] =	vst.idx.msk $0xffff, v4  }
0x2b9: {  	[tilespmem:v48+s26+$0x0] =	vst.idx.msk $0xffff, v5  }
0x2ba: {  	v0 =	vmov s16;
	v58 =	vld [tilespmem:s14+$0x70];
	[tilespmem:v41+s26+$0x0] =	vst.idx.msk $0xffff, v59  }
0x2bb: {  	v36 =	vadd.s32 v30, v36;
	v0 =	vshrl.u32 v0, $0x3;
	v50 =	vld [tilespmem:$0x1FFB0]  }
0x2bc: {  	v3 =	vld [tilespmem:s14+$0x30];
	s16 =	sadd.s32 $0x200, s14;
	v0 =	vshll.u32 v0, v1;
	v2 =	vadd.s32 v57, v37  }
0x2bd: {  	v33 =	vadd.s32 v29, v33;
	v4 =	vld [tilespmem:s16+$0xC0];
	v0 =	vbroadcast v0, $0x0  }
0x2be: {  	v35 =	vadd.s32 v32, v35;
	v40 =	vld [tilespmem:s14+$0xB0];
	v61 =	vmul.f32 $8.000000000e+00, v54  }
0x2bf: {  	v42 =	vshll.u32 v42, v1;
	v60 =	vld [tilespmem:s16+$0xFFFFFF00];
	v5 =	vmul.f32 $8.000000000e+00, v49;
	v49 =	vadd.s32 v17, v0  }
0x2c0: {  	v47 =	vbroadcast v47, $0x0;
	v62 =	vld [tilespmem:s16+$0xFFFFFF40];
	[tilespmem:v36+s26+$0x0] =	vst.idx.msk $0xffff, v61;
	v52 =	vmul.f32 $8.000000000e+00, v58;
	v34 =	vadd.s32 v50, v34  }
0x2c1: {  	v44 =	vbroadcast v44, $0x0;
	[tilespmem:v2+s26+$0x0] =	vst.idx.msk $0xffff, v5;
	v2 =	vmul.f32 $8.000000000e+00, v3;
	v3 =	vadd.s32 v6, v38;
	v5 =	vld [tilespmem:s16+$0xFFFFFF80]  }
0x2c2: {  	v45 =	vbroadcast v45, $0x0;
	v53 =	vadd.s32 v10, v47;
	v54 =	vld [tilespmem:s16+$0xFFFFFFC0];
	v4 =	vmul.f32 $8.000000000e+00, v4;
	[tilespmem:v33+s26+$0x0] =	vst.idx.msk $0xffff, v52  }
0x2c3: {  	v46 =	vbroadcast v46, $0x0;
	v56 =	vld [tilespmem:s16+$0x0];
	v55 =	vadd.s32 v14, v44;
	[tilespmem:v35+s26+$0x0] =	vst.idx.msk $0xffff, v2;
	v2 =	vmul.f32 $8.000000000e+00, v40  }
0x2c4: {  	v43 =	vbroadcast v43, $0x0;
	v59 =	vadd.s32 v18, v45;
	v58 =	vmul.f32 $8.000000000e+00, v60;
	v60 =	vld [tilespmem:s16+$0x40];
	[tilespmem:v49+s26+$0x0] =	vst.idx.msk $0xffff, v4  }
0x2c5: {  	v42 =	vbroadcast v42, $0x0;
	v61 =	vadd.s32 v22, v46;
	[tilespmem:v34+s26+$0x0] =	vst.idx.msk $0xffff, v2;
	v2 =	vmul.f32 $8.000000000e+00, v62;
	v62 =	vld [tilespmem:s16+$0x80]  }
0x2c6: {  	v4 =	vadd.s32 v24, v43;
	[tilespmem:v3+s26+$0x0] =	vst.idx.msk $0xffff, v58;
	v3 =	vmul.f32 $8.000000000e+00, v5;
	v5 =	vld [tilespmem:s16+$0xD0]  }
0x2c7: {  	v52 =	vadd.s32 v9, v42;
	v33 =	vld [tilespmem:s16+$0xFFFFFF10];
	[tilespmem:v53+s26+$0x0] =	vst.idx.msk $0xffff, v2;
	v2 =	vmul.f32 $8.000000000e+00, v54  }
0x2c8: {  	[tilespmem:v55+s26+$0x0] =	vst.idx.msk $0xffff, v3;
	v3 =	vmul.f32 $8.000000000e+00, v56;
	v54 =	vadd.s32 v63, v0;
	v53 =	vld [tilespmem:s16+$0xFFFFFF50]  }
0x2c9: {  	v55 =	vadd.s32 v31, v38;
	v56 =	vld [tilespmem:s16+$0xFFFFFF90];
	[tilespmem:v59+s26+$0x0] =	vst.idx.msk $0xffff, v2;
	v2 =	vmul.f32 $8.000000000e+00, v60  }
0x2ca: {  	v58 =	vadd.s32 v7, v47;
	[tilespmem:v61+s26+$0x0] =	vst.idx.msk $0xffff, v3;
	v59 =	vld [tilespmem:s16+$0xFFFFFFD0];
	v3 =	vmul.f32 $8.000000000e+00, v62  }
0x2cb: {  	v60 =	vadd.s32 v11, v44;
	v61 =	vld [tilespmem:s16+$0x10];
	[tilespmem:v4+s26+$0x0] =	vst.idx.msk $0xffff, v2;
	v2 =	vmul.f32 $8.000000000e+00, v5  }
0x2cc: {  	v4 =	vmul.f32 $8.000000000e+00, v33;
	v5 =	vadd.s32 v15, v45;
	v62 =	vld [tilespmem:s16+$0x50];
	[tilespmem:v52+s26+$0x0] =	vst.idx.msk $0xffff, v3  }
0x2cd: {  	v52 =	vadd.s32 v19, v46;
	v3 =	vmul.f32 $8.000000000e+00, v53;
	v53 =	vld [tilespmem:s16+$0x90];
	[tilespmem:v54+s26+$0x0] =	vst.idx.msk $0xffff, v2  }
0x2ce: {  	[tilespmem:v55+s26+$0x0] =	vst.idx.msk $0xffff, v4;
	v2 =	vmul.f32 $8.000000000e+00, v56;
	v4 =	vadd.s32 v23, v43;
	v35 =	vld [tilespmem:s16+$0xE0]  }
0x2cf: {  	v54 =	vadd.s32 v26, v42;
	v40 =	vld [tilespmem:s16+$0xFFFFFF20];
	[tilespmem:v58+s26+$0x0] =	vst.idx.msk $0xffff, v3;
	v3 =	vmul.f32 $8.000000000e+00, v59  }
0x2d0: {  	v34 =	vadd.s32 v13, v0;
	[tilespmem:v60+s26+$0x0] =	vst.idx.msk $0xffff, v2;
	v2 =	vmul.f32 $8.000000000e+00, v61;
	v55 =	vld [tilespmem:s16+$0xFFFFFF60]  }
0x2d1: {  	v41 =	vadd.s32 v8, v38;
	v49 =	vld [tilespmem:s16+$0xFFFFFFA0];
	[tilespmem:v5+s26+$0x0] =	vst.idx.msk $0xffff, v3;
	v3 =	vmul.f32 $8.000000000e+00, v62  }
0x2d2: {  	v5 =	vadd.s32 v12, v47;
	[tilespmem:v52+s26+$0x0] =	vst.idx.msk $0xffff, v2;
	v2 =	vmul.f32 $8.000000000e+00, v53  }
0x2d3: {  	v58 =	vadd.s32 v16, v44;
	[tilespmem:v4+s26+$0x0] =	vst.idx.msk $0xffff, v3;
	v3 =	vmul.f32 $8.000000000e+00, v35  }
0x2d4: {  	v4 =	vmul.f32 $8.000000000e+00, v40;
	[tilespmem:v54+s26+$0x0] =	vst.idx.msk $0xffff, v2  }
0x2d5: {  	v2 =	vmul.f32 $8.000000000e+00, v55;
	v62 =	vld [tilespmem:$0x1FF90];
	[tilespmem:v34+s26+$0x0] =	vst.idx.msk $0xffff, v3  }
0x2d6: {  	v56 =	vld [tilespmem:s16+$0xFFFFFFE0];
	[tilespmem:v41+s26+$0x0] =	vst.idx.msk $0xffff, v4;
	v3 =	vmul.f32 $8.000000000e+00, v49  }
0x2d7: {  	v4 =	vld [tilespmem:$0x1FF80];
	[tilespmem:v5+s26+$0x0] =	vst.idx.msk $0xffff, v2  }
0x2d8: {  	v52 =	vadd.s32 v20, v45;
	v5 =	vld [tilespmem:$0x1FF70];
	[tilespmem:v58+s26+$0x0] =	vst.idx.msk $0xffff, v3  }
0x2d9: {  	v28 =	vld [tilespmem:$0x1FF60];
	_ =	sdelay $0x1  }
0x2da: {  	v59 =	vld [tilespmem:s16+$0x20];
	v2 =	vmul.f32 $8.000000000e+00, v56  }
0x2db: {  	v53 =	vld [tilespmem:s16+$0x60]  }
0x2dc: {  	v55 =	vld [tilespmem:s16+$0xA0];
	[tilespmem:v52+s26+$0x0] =	vst.idx.msk $0xffff, v2  }
0x2dd: {  	v54 =	vadd.s32 v62, v46;
	v58 =	vadd.s32 v28, v38;
	v28 =	vld [tilespmem:$0x1FF50]  }
0x2de: {  	v34 =	vld [tilespmem:s16+$0xF0];
	v4 =	vadd.s32 v4, v43  }
0x2df: {  	v41 =	vld [tilespmem:s16+$0xFFFFFF30];
	v5 =	vadd.s32 v5, v42  }
0x2e0: {  	v0 =	vadd.s32 v21, v0;
	v56 =	vld [tilespmem:s16+$0xFFFFFF70];
	v3 =	vmul.f32 $8.000000000e+00, v59  }
0x2e1: {  	v59 =	vld [tilespmem:s16+$0xFFFFFFB0];
	v2 =	vmul.f32 $8.000000000e+00, v53  }
0x2e2: {  	v61 =	vld [tilespmem:s16+$0xFFFFFFF0];
	[tilespmem:v54+s26+$0x0] =	vst.idx.msk $0xffff, v3;
	v3 =	vmul.f32 $8.000000000e+00, v55;
	v60 =	vadd.s32 v28, v47  }
0x2e3: {  	v48 =	vld [tilespmem:s16+$0x30];
	[tilespmem:v4+s26+$0x0] =	vst.idx.msk $0xffff, v2;
	v2 =	vmul.f32 $8.000000000e+00, v34;
	v47 =	vadd.s32 v57, v44  }
0x2e4: {  	v49 =	vadd.s32 v30, v45;
	v4 =	vmul.f32 $8.000000000e+00, v41;
	v51 =	vld [tilespmem:s16+$0x70];
	[tilespmem:v5+s26+$0x0] =	vst.idx.msk $0xffff, v3  }
0x2e5: {  	v3 =	vmul.f32 $8.000000000e+00, v56;
	v5 =	vadd.s32 v32, v46;
	[tilespmem:v0+s26+$0x0] =	vst.idx.msk $0xffff, v2;
	v52 =	vld [tilespmem:s16+$0xB0]  }
0x2e6: {  	v0 =	vmul.f32 $8.000000000e+00, v59;
	v2 =	vadd.s32 v29, v43;
	[tilespmem:v58+s26+$0x0] =	vst.idx.msk $0xffff, v4  }
0x2e7: {  	v4 =	vadd.s32 v50, v42;
	[tilespmem:v60+s26+$0x0] =	vst.idx.msk $0xffff, v3;
	v3 =	vmul.f32 $8.000000000e+00, v61  }
0x2e8: {  	[tilespmem:v47+s26+$0x0] =	vst.idx.msk $0xffff, v0;
	v0 =	vmul.f32 $8.000000000e+00, v48  }
0x2e9: {  	[tilespmem:v49+s26+$0x0] =	vst.idx.msk $0xffff, v3;
	v3 =	vmul.f32 $8.000000000e+00, v51  }
0x2ea: {  	s28 =	sor.u32 $0x2, s19;
	[tilespmem:v5+s26+$0x0] =	vst.idx.msk $0xffff, v0;
	v0 =	vmul.f32 $8.000000000e+00, v52  }
0x2eb: {  	s14 =	sadd.s32 s5, s28;
	[tilespmem:v2+s26+$0x0] =	vst.idx.msk $0xffff, v3  }
0x2ec: {  	s28 =	sshll.u32 s14, $0xA;
	s14 =	sshll.u32 s14, $0x7;
	s16 =	simm.s32 @!p0 $0x7;
	[tilespmem:v4+s26+$0x0] =	vst.idx.msk $0xffff, v0  }
0x2ed: {  	s28 =	sand.u32 $0x7FFF8000, s28;
	s14 =	sand.u32 $0xF00, s14;
	_ =	swait.ge @!p0 [sflag:s16], $0x2000  }
0x2ee: {  	s14 =	sor.u32 s14, s28;
	[sflag:s16] =	ssyncset.done @!p0 $0x0  }
0x2ef: {  	[sflag:s16] =	ssyncadd.s32 @!p0 $0xFFFFE000;
	s16 =	sadd.s32 s2, s14  }
0x2f0: {  	[hbm4b:s16+s3] =	stream.linear.scatter [tilespmem:s26], [sflag:$0x7], $0x80, $0x38;
	[tilespmem:$0x16C00] =	vst v63  }
0x2f1: {  	s29 =	simm.s32 $0x12888;
	s28 =	sadd.s32 $0x10, s16  }
0x2f2: {  	[hbm4b:s28+s3] =	stream.linear.scatter [tilespmem:s29], [sflag:$0x7], $0x80, $0x38;
	[tilespmem:$0x16C00] =	vst v63  }
0x2f3: {  	s28 =	sadd.s32 $0x20, s16;
	s29 =	simm.s32 $0x12910  }
0x2f4: {  	[hbm4b:s28+s3] =	stream.linear.scatter [tilespmem:s29], [sflag:$0x7], $0x80, $0x38;
	[tilespmem:$0x16C00] =	vst v63  }
0x2f5: {  	s28 =	sadd.s32 $0x30, s16;
	s29 =	simm.s32 $0x12998  }
0x2f6: {  	[hbm4b:s28+s3] =	stream.linear.scatter [tilespmem:s29], [sflag:$0x7], $0x80, $0x38;
	[tilespmem:$0x16C00] =	vst v63  }
0x2f7: {  	s28 =	sadd.s32 $0x40, s16;
	s29 =	simm.s32 $0x12A20  }
0x2f8: {  	[hbm4b:s28+s3] =	stream.linear.scatter [tilespmem:s29], [sflag:$0x7], $0x80, $0x38;
	[tilespmem:$0x16C00] =	vst v63  }
0x2f9: {  	s28 =	sadd.s32 $0x50, s16;
	s29 =	simm.s32 $0x12AA8  }
0x2fa: {  	[hbm4b:s28+s3] =	stream.linear.scatter [tilespmem:s29], [sflag:$0x7], $0x80, $0x38;
	[tilespmem:$0x16C00] =	vst v63  }
0x2fb: {  	s28 =	sadd.s32 $0x60, s16;
	s29 =	simm.s32 $0x12B30  }
0x2fc: {  	[hbm4b:s28+s3] =	stream.linear.scatter [tilespmem:s29], [sflag:$0x7], $0x80, $0x38;
	[tilespmem:$0x16C00] =	vst v63  }
0x2fd: {  	s16 =	sadd.s32 $0x70, s16;
	s29 =	simm.s32 $0x12BB8  }
0x2fe: {  	[hbm4b:s16+s3] =	stream.linear.scatter [tilespmem:s29], [sflag:$0x7], $0x80, $0x38;
	[tilespmem:$0x16C00] =	vst v63  }
0x2ff: {  	s16 =	sadd.s32 s14, s7;
	s29 =	simm.s32 $0x12C40  }
0x300: {  	[hbm4b:s16+s3] =	stream.linear.scatter [tilespmem:s29], [sflag:$0x7], $0x80, $0x38;
	[tilespmem:$0x16C00] =	vst v63  }
0x301: {  	s28 =	sadd.s32 $0x10, s16;
	s29 =	simm.s32 $0x12CC8  }
0x302: {  	[hbm4b:s28+s3] =	stream.linear.scatter [tilespmem:s29], [sflag:$0x7], $0x80, $0x38;
	[tilespmem:$0x16C00] =	vst v63  }
0x303: {  	s28 =	sadd.s32 $0x20, s16;
	s29 =	simm.s32 $0x12D50  }
0x304: {  	[hbm4b:s28+s3] =	stream.linear.scatter [tilespmem:s29], [sflag:$0x7], $0x80, $0x38;
	[tilespmem:$0x16C00] =	vst v63  }
0x305: {  	s28 =	sadd.s32 $0x30, s16;
	s29 =	simm.s32 $0x12DD8  }
0x306: {  	[hbm4b:s28+s3] =	stream.linear.scatter [tilespmem:s29], [sflag:$0x7], $0x80, $0x38;
	[tilespmem:$0x16C00] =	vst v63  }
0x307: {  	s28 =	sadd.s32 $0x40, s16;
	s29 =	simm.s32 $0x12E60  }
0x308: {  	[hbm4b:s28+s3] =	stream.linear.scatter [tilespmem:s29], [sflag:$0x7], $0x80, $0x38;
	[tilespmem:$0x16C00] =	vst v63  }
0x309: {  	s28 =	sadd.s32 $0x50, s16;
	s29 =	simm.s32 $0x12EE8  }
0x30a: {  	[hbm4b:s28+s3] =	stream.linear.scatter [tilespmem:s29], [sflag:$0x7], $0x80, $0x38;
	[tilespmem:$0x16C00] =	vst v63  }
0x30b: {  	s28 =	sadd.s32 $0x60, s16;
	s29 =	simm.s32 $0x12F70  }
0x30c: {  	[hbm4b:s28+s3] =	stream.linear.scatter [tilespmem:s29], [sflag:$0x7], $0x80, $0x38;
	[tilespmem:$0x16C00] =	vst v63  }
0x30d: {  	s16 =	sadd.s32 $0x70, s16;
	s29 =	simm.s32 $0x12FF8  }
0x30e: {  	[hbm4b:s16+s3] =	stream.linear.scatter [tilespmem:s29], [sflag:$0x7], $0x80, $0x38;
	[tilespmem:$0x16C00] =	vst v63  }
0x30f: {  	s16 =	sadd.s32 s14, s8;
	s29 =	simm.s32 $0x13080  }
0x310: {  	[hbm4b:s16+s3] =	stream.linear.scatter [tilespmem:s29], [sflag:$0x7], $0x80, $0x38;
	[tilespmem:$0x16C00] =	vst v63  }
0x311: {  	s28 =	sadd.s32 $0x10, s16;
	s29 =	simm.s32 $0x13108  }
0x312: {  	[hbm4b:s28+s3] =	stream.linear.scatter [tilespmem:s29], [sflag:$0x7], $0x80, $0x38;
	[tilespmem:$0x16C00] =	vst v63  }
0x313: {  	s28 =	sadd.s32 $0x20, s16;
	s29 =	simm.s32 $0x13190  }
0x314: {  	[hbm4b:s28+s3] =	stream.linear.scatter [tilespmem:s29], [sflag:$0x7], $0x80, $0x38;
	[tilespmem:$0x16C00] =	vst v63  }
0x315: {  	s28 =	sadd.s32 $0x30, s16;
	s29 =	simm.s32 $0x13218  }
0x316: {  	[hbm4b:s28+s3] =	stream.linear.scatter [tilespmem:s29], [sflag:$0x7], $0x80, $0x38;
	[tilespmem:$0x16C00] =	vst v63  }
0x317: {  	s28 =	sadd.s32 $0x40, s16;
	s29 =	simm.s32 $0x132A0  }
0x318: {  	[hbm4b:s28+s3] =	stream.linear.scatter [tilespmem:s29], [sflag:$0x7], $0x80, $0x38;
	[tilespmem:$0x16C00] =	vst v63  }
0x319: {  	s28 =	sadd.s32 $0x50, s16;
	s29 =	simm.s32 $0x13328  }
0x31a: {  	[hbm4b:s28+s3] =	stream.linear.scatter [tilespmem:s29], [sflag:$0x7], $0x80, $0x38;
	[tilespmem:$0x16C00] =	vst v63  }
0x31b: {  	s28 =	sadd.s32 $0x60, s16;
	s29 =	simm.s32 $0x133B0  }
0x31c: {  	[hbm4b:s28+s3] =	stream.linear.scatter [tilespmem:s29], [sflag:$0x7], $0x80, $0x38;
	[tilespmem:$0x16C00] =	vst v63  }
0x31d: {  	s16 =	sadd.s32 $0x70, s16;
	s29 =	simm.s32 $0x13438  }
0x31e: {  	[hbm4b:s16+s3] =	stream.linear.scatter [tilespmem:s29], [sflag:$0x7], $0x80, $0x38;
	[tilespmem:$0x16C00] =	vst v63  }
0x31f: {  	s16 =	sadd.s32 s14, s9;
	s29 =	simm.s32 $0x134C0  }
0x320: {  	[hbm4b:s16+s3] =	stream.linear.scatter [tilespmem:s29], [sflag:$0x7], $0x80, $0x38;
	[tilespmem:$0x16C00] =	vst v63  }
0x321: {  	s28 =	sadd.s32 $0x10, s16;
	s29 =	simm.s32 $0x13548  }
0x322: {  	[hbm4b:s28+s3] =	stream.linear.scatter [tilespmem:s29], [sflag:$0x7], $0x80, $0x38;
	[tilespmem:$0x16C00] =	vst v63  }
0x323: {  	s28 =	sadd.s32 $0x20, s16;
	s29 =	simm.s32 $0x135D0  }
0x324: {  	[hbm4b:s28+s3] =	stream.linear.scatter [tilespmem:s29], [sflag:$0x7], $0x80, $0x38;
	[tilespmem:$0x16C00] =	vst v63  }
0x325: {  	s28 =	sadd.s32 $0x30, s16;
	s29 =	simm.s32 $0x13658  }
0x326: {  	[hbm4b:s28+s3] =	stream.linear.scatter [tilespmem:s29], [sflag:$0x7], $0x80, $0x38;
	[tilespmem:$0x16C00] =	vst v63  }
0x327: {  	s28 =	sadd.s32 $0x40, s16;
	s29 =	simm.s32 $0x136E0  }
0x328: {  	[hbm4b:s28+s3] =	stream.linear.scatter [tilespmem:s29], [sflag:$0x7], $0x80, $0x38;
	[tilespmem:$0x16C00] =	vst v63  }
0x329: {  	s28 =	sadd.s32 $0x50, s16;
	s29 =	simm.s32 $0x13768  }
0x32a: {  	[hbm4b:s28+s3] =	stream.linear.scatter [tilespmem:s29], [sflag:$0x7], $0x80, $0x38;
	[tilespmem:$0x16C00] =	vst v63  }
0x32b: {  	s28 =	sadd.s32 $0x60, s16;
	s29 =	simm.s32 $0x137F0  }
0x32c: {  	[hbm4b:s28+s3] =	stream.linear.scatter [tilespmem:s29], [sflag:$0x7], $0x80, $0x38;
	[tilespmem:$0x16C00] =	vst v63  }
0x32d: {  	s16 =	sadd.s32 $0x70, s16;
	s29 =	simm.s32 $0x13878  }
0x32e: {  	[hbm4b:s16+s3] =	stream.linear.scatter [tilespmem:s29], [sflag:$0x7], $0x80, $0x38;
	[tilespmem:$0x16C00] =	vst v63  }
0x32f: {  	s16 =	sadd.s32 s14, s10;
	s29 =	simm.s32 $0x13900  }
0x330: {  	[hbm4b:s16+s3] =	stream.linear.scatter [tilespmem:s29], [sflag:$0x7], $0x80, $0x38;
	[tilespmem:$0x16C00] =	vst v63  }
0x331: {  	s28 =	sadd.s32 $0x10, s16;
	s29 =	simm.s32 $0x13988  }
0x332: {  	[hbm4b:s28+s3] =	stream.linear.scatter [tilespmem:s29], [sflag:$0x7], $0x80, $0x38;
	[tilespmem:$0x16C00] =	vst v63  }
0x333: {  	s28 =	sadd.s32 $0x20, s16;
	s29 =	simm.s32 $0x13A10  }
0x334: {  	[hbm4b:s28+s3] =	stream.linear.scatter [tilespmem:s29], [sflag:$0x7], $0x80, $0x38;
	[tilespmem:$0x16C00] =	vst v63  }
0x335: {  	s28 =	sadd.s32 $0x30, s16;
	s29 =	simm.s32 $0x13A98  }
0x336: {  	[hbm4b:s28+s3] =	stream.linear.scatter [tilespmem:s29], [sflag:$0x7], $0x80, $0x38;
	[tilespmem:$0x16C00] =	vst v63  }
0x337: {  	s28 =	sadd.s32 $0x40, s16;
	s29 =	simm.s32 $0x13B20  }
0x338: {  	[hbm4b:s28+s3] =	stream.linear.scatter [tilespmem:s29], [sflag:$0x7], $0x80, $0x38;
	[tilespmem:$0x16C00] =	vst v63  }
0x339: {  	s28 =	sadd.s32 $0x50, s16;
	s29 =	simm.s32 $0x13BA8  }
0x33a: {  	[hbm4b:s28+s3] =	stream.linear.scatter [tilespmem:s29], [sflag:$0x7], $0x80, $0x38;
	[tilespmem:$0x16C00] =	vst v63  }
0x33b: {  	s28 =	sadd.s32 $0x60, s16;
	s29 =	simm.s32 $0x13C30  }
0x33c: {  	[hbm4b:s28+s3] =	stream.linear.scatter [tilespmem:s29], [sflag:$0x7], $0x80, $0x38;
	[tilespmem:$0x16C00] =	vst v63  }
0x33d: {  	s16 =	sadd.s32 $0x70, s16;
	s29 =	simm.s32 $0x13CB8  }
0x33e: {  	[hbm4b:s16+s3] =	stream.linear.scatter [tilespmem:s29], [sflag:$0x7], $0x80, $0x38;
	[tilespmem:$0x16C00] =	vst v63  }
0x33f: {  	s16 =	sadd.s32 s14, s11;
	s29 =	simm.s32 $0x13D40  }
0x340: {  	[hbm4b:s16+s3] =	stream.linear.scatter [tilespmem:s29], [sflag:$0x7], $0x80, $0x38;
	[tilespmem:$0x16C00] =	vst v63  }
0x341: {  	s28 =	sadd.s32 $0x10, s16;
	s29 =	simm.s32 $0x13DC8  }
0x342: {  	[hbm4b:s28+s3] =	stream.linear.scatter [tilespmem:s29], [sflag:$0x7], $0x80, $0x38;
	[tilespmem:$0x16C00] =	vst v63  }
0x343: {  	s28 =	sadd.s32 $0x20, s16;
	s29 =	simm.s32 $0x13E50  }
0x344: {  	[hbm4b:s28+s3] =	stream.linear.scatter [tilespmem:s29], [sflag:$0x7], $0x80, $0x38;
	[tilespmem:$0x16C00] =	vst v63  }
0x345: {  	s28 =	sadd.s32 $0x30, s16;
	s29 =	simm.s32 $0x13ED8  }
0x346: {  	[hbm4b:s28+s3] =	stream.linear.scatter [tilespmem:s29], [sflag:$0x7], $0x80, $0x38;
	[tilespmem:$0x16C00] =	vst v63  }
0x347: {  	s28 =	sadd.s32 $0x40, s16;
	s29 =	simm.s32 $0x13F60  }
0x348: {  	[hbm4b:s28+s3] =	stream.linear.scatter [tilespmem:s29], [sflag:$0x7], $0x80, $0x38;
	[tilespmem:$0x16C00] =	vst v63  }
0x349: {  	s28 =	sadd.s32 $0x50, s16;
	s29 =	simm.s32 $0x13FE8  }
0x34a: {  	[hbm4b:s28+s3] =	stream.linear.scatter [tilespmem:s29], [sflag:$0x7], $0x80, $0x38;
	[tilespmem:$0x16C00] =	vst v63  }
0x34b: {  	s28 =	sadd.s32 $0x60, s16;
	s29 =	simm.s32 $0x14070  }
0x34c: {  	[hbm4b:s28+s3] =	stream.linear.scatter [tilespmem:s29], [sflag:$0x7], $0x80, $0x38;
	[tilespmem:$0x16C00] =	vst v63  }
0x34d: {  	s16 =	sadd.s32 $0x70, s16;
	s29 =	simm.s32 $0x140F8  }
0x34e: {  	[hbm4b:s16+s3] =	stream.linear.scatter [tilespmem:s29], [sflag:$0x7], $0x80, $0x38;
	[tilespmem:$0x16C00] =	vst v63  }
0x34f: {  	s16 =	sadd.s32 s14, s12;
	s29 =	simm.s32 $0x14180  }
0x350: {  	[hbm4b:s16+s3] =	stream.linear.scatter [tilespmem:s29], [sflag:$0x7], $0x80, $0x38;
	[tilespmem:$0x16C00] =	vst v63  }
0x351: {  	s28 =	sadd.s32 $0x10, s16;
	s29 =	simm.s32 $0x14208  }
0x352: {  	[hbm4b:s28+s3] =	stream.linear.scatter [tilespmem:s29], [sflag:$0x7], $0x80, $0x38;
	[tilespmem:$0x16C00] =	vst v63  }
0x353: {  	s28 =	sadd.s32 $0x20, s16;
	s29 =	simm.s32 $0x14290  }
0x354: {  	[hbm4b:s28+s3] =	stream.linear.scatter [tilespmem:s29], [sflag:$0x7], $0x80, $0x38;
	[tilespmem:$0x16C00] =	vst v63  }
0x355: {  	s28 =	sadd.s32 $0x30, s16;
	s29 =	simm.s32 $0x14318  }
0x356: {  	[hbm4b:s28+s3] =	stream.linear.scatter [tilespmem:s29], [sflag:$0x7], $0x80, $0x38;
	[tilespmem:$0x16C00] =	vst v63  }
0x357: {  	s28 =	sadd.s32 $0x40, s16;
	s29 =	simm.s32 $0x143A0  }
0x358: {  	[hbm4b:s28+s3] =	stream.linear.scatter [tilespmem:s29], [sflag:$0x7], $0x80, $0x38;
	[tilespmem:$0x16C00] =	vst v63  }
0x359: {  	s28 =	sadd.s32 $0x50, s16;
	s29 =	simm.s32 $0x14428  }
0x35a: {  	[hbm4b:s28+s3] =	stream.linear.scatter [tilespmem:s29], [sflag:$0x7], $0x80, $0x38;
	[tilespmem:$0x16C00] =	vst v63  }
0x35b: {  	s28 =	sadd.s32 $0x60, s16;
	s29 =	simm.s32 $0x144B0  }
0x35c: {  	[hbm4b:s28+s3] =	stream.linear.scatter [tilespmem:s29], [sflag:$0x7], $0x80, $0x38;
	[tilespmem:$0x16C00] =	vst v63  }
0x35d: {  	s16 =	sadd.s32 $0x70, s16;
	s29 =	simm.s32 $0x14538  }
0x35e: {  	[hbm4b:s16+s3] =	stream.linear.scatter [tilespmem:s29], [sflag:$0x7], $0x80, $0x38;
	[tilespmem:$0x16C00] =	vst v63  }
0x35f: {  	s14 =	sadd.s32 s14, s13;
	s28 =	simm.s32 $0x145C0  }
0x360: {  	[hbm4b:s14+s3] =	stream.linear.scatter [tilespmem:s28], [sflag:$0x7], $0x80, $0x38;
	[tilespmem:$0x16C00] =	vst v63  }
0x361: {  	s16 =	sadd.s32 $0x10, s14;
	s29 =	simm.s32 $0x14648  }
0x362: {  	[hbm4b:s16+s3] =	stream.linear.scatter [tilespmem:s29], [sflag:$0x7], $0x80, $0x38;
	[tilespmem:$0x16C00] =	vst v63  }
0x363: {  	s16 =	sadd.s32 $0x20, s14;
	s29 =	simm.s32 $0x146D0  }
0x364: {  	[hbm4b:s16+s3] =	stream.linear.scatter [tilespmem:s29], [sflag:$0x7], $0x80, $0x38;
	[tilespmem:$0x16C00] =	vst v63  }
0x365: {  	s16 =	sadd.s32 $0x30, s14;
	s29 =	simm.s32 $0x14758  }
0x366: {  	[hbm4b:s16+s3] =	stream.linear.scatter [tilespmem:s29], [sflag:$0x7], $0x80, $0x38;
	[tilespmem:$0x16C00] =	vst v63  }
0x367: {  	s16 =	sadd.s32 $0x40, s14;
	s29 =	simm.s32 $0x147E0  }
0x368: {  	[hbm4b:s16+s3] =	stream.linear.scatter [tilespmem:s29], [sflag:$0x7], $0x80, $0x38;
	[tilespmem:$0x16C00] =	vst v63  }
0x369: {  	s16 =	sadd.s32 $0x50, s14;
	s29 =	simm.s32 $0x14868  }
0x36a: {  	[hbm4b:s16+s3] =	stream.linear.scatter [tilespmem:s29], [sflag:$0x7], $0x80, $0x38;
	[tilespmem:$0x16C00] =	vst v63  }
0x36b: {  	s28 =	simm.s32 $0x14978;
	s16 =	sadd.s32 $0x60, s14;
	s29 =	simm.s32 $0x148F0  }
0x36c: {  	[hbm4b:s16+s3] =	stream.linear.scatter [tilespmem:s29], [sflag:$0x7], $0x80, $0x38;
	[tilespmem:$0x16C00] =	vst v63  }
0x36d: {  	s14 =	sadd.s32 $0x70, s14;
	s16 =	simm.s32 @!p1 $0x80;
	s29 =	simm.s32 $0x0  }
0x36e: {  	[hbm4b:s14+s3] =	stream.linear.scatter [tilespmem:s28], [sflag:$0x7], $0x80, $0x38;
	[tilespmem:$0x16C00] =	vst v63  }
0x36f: {  	v0 =	vmov s29;
	s29 =	simm.s32 $0x3;
	s14 =	sadd.s32 @!p1 $0x300, s20;
	s28 =	simm.s32 $0x2  }
0x370: {  	s20 =	simm.s32 @!p1 $0xA400;
	v4 =	vmov s29;
	s29 =	simm.s32 $0x6;
	v3 =	vmov s28;
	s28 =	simm.s32 $0x5  }
0x371: {  	v0 =	vshrl.u32 v0, $0x3;
	v54 =	vmov s29;
	[tilespmem:s20], [sflag:$0x3] =	stream.indirect.gather @!p1 [hbm4b:s4+s16], $0x40, s14, s16, $0xb8;
	[tilespmem:$0x16C00] =	vst v63  }
0x372: {  	v0 =	vshll.u32 v0, v1;
	v4 =	vshrl.u32 v4, $0x3;
	v53 =	vmov s28;
	s28 =	simm.s32 $0x7  }
0x373: {  	v3 =	vshrl.u32 v3, $0x3;
	v34 =	vshrl.u32 v54, $0x3;
	_ =	swait.ge [sflag:s15], $0x2000;
	v55 =	vmov s28  }
0x374: {  	s20 =	simm.s32 $0x1;
	v39 =	vbroadcast v0, $0x0;
	v4 =	vshll.u32 v4, v1;
	[sflag:s15] =	ssyncset.done $0x0;
	v35 =	vshrl.u32 v55, $0x3  }
0x375: {  	s14 =	simm.s32 $0xC500;
	v2 =	vmov s20;
	v33 =	vshrl.u32 v53, $0x3;
	[sflag:s15] =	ssyncadd.s32 $0xFFFFE000;
	v35 =	vshll.u32 v35, v1  }
0x376: {  	s20 =	simm.s32 $0x4;
	v3 =	vshll.u32 v3, v1;
	v2 =	vshrl.u32 v2, $0x3;
	v0 =	vld [tilespmem:s14+$0xC0];
	v41 =	vbroadcast v35, $0x0  }
0x377: {  	v36 =	vbroadcast v4, $0x0;
	v5 =	vmov s20;
	v2 =	vshll.u32 v2, v1;
	v56 =	vld [tilespmem:s14+$0xFFFFFF00]  }
0x378: {  	v33 =	vshll.u32 v33, v1;
	v57 =	vld [tilespmem:s14+$0xFFFFFF40];
	v40 =	vbroadcast v2, $0x0;
	v2 =	vadd.s32 v17, v41  }
0x379: {  	v58 =	vadd.s32 v6, v39;
	v37 =	vbroadcast v3, $0x0;
	v5 =	vshrl.u32 v5, $0x3;
	v52 =	vld [tilespmem:s14+$0xFFFFFF80]  }
0x37a: {  	v3 =	vshll.u32 v34, v1;
	v5 =	vshll.u32 v5, v1;
	v54 =	vld [tilespmem:s14+$0xFFFFFFC0];
	v53 =	vadd.s32 v10, v40  }
0x37b: {  	v4 =	vadd.s32 v14, v37;
	v55 =	vld [tilespmem:s14+$0x0];
	v35 =	vbroadcast v5, $0x0;
	v0 =	vmul.f32 $8.000000000e+00, v0  }
0x37c: {  	v38 =	vadd.s32 v18, v36;
	v33 =	vbroadcast v33, $0x0;
	v59 =	vld [tilespmem:s14+$0x40];
	v5 =	vmul.f32 $8.000000000e+00, v56  }
0x37d: {  	v34 =	vbroadcast v3, $0x0;
	v61 =	vld [tilespmem:s14+$0x80];
	v60 =	vadd.s32 v22, v35;
	v42 =	vmul.f32 $8.000000000e+00, v57;
	[tilespmem:v2+s22+$0x0] =	vst.idx.msk $0xffff, v0  }
0x37e: {  	v3 =	vadd.s32 v24, v33;
	[tilespmem:v58+s22+$0x0] =	vst.idx.msk $0xffff, v5;
	v2 =	vmul.f32 $8.000000000e+00, v52;
	v5 =	vld [tilespmem:s14+$0xD0]  }
0x37f: {  	v56 =	vmul.f32 $8.000000000e+00, v54;
	v57 =	vadd.s32 v9, v34;
	[tilespmem:v53+s22+$0x0] =	vst.idx.msk $0xffff, v42;
	v43 =	vld [tilespmem:s14+$0xFFFFFF10]  }
0x380: {  	v58 =	vld [tilespmem:s14+$0xFFFFFF50];
	[tilespmem:v4+s22+$0x0] =	vst.idx.msk $0xffff, v2;
	v2 =	vmul.f32 $8.000000000e+00, v55;
	v4 =	vadd.s32 v63, v41  }
0x381: {  	v51 =	vadd.s32 v31, v39;
	v59 =	vmul.f32 $8.000000000e+00, v59;
	[tilespmem:v38+s22+$0x0] =	vst.idx.msk $0xffff, v56;
	v52 =	vld [tilespmem:s14+$0xFFFFFF90]  }
0x382: {  	v48 =	vadd.s32 v7, v40;
	v53 =	vld [tilespmem:s14+$0xFFFFFFD0];
	[tilespmem:v60+s22+$0x0] =	vst.idx.msk $0xffff, v2;
	v2 =	vmul.f32 $8.000000000e+00, v61  }
0x383: {  	v50 =	vadd.s32 v11, v37;
	[tilespmem:v3+s22+$0x0] =	vst.idx.msk $0xffff, v59;
	v54 =	vld [tilespmem:s14+$0x10];
	v3 =	vmul.f32 $8.000000000e+00, v5  }
0x384: {  	v55 =	vld [tilespmem:s14+$0x50];
	v60 =	vmul.f32 $8.000000000e+00, v43;
	v43 =	vadd.s32 v15, v36;
	[tilespmem:v57+s22+$0x0] =	vst.idx.msk $0xffff, v2  }
0x385: {  	v46 =	vadd.s32 v19, v35;
	v61 =	vmul.f32 $8.000000000e+00, v58;
	v56 =	vld [tilespmem:s14+$0x90];
	[tilespmem:v4+s22+$0x0] =	vst.idx.msk $0xffff, v3  }
0x386: {  	[tilespmem:v51+s22+$0x0] =	vst.idx.msk $0xffff, v60;
	v3 =	vmul.f32 $8.000000000e+00, v52;
	v4 =	vadd.s32 v23, v33;
	v38 =	vld [tilespmem:s14+$0xE0]  }
0x387: {  	s28 =	simm.s32 $0xA;
	[tilespmem:v48+s22+$0x0] =	vst.idx.msk $0xffff, v61;
	v60 =	vmul.f32 $8.000000000e+00, v53;
	v48 =	vadd.s32 v26, v34;
	v51 =	vld [tilespmem:s14+$0xFFFFFF20]  }
0x388: {  	s29 =	simm.s32 $0x8;
	v47 =	vmov s28;
	[tilespmem:v50+s22+$0x0] =	vst.idx.msk $0xffff, v3;
	v3 =	vmul.f32 $8.000000000e+00, v54;
	v50 =	vadd.s32 v13, v41  }
0x389: {  	s20 =	simm.s32 $0x9;
	v0 =	vmov s29;
	s29 =	simm.s32 $0xB;
	v61 =	vmul.f32 $8.000000000e+00, v55;
	v54 =	vadd.s32 v8, v39;
	[tilespmem:v43+s22+$0x0] =	vst.idx.msk $0xffff, v60  }
0x38a: {  	v45 =	vmov s20;
	v42 =	vmov s29;
	s29 =	simm.s32 $0xE;
	[tilespmem:v46+s22+$0x0] =	vst.idx.msk $0xffff, v3;
	v3 =	vmul.f32 $8.000000000e+00, v56  }
0x38b: {  	v2 =	vmov s29;
	v52 =	vshrl.u32 v47, $0x3;
	[tilespmem:v4+s22+$0x0] =	vst.idx.msk $0xffff, v61;
	v4 =	vmul.f32 $8.000000000e+00, v38  }
0x38c: {  	s20 =	simm.s32 $0xC;
	v53 =	vshrl.u32 v42, $0x3;
	v42 =	vshrl.u32 v2, $0x3;
	v47 =	vld [tilespmem:s14+$0xFFFFFF60];
	v2 =	vmul.f32 $8.000000000e+00, v51;
	[tilespmem:v48+s22+$0x0] =	vst.idx.msk $0xffff, v3  }
0x38d: {  	v49 =	vmov s20;
	[tilespmem:v50+s22+$0x0] =	vst.idx.msk $0xffff, v4  }
0x38e: {  	v43 =	vshrl.u32 v49, $0x3;
	v49 =	vadd.s32 v12, v40;
	[tilespmem:v54+s22+$0x0] =	vst.idx.msk $0xffff, v2  }
0x38f: {  	v0 =	vshrl.u32 v0, $0x3;
	v4 =	vld [tilespmem:$0x1FF80]  }
0x390: {  	v0 =	vshll.u32 v0, v1  }
0x391: {  	v57 =	vld [tilespmem:s14+$0xFFFFFFA0];
	v38 =	vbroadcast v0, $0x0;
	v0 =	vmul.f32 $8.000000000e+00, v47;
	_ =	sdelay $0x1  }
0x392: {  	v46 =	vadd.s32 v16, v37;
	[tilespmem:v49+s22+$0x0] =	vst.idx.msk $0xffff, v0  }
0x393: {  	v55 =	vadd.s32 v4, v33;
	v4 =	vld [tilespmem:$0x1FF70]  }
0x394: {  	v58 =	vld [tilespmem:s14+$0xFFFFFFE0]  }
0x395: {  	v59 =	vld [tilespmem:s14+$0x20];
	v2 =	vmul.f32 $8.000000000e+00, v57  }
0x396: {  	v61 =	vld [tilespmem:s14+$0x60]  }
0x397: {  	s28 =	simm.s32 $0xD;
	v60 =	vadd.s32 v20, v36;
	v3 =	vadd.s32 v62, v35;
	v62 =	vld [tilespmem:s14+$0xA0];
	[tilespmem:v46+s22+$0x0] =	vst.idx.msk $0xffff, v2  }
0x398: {  	v5 =	vmov s28;
	v51 =	vadd.s32 v4, v34;
	v4 =	vld [tilespmem:$0x1FF60]  }
0x399: {  	v45 =	vshrl.u32 v45, $0x3;
	v5 =	vshrl.u32 v5, $0x3;
	v56 =	vld [tilespmem:s14+$0xF0]  }
0x39a: {  	v44 =	vshll.u32 v52, v1;
	v47 =	vshll.u32 v45, v1;
	v50 =	vld [tilespmem:s14+$0xFFFFFF30];
	v0 =	vmul.f32 $8.000000000e+00, v58  }
0x39b: {  	v45 =	vshll.u32 v53, v1;
	v53 =	vadd.s32 v21, v41;
	v52 =	vld [tilespmem:s14+$0xFFFFFF70];
	v2 =	vmul.f32 $8.000000000e+00, v59  }
0x39c: {  	v41 =	vadd.s32 v28, v40;
	v40 =	vmul.f32 $8.000000000e+00, v62;
	v46 =	vshll.u32 v43, v1;
	v49 =	vld [tilespmem:s14+$0xFFFFFFB0];
	[tilespmem:v60+s22+$0x0] =	vst.idx.msk $0xffff, v0  }
0x39d: {  	s16 =	simm.s32 $0xF;
	s20 =	simm.s32 $0x10;
	v43 =	vshll.u32 v5, v1;
	[tilespmem:v3+s22+$0x0] =	vst.idx.msk $0xffff, v2;
	v54 =	vld [tilespmem:s14+$0xFFFFFFF0];
	v48 =	vadd.s32 v4, v39;
	v39 =	vmul.f32 $8.000000000e+00, v61  }
.LBB2_9:
0x39e: {  	v2 =	vld [tilespmem:$0x1FFA0];
	_ =	sdelay $0x3  }
0x39f: {  	v28 =	vld [tilespmem:$0x1FFB0]  }
0x3a0: {  	v0 =	vmov s16;
	v3 =	vld [tilespmem:s14+$0x30];
	[tilespmem:v55+s22+$0x0] =	vst.idx.msk $0xffff, v39;
	v4 =	vmul.f32 $8.000000000e+00, v56;
	v2 =	vadd.s32 v2, v37  }
0x3a1: {  	v36 =	vadd.s32 v30, v36;
	v0 =	vshrl.u32 v0, $0x3;
	[tilespmem:v51+s22+$0x0] =	vst.idx.msk $0xffff, v40;
	v57 =	vld [tilespmem:s14+$0x70];
	v5 =	vmul.f32 $8.000000000e+00, v50  }
0x3a2: {  	v35 =	vadd.s32 v32, v35;
	v0 =	vshll.u32 v0, v1;
	v59 =	vld [tilespmem:s14+$0xB0];
	s14 =	sadd.s32 $0x200, s14;
	v58 =	vmul.f32 $8.000000000e+00, v52;
	[tilespmem:v53+s22+$0x0] =	vst.idx.msk $0xffff, v4  }
0x3a3: {  	v40 =	vbroadcast v0, $0x0;
	v0 =	vmul.f32 $8.000000000e+00, v49;
	[tilespmem:v48+s22+$0x0] =	vst.idx.msk $0xffff, v5;
	v5 =	vadd.s32 v29, v33;
	v4 =	vld [tilespmem:s14+$0xC0]  }
0x3a4: {  	v61 =	vmul.f32 $8.000000000e+00, v54;
	v34 =	vadd.s32 v28, v34;
	[tilespmem:v41+s22+$0x0] =	vst.idx.msk $0xffff, v58;
	v60 =	vld [tilespmem:s14+$0xFFFFFF00]  }
0x3a5: {  	v39 =	vmovc v38;
	v52 =	vadd.s32 v17, v40;
	v41 =	vbroadcast v47, $0x0;
	v62 =	vld [tilespmem:s14+$0xFFFFFF40];
	[tilespmem:v2+s22+$0x0] =	vst.idx.msk $0xffff, v0;
	v0 =	vmul.f32 $8.000000000e+00, v3  }
0x3a6: {  	v37 =	vbroadcast v44, $0x0;
	[tilespmem:v36+s22+$0x0] =	vst.idx.msk $0xffff, v61;
	v38 =	vmul.f32 $8.000000000e+00, v57;
	v2 =	vadd.s32 v6, v39;
	v3 =	vld [tilespmem:s14+$0xFFFFFF80]  }
0x3a7: {  	v36 =	vbroadcast v45, $0x0;
	v48 =	vld [tilespmem:s14+$0xFFFFFFC0];
	v53 =	vadd.s32 v10, v41;
	[tilespmem:v35+s22+$0x0] =	vst.idx.msk $0xffff, v0;
	v0 =	vmul.f32 $8.000000000e+00, v59  }
0x3a8: {  	v54 =	vadd.s32 v14, v37;
	[tilespmem:v5+s22+$0x0] =	vst.idx.msk $0xffff, v38;
	v4 =	vmul.f32 $8.000000000e+00, v4  }
0x3a9: {  	v33 =	vbroadcast v43, $0x0;
	v56 =	vadd.s32 v18, v36;
	v5 =	vmul.f32 $8.000000000e+00, v60;
	v57 =	vld [tilespmem:s14+$0x40];
	[tilespmem:v34+s22+$0x0] =	vst.idx.msk $0xffff, v0  }
0x3aa: {  	v55 =	vld [tilespmem:s14+$0x0];
	v0 =	vmul.f32 $8.000000000e+00, v62;
	[tilespmem:v52+s22+$0x0] =	vst.idx.msk $0xffff, v4  }
0x3ab: {  	[tilespmem:v2+s22+$0x0] =	vst.idx.msk $0xffff, v5;
	v5 =	vld [tilespmem:s14+$0xD0];
	v2 =	vmul.f32 $8.000000000e+00, v3;
	v3 =	vadd.s32 v24, v33  }
0x3ac: {  	v60 =	vld [tilespmem:s14+$0xFFFFFF10];
	[tilespmem:v53+s22+$0x0] =	vst.idx.msk $0xffff, v0;
	v0 =	vmul.f32 $8.000000000e+00, v48  }
0x3ad: {  	v45 =	vadd.s32 v63, v40;
	v35 =	vbroadcast v46, $0x0;
	[tilespmem:v54+s22+$0x0] =	vst.idx.msk $0xffff, v2  }
0x3ae: {  	v42 =	vshll.u32 v42, v1;
	v51 =	vadd.s32 v31, v39;
	[tilespmem:v56+s22+$0x0] =	vst.idx.msk $0xffff, v0;
	v0 =	vmul.f32 $8.000000000e+00, v57;
	v52 =	vld [tilespmem:s14+$0xFFFFFF90]  }
0x3af: {  	v58 =	vadd.s32 v22, v35;
	v34 =	vbroadcast v42, $0x0;
	v59 =	vld [tilespmem:s14+$0x80]  }
0x3b0: {  	v49 =	vadd.s32 v11, v37;
	v4 =	vmov s20;
	v62 =	vld [tilespmem:s14+$0xFFFFFF50];
	[tilespmem:v3+s22+$0x0] =	vst.idx.msk $0xffff, v0;
	v0 =	vmul.f32 $8.000000000e+00, v5  }
0x3b1: {  	v61 =	vadd.s32 v9, v34;
	v2 =	vmul.f32 $8.000000000e+00, v55;
	v5 =	vmul.f32 $8.000000000e+00, v60;
	v55 =	vld [tilespmem:s14+$0x50]  }
0x3b2: {  	v46 =	vadd.s32 v7, v41;
	v4 =	vshrl.u32 v4, $0x3;
	[tilespmem:v45+s22+$0x0] =	vst.idx.msk $0xffff, v0  }
0x3b3: {  	v0 =	vshll.u32 v4, v1;
	[tilespmem:v51+s22+$0x0] =	vst.idx.msk $0xffff, v5;
	v5 =	vadd.s32 v23, v33;
	v4 =	vmul.f32 $8.000000000e+00, v52;
	v45 =	vld [tilespmem:s14+$0xE0]  }
0x3b4: {  	v63 =	vld [tilespmem:s14+$0xFFFFFFD0];
	[tilespmem:v58+s22+$0x0] =	vst.idx.msk $0xffff, v2;
	v2 =	vmul.f32 $8.000000000e+00, v59  }
0x3b5: {  	v54 =	vld [tilespmem:s14+$0x10];
	v60 =	vmul.f32 $8.000000000e+00, v62;
	[tilespmem:v49+s22+$0x0] =	vst.idx.msk $0xffff, v4;
	v49 =	vadd.s32 v13, v40  }
0x3b6: {  	v42 =	vadd.s32 v15, v36;
	[tilespmem:v61+s22+$0x0] =	vst.idx.msk $0xffff, v2;
	v55 =	vmul.f32 $8.000000000e+00, v55  }
0x3b7: {  	v61 =	vadd.s32 v19, v35;
	v62 =	vld [tilespmem:s14+$0x90];
	[tilespmem:v46+s22+$0x0] =	vst.idx.msk $0xffff, v60  }
0x3b8: {  	[tilespmem:v5+s22+$0x0] =	vst.idx.msk $0xffff, v55;
	v5 =	vmul.f32 $8.000000000e+00, v45  }
0x3b9: {  	v63 =	vmul.f32 $8.000000000e+00, v63;
	v46 =	vadd.s32 v26, v34;
	v52 =	vld [tilespmem:s14+$0xFFFFFF60]  }
0x3ba: {  	v4 =	vmul.f32 $8.000000000e+00, v54;
	[tilespmem:v49+s22+$0x0] =	vst.idx.msk $0xffff, v5;
	v5 =	vld [tilespmem:$0x1FF80]  }
0x3bb: {  	s28 =	sadd.s32 $0x1, s20;
	v51 =	vld [tilespmem:s14+$0xFFFFFF20];
	[tilespmem:v42+s22+$0x0] =	vst.idx.msk $0xffff, v63  }
0x3bc: {  	v47 =	vmov s28;
	s28 =	sadd.s32 $0x3, s20;
	v58 =	vadd.s32 v12, v41;
	v59 =	vld [tilespmem:s14+$0xFFFFFFE0];
	[tilespmem:v61+s22+$0x0] =	vst.idx.msk $0xffff, v4;
	v4 =	vmul.f32 $8.000000000e+00, v62  }
0x3bd: {  	v38 =	vmov s28;
	v57 =	vld [tilespmem:s14+$0xFFFFFFA0]  }
0x3be: {  	v53 =	vshrl.u32 v38, $0x3;
	v61 =	vadd.s32 v20, v36;
	[tilespmem:v46+s22+$0x0] =	vst.idx.msk $0xffff, v4;
	v4 =	vld [tilespmem:$0x1FF90]  }
0x3bf: {  	s29 =	sadd.s32 $0x2, s20;
	v38 =	vbroadcast v0, $0x0;
	v0 =	vmul.f32 $8.000000000e+00, v52;
	v55 =	vadd.s32 v5, v33;
	v5 =	vld [tilespmem:$0x1FF70]  }
0x3c0: {  	v50 =	vmov s29;
	s29 =	sadd.s32 $0x4, s20;
	v54 =	vadd.s32 v8, v39;
	v60 =	vld [tilespmem:s14+$0x20]  }
0x3c1: {  	v43 =	vmov s29;
	s29 =	sadd.s32 $0x6, s20;
	v62 =	vld [tilespmem:s14+$0x60];
	[tilespmem:v58+s22+$0x0] =	vst.idx.msk $0xffff, v0;
	v0 =	vmul.f32 $8.000000000e+00, v59  }
0x3c2: {  	v48 =	vadd.s32 v16, v37;
	v2 =	vmov s29;
	v63 =	vld [tilespmem:s14+$0xA0]  }
0x3c3: {  	v50 =	vshrl.u32 v50, $0x3;
	v42 =	vshrl.u32 v2, $0x3;
	v2 =	vmul.f32 $8.000000000e+00, v51;
	[tilespmem:v61+s22+$0x0] =	vst.idx.msk $0xffff, v0;
	v0 =	vld [tilespmem:$0x1FF50]  }
0x3c4: {  	p2 =	slt.u32 s20, $0x78;
	v44 =	vshll.u32 v50, v1;
	s28 =	sadd.s32 $0x5, s20;
	v4 =	vadd.s32 v4, v35;
	v51 =	vadd.s32 v5, v34;
	v5 =	vld [tilespmem:$0x1FF60]  }
.Ltmp5:
0x3c5: {  	v47 =	vshrl.u32 v47, $0x3;
	v3 =	vmov s28;
	[tilespmem:v54+s22+$0x0] =	vst.idx.msk $0xffff, v2;
	v2 =	vmul.f32 $8.000000000e+00, v57;
	v56 =	vld [tilespmem:s14+$0xF0];
	(pc) =	sbr.rel @p2 .LBB2_9-.Ltmp5, $4  }
0x3c6: {  	v43 =	vshrl.u32 v43, $0x3;
	v47 =	vshll.u32 v47, v1;
	v3 =	vshrl.u32 v3, $0x3;
	v50 =	vld [tilespmem:s14+$0xFFFFFF30]  }
0x3c7: {  	v45 =	vshll.u32 v53, v1;
	v53 =	vadd.s32 v21, v40;
	v52 =	vld [tilespmem:s14+$0xFFFFFF70];
	[tilespmem:v48+s22+$0x0] =	vst.idx.msk $0xffff, v2;
	v2 =	vmul.f32 $8.000000000e+00, v60  }
0x3c8: {  	v46 =	vshll.u32 v43, v1;
	v43 =	vshll.u32 v3, v1;
	v49 =	vld [tilespmem:s14+$0xFFFFFFB0];
	v40 =	vmul.f32 $8.000000000e+00, v63;
	v63 =	vmovc v25  }
0x3c9: {  	s16 =	sadd.s32 $0x7, s20;
	s20 =	sadd.s32 $0x8, s20;
	v54 =	vld [tilespmem:s14+$0xFFFFFFF0];
	v41 =	vadd.s32 v0, v41;
	[tilespmem:v4+s22+$0x0] =	vst.idx.msk $0xffff, v2;
	v48 =	vadd.s32 v5, v39;
	v39 =	vmul.f32 $8.000000000e+00, v62  }
0x3ca: {  	_ =	sdelay $0x3  }
0x3cb: {  	v61 =	vld [tilespmem:$0x1FFA0];
	v4 =	vmul.f32 $8.000000000e+00, v56;
	[tilespmem:v51+s22+$0x0] =	vst.idx.msk $0xffff, v40  }
0x3cc: {  	[tilespmem:v55+s22+$0x0] =	vst.idx.msk $0xffff, v39;
	v5 =	vmul.f32 $8.000000000e+00, v50  }
0x3cd: {  	v52 =	vmul.f32 $8.000000000e+00, v52;
	[tilespmem:v53+s22+$0x0] =	vst.idx.msk $0xffff, v4  }
0x3ce: {  	[tilespmem:v48+s22+$0x0] =	vst.idx.msk $0xffff, v5  }
0x3cf: {  	v0 =	vmov s16;
	v62 =	vld [tilespmem:s14+$0x70];
	[tilespmem:v41+s22+$0x0] =	vst.idx.msk $0xffff, v52  }
0x3d0: {  	v36 =	vadd.s32 v30, v36;
	v58 =	vmovc v32;
	v35 =	vadd.s32 v32, v35;
	v0 =	vshrl.u32 v0, $0x3;
	v32 =	vld [tilespmem:$0x1FFB0]  }
0x3d1: {  	v3 =	vld [tilespmem:s14+$0x30];
	s16 =	sadd.s32 $0x200, s14;
	v0 =	vshll.u32 v0, v1;
	v2 =	vadd.s32 v61, v37  }
0x3d2: {  	v33 =	vadd.s32 v29, v33;
	v4 =	vld [tilespmem:s16+$0xC0];
	v0 =	vbroadcast v0, $0x0  }
0x3d3: {  	v40 =	vld [tilespmem:s14+$0xB0];
	v57 =	vmul.f32 $8.000000000e+00, v54  }
0x3d4: {  	v42 =	vshll.u32 v42, v1;
	v55 =	vld [tilespmem:s16+$0xFFFFFF00];
	v53 =	vmul.f32 $8.000000000e+00, v49;
	v59 =	vadd.s32 v17, v0  }
0x3d5: {  	v47 =	vbroadcast v47, $0x0;
	v41 =	vld [tilespmem:s16+$0xFFFFFF40];
	[tilespmem:v36+s22+$0x0] =	vst.idx.msk $0xffff, v57;
	v56 =	vmul.f32 $8.000000000e+00, v62;
	v34 =	vadd.s32 v32, v34  }
0x3d6: {  	v44 =	vbroadcast v44, $0x0;
	v60 =	vld [tilespmem:s16+$0xFFFFFF80];
	[tilespmem:v2+s22+$0x0] =	vst.idx.msk $0xffff, v53;
	v2 =	vmul.f32 $8.000000000e+00, v3;
	v3 =	vadd.s32 v6, v38  }
0x3d7: {  	v45 =	vbroadcast v45, $0x0;
	v57 =	vadd.s32 v10, v47;
	v62 =	vld [tilespmem:s16+$0xFFFFFFC0];
	v4 =	vmul.f32 $8.000000000e+00, v4;
	[tilespmem:v33+s22+$0x0] =	vst.idx.msk $0xffff, v56  }
0x3d8: {  	v46 =	vbroadcast v46, $0x0;
	v52 =	vadd.s32 v14, v44;
	v53 =	vld [tilespmem:s16+$0x0];
	[tilespmem:v35+s22+$0x0] =	vst.idx.msk $0xffff, v2;
	v2 =	vmul.f32 $8.000000000e+00, v40  }
0x3d9: {  	v43 =	vbroadcast v43, $0x0;
	v54 =	vmul.f32 $8.000000000e+00, v55;
	v55 =	vadd.s32 v18, v45;
	v56 =	vld [tilespmem:s16+$0x40];
	[tilespmem:v59+s22+$0x0] =	vst.idx.msk $0xffff, v4  }
0x3da: {  	v42 =	vbroadcast v42, $0x0;
	[tilespmem:v34+s22+$0x0] =	vst.idx.msk $0xffff, v2;
	v2 =	vmul.f32 $8.000000000e+00, v41;
	v34 =	vadd.s32 v22, v46;
	v41 =	vld [tilespmem:s16+$0x80]  }
0x3db: {  	v59 =	vadd.s32 v24, v43;
	[tilespmem:v3+s22+$0x0] =	vst.idx.msk $0xffff, v54;
	v3 =	vmul.f32 $8.000000000e+00, v60;
	v60 =	vld [tilespmem:s16+$0xD0]  }
0x3dc: {  	v37 =	vadd.s32 v9, v42;
	v33 =	vld [tilespmem:s16+$0xFFFFFF10];
	[tilespmem:v57+s22+$0x0] =	vst.idx.msk $0xffff, v2;
	v2 =	vmul.f32 $8.000000000e+00, v62  }
0x3dd: {  	v35 =	vadd.s32 v63, v0;
	[tilespmem:v52+s22+$0x0] =	vst.idx.msk $0xffff, v3;
	v3 =	vmul.f32 $8.000000000e+00, v53;
	v62 =	vld [tilespmem:s16+$0xFFFFFF50]  }
0x3de: {  	v40 =	vadd.s32 v31, v38;
	v57 =	vld [tilespmem:s16+$0xFFFFFF90];
	[tilespmem:v55+s22+$0x0] =	vst.idx.msk $0xffff, v2;
	v2 =	vmul.f32 $8.000000000e+00, v56  }
0x3df: {  	v36 =	vadd.s32 v7, v47;
	v52 =	vld [tilespmem:s16+$0xFFFFFFD0];
	[tilespmem:v34+s22+$0x0] =	vst.idx.msk $0xffff, v3;
	v3 =	vmul.f32 $8.000000000e+00, v41  }
0x3e0: {  	v53 =	vadd.s32 v11, v44;
	v55 =	vld [tilespmem:s16+$0x10];
	[tilespmem:v59+s22+$0x0] =	vst.idx.msk $0xffff, v2;
	v2 =	vmul.f32 $8.000000000e+00, v60  }
0x3e1: {  	v5 =	vadd.s32 v15, v45;
	v59 =	vmul.f32 $8.000000000e+00, v33;
	v60 =	vld [tilespmem:s16+$0x50];
	[tilespmem:v37+s22+$0x0] =	vst.idx.msk $0xffff, v3  }
0x3e2: {  	v3 =	vmul.f32 $8.000000000e+00, v62;
	v62 =	vadd.s32 v19, v46;
	v63 =	vld [tilespmem:s16+$0x90];
	[tilespmem:v35+s22+$0x0] =	vst.idx.msk $0xffff, v2  }
0x3e3: {  	v56 =	vadd.s32 v23, v43;
	[tilespmem:v40+s22+$0x0] =	vst.idx.msk $0xffff, v59;
	v2 =	vmul.f32 $8.000000000e+00, v57;
	v35 =	vld [tilespmem:s16+$0xE0]  }
0x3e4: {  	v40 =	vld [tilespmem:s16+$0xFFFFFF20];
	[tilespmem:v36+s22+$0x0] =	vst.idx.msk $0xffff, v3;
	v3 =	vmul.f32 $8.000000000e+00, v52;
	v36 =	vadd.s32 v26, v42  }
0x3e5: {  	v34 =	vadd.s32 v13, v0;
	[tilespmem:v53+s22+$0x0] =	vst.idx.msk $0xffff, v2;
	v59 =	vld [tilespmem:s16+$0xFFFFFF60];
	v2 =	vmul.f32 $8.000000000e+00, v55  }
0x3e6: {  	v41 =	vadd.s32 v8, v38;
	[tilespmem:v5+s22+$0x0] =	vst.idx.msk $0xffff, v3;
	v3 =	vmul.f32 $8.000000000e+00, v60  }
0x3e7: {  	v49 =	vld [tilespmem:s16+$0xFFFFFFA0];
	v5 =	vadd.s32 v12, v47;
	[tilespmem:v62+s22+$0x0] =	vst.idx.msk $0xffff, v2;
	v2 =	vmul.f32 $8.000000000e+00, v63  }
0x3e8: {  	v60 =	vld [tilespmem:s16+$0xFFFFFFE0];
	[tilespmem:v56+s22+$0x0] =	vst.idx.msk $0xffff, v3;
	v3 =	vmul.f32 $8.000000000e+00, v35  }
0x3e9: {  	v62 =	vadd.s32 v16, v44;
	v63 =	vld [tilespmem:s16+$0x20];
	v53 =	vmul.f32 $8.000000000e+00, v40;
	[tilespmem:v36+s22+$0x0] =	vst.idx.msk $0xffff, v2  }
0x3ea: {  	v55 =	vadd.s32 v20, v45;
	v2 =	vmul.f32 $8.000000000e+00, v59;
	v59 =	vld [tilespmem:$0x1FF90];
	[tilespmem:v34+s22+$0x0] =	vst.idx.msk $0xffff, v3  }
0x3eb: {  	v56 =	vld [tilespmem:s16+$0x60];
	[tilespmem:v41+s22+$0x0] =	vst.idx.msk $0xffff, v53  }
0x3ec: {  	v3 =	vmul.f32 $8.000000000e+00, v49;
	v4 =	vld [tilespmem:$0x1FF80];
	[tilespmem:v5+s22+$0x0] =	vst.idx.msk $0xffff, v2  }
0x3ed: {  	v2 =	vmul.f32 $8.000000000e+00, v60;
	v5 =	vld [tilespmem:$0x1FF70]  }
0x3ee: {  	v48 =	vld [tilespmem:s16+$0xA0];
	[tilespmem:v62+s22+$0x0] =	vst.idx.msk $0xffff, v3  }
0x3ef: {  	v60 =	vld [tilespmem:$0x1FF60];
	[tilespmem:v55+s22+$0x0] =	vst.idx.msk $0xffff, v2  }
0x3f0: {  	v36 =	vadd.s32 v59, v46;
	v62 =	vld [tilespmem:$0x1FF50]  }
0x3f1: {  	v9 =	vmovc v15;
	v15 =	vmov v20;
	v34 =	vld [tilespmem:s16+$0xF0];
	v20 =	vmov v4;
	v4 =	vadd.s32 v4, v43  }
0x3f2: {  	v41 =	vld [tilespmem:s16+$0xFFFFFF30];
	v51 =	vmov v5;
	v5 =	vadd.s32 v5, v42  }
0x3f3: {  	v0 =	vadd.s32 v21, v0;
	v33 =	vld [tilespmem:s16+$0xFFFFFF70];
	v3 =	vmul.f32 $8.000000000e+00, v63  }
0x3f4: {  	v2 =	vmul.f32 $8.000000000e+00, v56;
	v37 =	vadd.s32 v60, v38;
	v38 =	vld [tilespmem:s16+$0xFFFFFFB0]  }
0x3f5: {  	v63 =	vadd.s32 v62, v47;
	v47 =	vld [tilespmem:s16+$0xFFFFFFF0];
	[tilespmem:v36+s22+$0x0] =	vst.idx.msk $0xffff, v3;
	v3 =	vmul.f32 $8.000000000e+00, v48  }
0x3f6: {  	v28 =	vmovc v19;
	v50 =	vadd.s32 v61, v44;
	v19 =	vmov v16;
	v53 =	vld [tilespmem:s16+$0x30];
	[tilespmem:v4+s22+$0x0] =	vst.idx.msk $0xffff, v2;
	v2 =	vmul.f32 $8.000000000e+00, v34  }
0x3f7: {  	v16 =	vmovc v59;
	v59 =	vadd.s32 v30, v45;
	v55 =	vmul.f32 $8.000000000e+00, v41;
	v49 =	vmov v60;
	v60 =	vld [tilespmem:s16+$0x70];
	[tilespmem:v5+s22+$0x0] =	vst.idx.msk $0xffff, v3  }
0x3f8: {  	v61 =	vadd.s32 v58, v46;
	v56 =	vmov v62;
	v3 =	vmul.f32 $8.000000000e+00, v33;
	[tilespmem:v0+s22+$0x0] =	vst.idx.msk $0xffff, v2;
	v62 =	vld [tilespmem:s16+$0xB0]  }
0x3f9: {  	v2 =	vadd.s32 v29, v43;
	[tilespmem:v37+s22+$0x0] =	vst.idx.msk $0xffff, v55;
	v0 =	vmul.f32 $8.000000000e+00, v38  }
0x3fa: {  	[tilespmem:v63+s22+$0x0] =	vst.idx.msk $0xffff, v3;
	v3 =	vmul.f32 $8.000000000e+00, v47;
	v63 =	vadd.s32 v32, v42  }
0x3fb: {  	[tilespmem:v50+s22+$0x0] =	vst.idx.msk $0xffff, v0;
	v0 =	vmul.f32 $8.000000000e+00, v53  }
0x3fc: {  	[tilespmem:v59+s22+$0x0] =	vst.idx.msk $0xffff, v3;
	v3 =	vmul.f32 $8.000000000e+00, v60  }
0x3fd: {  	s20 =	sor.u32 $0x3, s19;
	[tilespmem:v61+s22+$0x0] =	vst.idx.msk $0xffff, v0;
	v0 =	vmul.f32 $8.000000000e+00, v62  }
0x3fe: {  	s14 =	sadd.s32 s5, s20;
	[tilespmem:v2+s22+$0x0] =	vst.idx.msk $0xffff, v3  }
0x3ff: {  	s28 =	sshll.u32 s14, $0xA;
	s14 =	sshll.u32 s14, $0x7;
	s16 =	simm.s32 @!p0 $0x8;
	[tilespmem:v63+s22+$0x0] =	vst.idx.msk $0xffff, v0  }
0x400: {  	s19 =	sand.u32 $0x7FFF8000, s28;
	s14 =	sand.u32 $0xF80, s14;
	_ =	swait.ge @!p0 [sflag:s16], $0x2000  }
0x401: {  	s14 =	sor.u32 s14, s19;
	[sflag:s16] =	ssyncset.done @!p0 $0x0  }
0x402: {  	[sflag:s16] =	ssyncadd.s32 @!p0 $0xFFFFE000;
	s16 =	sadd.s32 s2, s14  }
0x403: {  	[hbm4b:s16+s3] =	stream.linear.scatter [tilespmem:s22], [sflag:$0x8], $0x80, $0x38;
	[tilespmem:$0x16C00] =	vst v63  }
0x404: {  	s20 =	simm.s32 $0x14A88;
	s29 =	sadd.s32 $0x10, s16  }
0x405: {  	[hbm4b:s29+s3] =	stream.linear.scatter [tilespmem:s20], [sflag:$0x8], $0x80, $0x38;
	[tilespmem:$0x16C00] =	vst v63  }
0x406: {  	s28 =	sadd.s32 $0x20, s16;
	s29 =	simm.s32 $0x14B10  }
0x407: {  	[hbm4b:s28+s3] =	stream.linear.scatter [tilespmem:s29], [sflag:$0x8], $0x80, $0x38;
	[tilespmem:$0x16C00] =	vst v63  }
0x408: {  	s28 =	sadd.s32 $0x30, s16;
	s29 =	simm.s32 $0x14B98  }
0x409: {  	[hbm4b:s28+s3] =	stream.linear.scatter [tilespmem:s29], [sflag:$0x8], $0x80, $0x38;
	[tilespmem:$0x16C00] =	vst v63  }
0x40a: {  	s28 =	sadd.s32 $0x40, s16;
	s29 =	simm.s32 $0x14C20  }
0x40b: {  	[hbm4b:s28+s3] =	stream.linear.scatter [tilespmem:s29], [sflag:$0x8], $0x80, $0x38;
	[tilespmem:$0x16C00] =	vst v63  }
0x40c: {  	s28 =	sadd.s32 $0x50, s16;
	s29 =	simm.s32 $0x14CA8  }
0x40d: {  	[hbm4b:s28+s3] =	stream.linear.scatter [tilespmem:s29], [sflag:$0x8], $0x80, $0x38;
	[tilespmem:$0x16C00] =	vst v63  }
0x40e: {  	s20 =	sadd.s32 $0x60, s16;
	s28 =	simm.s32 $0x14D30  }
0x40f: {  	[hbm4b:s20+s3] =	stream.linear.scatter [tilespmem:s28], [sflag:$0x8], $0x80, $0x38;
	[tilespmem:$0x16C00] =	vst v63  }
0x410: {  	s16 =	sadd.s32 $0x70, s16;
	s29 =	simm.s32 $0x14DB8  }
0x411: {  	[hbm4b:s16+s3] =	stream.linear.scatter [tilespmem:s29], [sflag:$0x8], $0x80, $0x38;
	[tilespmem:$0x16C00] =	vst v63  }
0x412: {  	s20 =	simm.s32 $0x14E40;
	s16 =	sadd.s32 s14, s7  }
0x413: {  	[hbm4b:s16+s3] =	stream.linear.scatter [tilespmem:s20], [sflag:$0x8], $0x80, $0x38;
	[tilespmem:$0x16C00] =	vst v63  }
0x414: {  	s29 =	simm.s32 $0x14EC8;
	s28 =	sadd.s32 $0x10, s16  }
0x415: {  	[hbm4b:s28+s3] =	stream.linear.scatter [tilespmem:s29], [sflag:$0x8], $0x80, $0x38;
	[tilespmem:$0x16C00] =	vst v63  }
0x416: {  	s28 =	sadd.s32 $0x20, s16;
	s29 =	simm.s32 $0x14F50  }
0x417: {  	[hbm4b:s28+s3] =	stream.linear.scatter [tilespmem:s29], [sflag:$0x8], $0x80, $0x38;
	[tilespmem:$0x16C00] =	vst v63  }
0x418: {  	s28 =	sadd.s32 $0x30, s16;
	s29 =	simm.s32 $0x14FD8  }
0x419: {  	[hbm4b:s28+s3] =	stream.linear.scatter [tilespmem:s29], [sflag:$0x8], $0x80, $0x38;
	[tilespmem:$0x16C00] =	vst v63  }
0x41a: {  	s28 =	sadd.s32 $0x40, s16;
	s29 =	simm.s32 $0x15060  }
0x41b: {  	[hbm4b:s28+s3] =	stream.linear.scatter [tilespmem:s29], [sflag:$0x8], $0x80, $0x38;
	[tilespmem:$0x16C00] =	vst v63  }
0x41c: {  	s28 =	sadd.s32 $0x50, s16;
	s29 =	simm.s32 $0x150E8  }
0x41d: {  	[hbm4b:s28+s3] =	stream.linear.scatter [tilespmem:s29], [sflag:$0x8], $0x80, $0x38;
	[tilespmem:$0x16C00] =	vst v63  }
0x41e: {  	s20 =	sadd.s32 $0x60, s16;
	s28 =	simm.s32 $0x15170  }
0x41f: {  	[hbm4b:s20+s3] =	stream.linear.scatter [tilespmem:s28], [sflag:$0x8], $0x80, $0x38;
	[tilespmem:$0x16C00] =	vst v63  }
0x420: {  	s16 =	sadd.s32 $0x70, s16;
	s29 =	simm.s32 $0x151F8  }
0x421: {  	[hbm4b:s16+s3] =	stream.linear.scatter [tilespmem:s29], [sflag:$0x8], $0x80, $0x38;
	[tilespmem:$0x16C00] =	vst v63  }
0x422: {  	s20 =	simm.s32 $0x15280;
	s16 =	sadd.s32 s14, s8  }
0x423: {  	[hbm4b:s16+s3] =	stream.linear.scatter [tilespmem:s20], [sflag:$0x8], $0x80, $0x38;
	[tilespmem:$0x16C00] =	vst v63  }
0x424: {  	s29 =	simm.s32 $0x15308;
	s28 =	sadd.s32 $0x10, s16  }
0x425: {  	[hbm4b:s28+s3] =	stream.linear.scatter [tilespmem:s29], [sflag:$0x8], $0x80, $0x38;
	[tilespmem:$0x16C00] =	vst v63  }
0x426: {  	s28 =	sadd.s32 $0x20, s16;
	s29 =	simm.s32 $0x15390  }
0x427: {  	[hbm4b:s28+s3] =	stream.linear.scatter [tilespmem:s29], [sflag:$0x8], $0x80, $0x38;
	[tilespmem:$0x16C00] =	vst v63  }
0x428: {  	s28 =	sadd.s32 $0x30, s16;
	s29 =	simm.s32 $0x15418  }
0x429: {  	[hbm4b:s28+s3] =	stream.linear.scatter [tilespmem:s29], [sflag:$0x8], $0x80, $0x38;
	[tilespmem:$0x16C00] =	vst v63  }
0x42a: {  	s28 =	sadd.s32 $0x40, s16;
	s29 =	simm.s32 $0x154A0  }
0x42b: {  	[hbm4b:s28+s3] =	stream.linear.scatter [tilespmem:s29], [sflag:$0x8], $0x80, $0x38;
	[tilespmem:$0x16C00] =	vst v63  }
0x42c: {  	s28 =	sadd.s32 $0x50, s16;
	s29 =	simm.s32 $0x15528  }
0x42d: {  	[hbm4b:s28+s3] =	stream.linear.scatter [tilespmem:s29], [sflag:$0x8], $0x80, $0x38;
	[tilespmem:$0x16C00] =	vst v63  }
0x42e: {  	s20 =	sadd.s32 $0x60, s16;
	s28 =	simm.s32 $0x155B0  }
0x42f: {  	[hbm4b:s20+s3] =	stream.linear.scatter [tilespmem:s28], [sflag:$0x8], $0x80, $0x38;
	[tilespmem:$0x16C00] =	vst v63  }
0x430: {  	s16 =	sadd.s32 $0x70, s16;
	s29 =	simm.s32 $0x15638  }
0x431: {  	[hbm4b:s16+s3] =	stream.linear.scatter [tilespmem:s29], [sflag:$0x8], $0x80, $0x38;
	[tilespmem:$0x16C00] =	vst v63  }
0x432: {  	s20 =	simm.s32 $0x156C0;
	s16 =	sadd.s32 s14, s9  }
0x433: {  	[hbm4b:s16+s3] =	stream.linear.scatter [tilespmem:s20], [sflag:$0x8], $0x80, $0x38;
	[tilespmem:$0x16C00] =	vst v63  }
0x434: {  	s29 =	simm.s32 $0x15748;
	s28 =	sadd.s32 $0x10, s16  }
0x435: {  	[hbm4b:s28+s3] =	stream.linear.scatter [tilespmem:s29], [sflag:$0x8], $0x80, $0x38;
	[tilespmem:$0x16C00] =	vst v63  }
0x436: {  	s28 =	sadd.s32 $0x20, s16;
	s29 =	simm.s32 $0x157D0  }
0x437: {  	[hbm4b:s28+s3] =	stream.linear.scatter [tilespmem:s29], [sflag:$0x8], $0x80, $0x38;
	[tilespmem:$0x16C00] =	vst v63  }
0x438: {  	s28 =	sadd.s32 $0x30, s16;
	s29 =	simm.s32 $0x15858  }
0x439: {  	[hbm4b:s28+s3] =	stream.linear.scatter [tilespmem:s29], [sflag:$0x8], $0x80, $0x38;
	[tilespmem:$0x16C00] =	vst v63  }
0x43a: {  	s28 =	sadd.s32 $0x40, s16;
	s29 =	simm.s32 $0x158E0  }
0x43b: {  	[hbm4b:s28+s3] =	stream.linear.scatter [tilespmem:s29], [sflag:$0x8], $0x80, $0x38;
	[tilespmem:$0x16C00] =	vst v63  }
0x43c: {  	s28 =	sadd.s32 $0x50, s16;
	s29 =	simm.s32 $0x15968  }
0x43d: {  	[hbm4b:s28+s3] =	stream.linear.scatter [tilespmem:s29], [sflag:$0x8], $0x80, $0x38;
	[tilespmem:$0x16C00] =	vst v63  }
0x43e: {  	s28 =	sadd.s32 $0x60, s16;
	s29 =	simm.s32 $0x159F0  }
0x43f: {  	[hbm4b:s28+s3] =	stream.linear.scatter [tilespmem:s29], [sflag:$0x8], $0x80, $0x38;
	[tilespmem:$0x16C00] =	vst v63  }
0x440: {  	s20 =	simm.s32 $0x15A78;
	s16 =	sadd.s32 $0x70, s16  }
0x441: {  	[hbm4b:s16+s3] =	stream.linear.scatter [tilespmem:s20], [sflag:$0x8], $0x80, $0x38;
	[tilespmem:$0x16C00] =	vst v63  }
0x442: {  	s16 =	sadd.s32 s14, s10  }
0x443: {  	[hbm4b:s16+s3] =	stream.linear.scatter [tilespmem:s31], [sflag:$0x8], $0x80, $0x38;
	[tilespmem:$0x16C00] =	vst v63  }
0x444: {  	s28 =	sadd.s32 $0x10, s16  }
0x445: {  	[hbm4b:s28+s3] =	stream.linear.scatter [tilespmem:s1], [sflag:$0x8], $0x80, $0x38;
	[tilespmem:$0x16C00] =	vst v63  }
0x446: {  	s29 =	sadd.s32 $0x20, s16  }
0x447: {  	[hbm4b:s29+s3] =	stream.linear.scatter [tilespmem:s0], [sflag:$0x8], $0x80, $0x38;
	[tilespmem:$0x16C00] =	vst v63  }
0x448: {  	s20 =	sadd.s32 $0x30, s16  }
0x449: {  	[hbm4b:s20+s3] =	stream.linear.scatter [tilespmem:s17], [sflag:$0x8], $0x80, $0x38;
	[tilespmem:$0x16C00] =	vst v63  }
0x44a: {  	s28 =	sadd.s32 $0x40, s16;
	s29 =	simm.s32 $0x15D20  }
0x44b: {  	[hbm4b:s28+s3] =	stream.linear.scatter [tilespmem:s29], [sflag:$0x8], $0x80, $0x38;
	[tilespmem:$0x16C00] =	vst v63  }
0x44c: {  	s28 =	sadd.s32 $0x50, s16;
	s29 =	simm.s32 $0x15DA8  }
0x44d: {  	[hbm4b:s28+s3] =	stream.linear.scatter [tilespmem:s29], [sflag:$0x8], $0x80, $0x38;
	[tilespmem:$0x16C00] =	vst v63  }
0x44e: {  	s20 =	sadd.s32 $0x60, s16;
	s28 =	simm.s32 $0x15E30  }
0x44f: {  	[hbm4b:s20+s3] =	stream.linear.scatter [tilespmem:s28], [sflag:$0x8], $0x80, $0x38;
	[tilespmem:$0x16C00] =	vst v63  }
0x450: {  	s16 =	sadd.s32 $0x70, s16;
	s29 =	simm.s32 $0x15EB8  }
0x451: {  	[hbm4b:s16+s3] =	stream.linear.scatter [tilespmem:s29], [sflag:$0x8], $0x80, $0x38;
	[tilespmem:$0x16C00] =	vst v63  }
0x452: {  	s20 =	simm.s32 $0x15F40;
	s16 =	sadd.s32 s14, s11  }
0x453: {  	[hbm4b:s16+s3] =	stream.linear.scatter [tilespmem:s20], [sflag:$0x8], $0x80, $0x38;
	[tilespmem:$0x16C00] =	vst v63  }
0x454: {  	s29 =	simm.s32 $0x15FC8;
	s28 =	sadd.s32 $0x10, s16  }
0x455: {  	[hbm4b:s28+s3] =	stream.linear.scatter [tilespmem:s29], [sflag:$0x8], $0x80, $0x38;
	[tilespmem:$0x16C00] =	vst v63  }
0x456: {  	s28 =	sadd.s32 $0x20, s16;
	s29 =	simm.s32 $0x16050  }
0x457: {  	[hbm4b:s28+s3] =	stream.linear.scatter [tilespmem:s29], [sflag:$0x8], $0x80, $0x38;
	[tilespmem:$0x16C00] =	vst v63  }
0x458: {  	s28 =	sadd.s32 $0x30, s16;
	s29 =	simm.s32 $0x160D8  }
0x459: {  	[hbm4b:s28+s3] =	stream.linear.scatter [tilespmem:s29], [sflag:$0x8], $0x80, $0x38;
	[tilespmem:$0x16C00] =	vst v63  }
0x45a: {  	s28 =	sadd.s32 $0x40, s16;
	s29 =	simm.s32 $0x16160  }
0x45b: {  	[hbm4b:s28+s3] =	stream.linear.scatter [tilespmem:s29], [sflag:$0x8], $0x80, $0x38;
	[tilespmem:$0x16C00] =	vst v63  }
0x45c: {  	s28 =	sadd.s32 $0x50, s16;
	s29 =	simm.s32 $0x161E8  }
0x45d: {  	[hbm4b:s28+s3] =	stream.linear.scatter [tilespmem:s29], [sflag:$0x8], $0x80, $0x38;
	[tilespmem:$0x16C00] =	vst v63  }
0x45e: {  	s20 =	sadd.s32 $0x60, s16;
	s28 =	simm.s32 $0x16270  }
0x45f: {  	[hbm4b:s20+s3] =	stream.linear.scatter [tilespmem:s28], [sflag:$0x8], $0x80, $0x38;
	[tilespmem:$0x16C00] =	vst v63  }
0x460: {  	s16 =	sadd.s32 $0x70, s16;
	s29 =	simm.s32 $0x162F8  }
0x461: {  	[hbm4b:s16+s3] =	stream.linear.scatter [tilespmem:s29], [sflag:$0x8], $0x80, $0x38;
	[tilespmem:$0x16C00] =	vst v63  }
0x462: {  	s20 =	simm.s32 $0x16380;
	s16 =	sadd.s32 s14, s12  }
0x463: {  	[hbm4b:s16+s3] =	stream.linear.scatter [tilespmem:s20], [sflag:$0x8], $0x80, $0x38;
	[tilespmem:$0x16C00] =	vst v63  }
0x464: {  	s29 =	simm.s32 $0x16408;
	s28 =	sadd.s32 $0x10, s16  }
0x465: {  	[hbm4b:s28+s3] =	stream.linear.scatter [tilespmem:s29], [sflag:$0x8], $0x80, $0x38;
	[tilespmem:$0x16C00] =	vst v63  }
0x466: {  	s28 =	sadd.s32 $0x20, s16;
	s29 =	simm.s32 $0x16490  }
0x467: {  	[hbm4b:s28+s3] =	stream.linear.scatter [tilespmem:s29], [sflag:$0x8], $0x80, $0x38;
	[tilespmem:$0x16C00] =	vst v63  }
0x468: {  	s28 =	sadd.s32 $0x30, s16;
	s29 =	simm.s32 $0x16518  }
0x469: {  	[hbm4b:s28+s3] =	stream.linear.scatter [tilespmem:s29], [sflag:$0x8], $0x80, $0x38;
	[tilespmem:$0x16C00] =	vst v63  }
0x46a: {  	s28 =	sadd.s32 $0x40, s16;
	s29 =	simm.s32 $0x165A0  }
0x46b: {  	[hbm4b:s28+s3] =	stream.linear.scatter [tilespmem:s29], [sflag:$0x8], $0x80, $0x38;
	[tilespmem:$0x16C00] =	vst v63  }
0x46c: {  	s28 =	sadd.s32 $0x50, s16;
	s29 =	simm.s32 $0x16628  }
0x46d: {  	[hbm4b:s28+s3] =	stream.linear.scatter [tilespmem:s29], [sflag:$0x8], $0x80, $0x38;
	[tilespmem:$0x16C00] =	vst v63  }
0x46e: {  	s20 =	sadd.s32 $0x60, s16;
	s28 =	simm.s32 $0x166B0  }
0x46f: {  	[hbm4b:s20+s3] =	stream.linear.scatter [tilespmem:s28], [sflag:$0x8], $0x80, $0x38;
	[tilespmem:$0x16C00] =	vst v63  }
0x470: {  	s16 =	sadd.s32 $0x70, s16;
	s29 =	simm.s32 $0x16738  }
0x471: {  	[hbm4b:s16+s3] =	stream.linear.scatter [tilespmem:s29], [sflag:$0x8], $0x80, $0x38;
	[tilespmem:$0x16C00] =	vst v63  }
0x472: {  	s14 =	sadd.s32 s14, s13;
	s20 =	simm.s32 $0x167C0  }
0x473: {  	[hbm4b:s14+s3] =	stream.linear.scatter [tilespmem:s20], [sflag:$0x8], $0x80, $0x38;
	[tilespmem:$0x16C00] =	vst v63  }
0x474: {  	s28 =	sadd.s32 $0x10, s14;
	s29 =	simm.s32 $0x16848  }
0x475: {  	[hbm4b:s28+s3] =	stream.linear.scatter [tilespmem:s29], [sflag:$0x8], $0x80, $0x38;
	[tilespmem:$0x16C00] =	vst v63  }
0x476: {  	s19 =	sadd.s32 $0x20, s14;
	s20 =	simm.s32 $0x168D0  }
0x477: {  	[hbm4b:s19+s3] =	stream.linear.scatter [tilespmem:s20], [sflag:$0x8], $0x80, $0x38;
	[tilespmem:$0x16C00] =	vst v63  }
0x478: {  	s28 =	sadd.s32 $0x30, s14;
	s29 =	simm.s32 $0x16958  }
0x479: {  	[hbm4b:s28+s3] =	stream.linear.scatter [tilespmem:s29], [sflag:$0x8], $0x80, $0x38;
	[tilespmem:$0x16C00] =	vst v63  }
0x47a: {  	s19 =	sadd.s32 $0x40, s14;
	s20 =	simm.s32 $0x169E0  }
0x47b: {  	[hbm4b:s19+s3] =	stream.linear.scatter [tilespmem:s20], [sflag:$0x8], $0x80, $0x38;
	[tilespmem:$0x16C00] =	vst v63  }
0x47c: {  	s28 =	sadd.s32 $0x50, s14;
	s29 =	simm.s32 $0x16A68  }
0x47d: {  	[hbm4b:s28+s3] =	stream.linear.scatter [tilespmem:s29], [sflag:$0x8], $0x80, $0x38;
	[tilespmem:$0x16C00] =	vst v63  }
.Ltmp6:
0x47e: {  	_ = 	snop;
	(pc) =	sbr.rel @p1 .LBB2_12-.Ltmp6, $4  }
0x47f: {  	s20 =	sadd.s32 $0x60, s14;
	s28 =	simm.s32 $0x16AF0  }
0x480: {  	[hbm4b:s20+s3] =	stream.linear.scatter [tilespmem:s28], [sflag:$0x8], $0x80, $0x38;
	[tilespmem:$0x16C00] =	vst v63  }
0x481: {  	v14 =	vmov v12;
	v10 =	vmov v31;
	s14 =	sadd.s32 $0x70, s14;
	s29 =	simm.s32 $0x16B78  }
0x482: {  	v18 =	vmovc v11;
	v31 =	vmovc v26;
	v54 =	vmov v7;
	v57 =	vmov v23;
	v52 =	vmov v8;
	[hbm4b:s14+s3] =	stream.linear.scatter [tilespmem:s29], [sflag:$0x8], $0x80, $0x38;
	[tilespmem:$0x16C00] =	vst v63  }
0x483: {  	v26 =	vld [tilespmem:$0x1FED0]  }
0x484: {  	v11 =	vld [tilespmem:$0x1FEE0]  }
0x485: {  	v12 =	vld [tilespmem:$0x1FEF0]  }
.Ltmp7:
0x486: {  	v24 =	vld [tilespmem:$0x1FF00];
	(pc) =	sbr.rel .LBB2_2-.Ltmp7, $4  }
0x487: {  	s14 =	sshll.u32 s18, $0x9;
	v32 =	vld [tilespmem:$0x1FF10]  }
0x488: {  	v13 =	vld [tilespmem:$0x1FF20];
	s14 =	sand.u32 $0x3FFFFE00, s14  }
0x489: {  	s16 =	simm.s32 $0xC400;
	s18 =	sadd.s32 $0x1, s18;
	v8 =	vmovc v10;
	v23 =	vmov v52;
	v2 =	vmov v49;
	v4 =	vmov v27;
	v27 =	vld [tilespmem:$0x1FF30];
	s14 =	sadd.s32 $0x380, s14  }
0x48a: {  	v3 =	vmovc v54;
	v10 =	vmovc v56;
	v30 =	vmov v9;
	v29 =	vmov v57;
	v21 =	vmov v51;
	v5 =	vld [tilespmem:$0x1FF40];
	[tilespmem:s16], [sflag:$0x4] =	stream.indirect.gather [hbm4b:s4+s30], $0x40, s14, s30, $0xb8  }
.LBB2_13:
0x48b: {  	_ =	sfence.sel $0x180000  }
0x48c: {  	[bflag:$0x0] =	sbarrier.arrive $0xFFFF  }
0x48d: {  	_ =	strace $0x90000047  }
0x48e: {  	s0 =	stileid.u32;
	[bflag:$0x2] =	sbarrier.arrive $0xFFFF  }
0x48f: {  	p0 =	sne.s32 s0, $0x0;
	s0 =	rddreg [dreg:$0x2]  }
0x490: {  	s0 =	sadd.s32 @!p0 $0x100000, s0  }
0x491: {  	[sflag:s0] =	ssyncadd.tile.s32 @!p0 $0x1;
	_ =	shalt  }
.Lfunc_end2:
_tile_overlayer_lowered:
.L_overlay_start_2:
0x492: {  	(tag) =	ssettag $0x2  }
0x493: {  	s0 =	rddreg [dreg:$0x0];
	s2 =	stileid.u32  }
0x494: {  	s1 =	rddreg [dreg:$0x1];
	p0 =	sne.s32 s2, $0x0  }
0x495: {  	s3 =	rddreg [dreg:$0x2];
	[bflag:$0x3] =	sbarrier.arrive $0xFFFF;
	s2 =	simm.s32 @!p0 $0x1C09  }
0x496: {  	[timem:s3], [sflag:s2] =	dma.local @!p0 [hbm:s0], s1  }
0x497: {  	s0 =	simm.s32 @!p0 $0x9  }
0x498: {  	_ =	swait.ge @!p0 [sflag:s0], s1  }
0x499: {  	s1 =	ssub.s32 @!p0 $0x0, s1;
	[sflag:s0] =	ssyncset.done @!p0 $0x0  }
0x49a: {  	[sflag:s0] =	ssyncadd.s32 @!p0 s1  }
0x49b: {  	[bflag:$0x3] =	sbarrier.arrive $0xFFFF  }
0x49c: {  	_ =	shalt  }

</sc_bundles>
